<compile_context>
chip_gen: v7x
topology: tpu7x:2x2x1
jax: 0.10.2.dev20260603
libtpu: 0.0.44.dev20260713+nightly
codegen_flags: <defaults>
</compile_context>

<pallas_src>
import math
import functools

import jax
import jax.numpy as jnp
from jax import lax
from jax.experimental import pallas as pl
from jax.experimental.pallas import tpu as pltpu
from jax.experimental.pallas import tpu_sc as plsc

BATCH = 4
SEQ_LEN = 2048
EMB = 128
NUM_WORKERS = 32
S_PER_W = SEQ_LEN // NUM_WORKERS
ROWS_PER_W = BATCH * S_PER_W
LANES = 16
KREG = EMB // LANES
SCALE = math.sqrt(EMB)


S_CHUNK = 32
N_SC = S_PER_W // S_CHUNK


def _body(x_hbm, tok_hbm, pos_hbm, out_hbm,
          idx_v, rows_v, pos_v, isem, gsem, osem, psem):
    c = lax.axis_index("c")
    s = lax.axis_index("s")
    wid = s * 2 + c
    s_base = wid * S_PER_W

    idx_copies = [
        pltpu.async_copy(
            x_hbm.at[b, pl.ds(s_base, S_PER_W)],
            idx_v.at[b],
            isem.at[b],
        )
        for b in range(BATCH)
    ]
    gathers = {}
    pos_copy = None

    def fire_gather(b, sc):
        off = b * S_PER_W + sc * S_CHUNK
        gathers[(b, sc)] = pltpu.async_copy(
            tok_hbm.at[idx_v.at[b, pl.ds(sc * S_CHUNK, S_CHUNK)]],
            rows_v.at[pl.ds(off, S_CHUNK)],
            gsem.at[b, sc],
        )

    for pair in range(BATCH // 2):
        b0 = pair * 2
        idx_copies[b0].wait()
        fire_gather(b0, 0)
        idx_copies[b0 + 1].wait()
        fire_gather(b0 + 1, 0)
        if pair == 0:
            pos_copy = pltpu.async_copy(
                pos_hbm.at[pl.ds(s_base, S_PER_W)], pos_v, psem
            )
        for sc in range(1, N_SC):
            fire_gather(b0, sc)
            fire_gather(b0 + 1, sc)
    pos_copy.wait()

    out_copies = []
    for pair in range(BATCH // 2):
        b0 = pair * 2
        for sc in range(N_SC):
            gathers[(b0, sc)].wait()
            gathers[(b0 + 1, sc)].wait()

            def srow(i, carry):
                p = [pos_v[i, pl.ds(k * LANES, LANES)] for k in range(KREG)]
                for b in (b0, b0 + 1):
                    r = b * S_PER_W + i
                    for k in range(KREG):
                        sl = pl.ds(k * LANES, LANES)
                        rows_v[r, sl] = (rows_v[r, sl] + p[k]) * SCALE
                return carry

            lax.fori_loop(sc * S_CHUNK, (sc + 1) * S_CHUNK, srow, 0)

            for b in (b0, b0 + 1):
                out_copies.append(
                    pltpu.async_copy(
                        rows_v.at[pl.ds(b * S_PER_W + sc * S_CHUNK, S_CHUNK)],
                        out_hbm.at[b, pl.ds(s_base + sc * S_CHUNK, S_CHUNK)],
                        osem.at[b, sc],
                    )
                )
    for cp in out_copies:
        cp.wait()


def kernel(x_bs, tok_weight, pos_weight):
    mesh = plsc.VectorSubcoreMesh(core_axis_name="c", subcore_axis_name="s")
    run = functools.partial(
        pl.kernel,
        mesh=mesh,
        out_type=jax.ShapeDtypeStruct((BATCH, SEQ_LEN, EMB), jnp.float32),
        scratch_types=[
            pltpu.VMEM((BATCH, S_PER_W), jnp.int32),
            pltpu.VMEM((ROWS_PER_W, EMB), jnp.float32),
            pltpu.VMEM((S_PER_W, EMB), jnp.float32),
            pltpu.SemaphoreType.DMA((BATCH,)),
            pltpu.SemaphoreType.DMA((BATCH, N_SC)),
            pltpu.SemaphoreType.DMA((BATCH, N_SC)),
            pltpu.SemaphoreType.DMA,
        ],
    )(_body)

    return run(x_bs, tok_weight, pos_weight)

# --- scband reference (transcript-rebuilt; emitter-appended) ---
"""Pipeline reference for scband-input-embedding-31842887533211 (READ-ONLY COPY).

The authoritative reference and input builder live on the scoring server;
editing this copy changes nothing except your own understanding.
"""

import jax, jax.numpy as jnp
import numpy as np
import math

VOCAB = 100000
SEQ_LEN = 2048
EMB = 128
BATCH = 4

def setup_inputs(seed: int = 0) -> dict:
    key = jax.random.key(seed)
    k1, k2, k3 = jax.random.split(key, 3)
    x_bs = jax.random.randint(k1, (BATCH, SEQ_LEN), 0, VOCAB, dtype=jnp.int64 if jax.config.jax_enable_x64 else jnp.int32).astype(jnp.int32)
    std = 1.0 / math.sqrt(EMB)
    tok_weight = jax.random.normal(k2, (VOCAB, EMB), dtype=jnp.float32) * std
    pos_weight = jax.random.normal(k3, (SEQ_LEN, EMB), dtype=jnp.float32) * std
    return {"x_bs": x_bs, "tok_weight": tok_weight, "pos_weight": pos_weight}

def reference(x_bs, tok_weight, pos_weight):
    scale = math.sqrt(EMB)
    x_bsd_tok = jnp.take(tok_weight, x_bs, axis=0)          # [B, S, D] gather
    pos_idx = jnp.arange(SEQ_LEN, dtype=jnp.int32)
    x_sd_pos = jnp.take(pos_weight, pos_idx, axis=0)        # [S, D]
    x_bsd = x_bsd_tok + x_sd_pos[None, :, :]
    y_bsd = scale * x_bsd
    return y_bsd

if __name__ == "__main__":
    import jax
    _d = setup_inputs()
    print(jax.jit(kernel)(*tuple(_d.values())))

</pallas_src>

<mosaic_0001>
#map = affine_map<(d0, d1) -> (0, 0)>
#map1 = affine_map<(d0, d1) -> (0, 0, 0)>
module attributes {stable_mosaic.version = 14 : i64} {
  func.func @_body(%arg0: i32, %arg1: i32, %arg2: memref<4x2048xi32, #tpu.memory_space<hbm>>, %arg3: memref<100000x128xf32, #tpu.memory_space<hbm>>, %arg4: memref<2048x128xf32, #tpu.memory_space<hbm>>, %arg5: memref<4x2048x128xf32, #tpu.memory_space<hbm>>, %arg6: memref<4x64xi32, #tpu.memory_space<vmem>>, %arg7: memref<256x128xf32, #tpu.memory_space<vmem>>, %arg8: memref<64x128xf32, #tpu.memory_space<vmem>>, %arg9: memref<4x!tpu.dma_semaphore, #tpu.memory_space<semaphore_mem>>, %arg10: memref<4x2x!tpu.dma_semaphore, #tpu.memory_space<semaphore_mem>>, %arg11: memref<4x2x!tpu.dma_semaphore, #tpu.memory_space<semaphore_mem>>, %arg12: memref<!tpu.dma_semaphore, #tpu.memory_space<semaphore_mem>>) attributes {dimension_semantics = [#tpu.dimension_semantics<core_parallel>, #tpu.dimension_semantics<subcore_parallel>], iteration_bounds = array<i64: 2, 16>, scalar_prefetch = 0 : i64, scratch_operands = 7 : i64, tpu.core_type = #tpu.core_type<sc_vector_subcore>, window_params = [{transform_indices = #map}, {transform_indices = #map}, {transform_indices = #map}, {transform_indices = #map1}]} {
    %mul3A = arith.constant 2 : i32
    %mul3A_0 = arith.muli %arg1, %mul3A : i32
    %add3A = arith.addi %mul3A_0, %arg0 : i32
    %mul3A_1 = arith.constant 64 : i32
    %mul3A_2 = arith.muli %add3A, %mul3A_1 : i32
    %dma_start3A = arith.constant 0 : i32
    %dma_start3A_3 = arith.constant 0 : i32
    %dma_start3A_4 = arith.constant 0 : i32
    %dma_start3A_5 = arith.constant 0 : i32
    %dma_start3A_6 = tpu.memref_slice %arg6[%dma_start3A_3, %dma_start3A_5] : memref<4x64xi32, #tpu.memory_space<vmem>> -> memref<1x64xi32, #tpu.memory_space<vmem>>
    %dma_start3A_7 = tpu.memref_squeeze %dma_start3A_6 : memref<1x64xi32, #tpu.memory_space<vmem>> -> memref<64xi32, #tpu.memory_space<vmem>>
    %dma_start3A_8 = tpu.memref_slice %arg2[%dma_start3A, %mul3A_2] : memref<4x2048xi32, #tpu.memory_space<hbm>> -> memref<1x64xi32, #tpu.memory_space<hbm>>
    %dma_start3A_9 = tpu.memref_squeeze %dma_start3A_8 : memref<1x64xi32, #tpu.memory_space<hbm>> -> memref<64xi32, #tpu.memory_space<hbm>>
    %dma_start3A_10 = tpu.memref_slice %arg9[%dma_start3A_4] : memref<4x!tpu.dma_semaphore, #tpu.memory_space<semaphore_mem>> -> memref<1x!tpu.dma_semaphore, #tpu.memory_space<semaphore_mem>>
    %dma_start3A_11 = tpu.memref_squeeze %dma_start3A_10 : memref<1x!tpu.dma_semaphore, #tpu.memory_space<semaphore_mem>> -> memref<!tpu.dma_semaphore, #tpu.memory_space<semaphore_mem>>
    %dma_start3A_12 = arith.constant 0 : i32
    %dma_start3A_13 = tpu.memref_slice %arg6[%dma_start3A_3, %dma_start3A_12] : memref<4x64xi32, #tpu.memory_space<vmem>> -> memref<1x64xi32, #tpu.memory_space<vmem>>
    %dma_start3A_14 = tpu.memref_squeeze %dma_start3A_13 : memref<1x64xi32, #tpu.memory_space<vmem>> -> memref<64xi32, #tpu.memory_space<vmem>>
    %dma_start3A_15 = tpu.memref_slice %arg2[%dma_start3A, %mul3A_2] : memref<4x2048xi32, #tpu.memory_space<hbm>> -> memref<1x64xi32, #tpu.memory_space<hbm>>
    %dma_start3A_16 = tpu.memref_squeeze %dma_start3A_15 : memref<1x64xi32, #tpu.memory_space<hbm>> -> memref<64xi32, #tpu.memory_space<hbm>>
    tpu.enqueue_dma source(%dma_start3A_16 : memref<64xi32, #tpu.memory_space<hbm>>) target(%dma_start3A_14 : memref<64xi32, #tpu.memory_space<vmem>>) target_semaphore(%dma_start3A_11 : memref<!tpu.dma_semaphore, #tpu.memory_space<semaphore_mem>>)
    %dma_start3A_17 = arith.constant 1 : i32
    %dma_start3A_18 = arith.constant 1 : i32
    %dma_start3A_19 = arith.constant 1 : i32
    %dma_start3A_20 = arith.constant 0 : i32
    %dma_start3A_21 = tpu.memref_slice %arg6[%dma_start3A_18, %dma_start3A_20] : memref<4x64xi32, #tpu.memory_space<vmem>> -> memref<1x64xi32, #tpu.memory_space<vmem>>
    %dma_start3A_22 = tpu.memref_squeeze %dma_start3A_21 : memref<1x64xi32, #tpu.memory_space<vmem>> -> memref<64xi32, #tpu.memory_space<vmem>>
    %dma_start3A_23 = tpu.memref_slice %arg2[%dma_start3A_17, %mul3A_2] : memref<4x2048xi32, #tpu.memory_space<hbm>> -> memref<1x64xi32, #tpu.memory_space<hbm>>
    %dma_start3A_24 = tpu.memref_squeeze %dma_start3A_23 : memref<1x64xi32, #tpu.memory_space<hbm>> -> memref<64xi32, #tpu.memory_space<hbm>>
    %dma_start3A_25 = tpu.memref_slice %arg9[%dma_start3A_19] : memref<4x!tpu.dma_semaphore, #tpu.memory_space<semaphore_mem>> -> memref<1x!tpu.dma_semaphore, #tpu.memory_space<semaphore_mem>>
    %dma_start3A_26 = tpu.memref_squeeze %dma_start3A_25 : memref<1x!tpu.dma_semaphore, #tpu.memory_space<semaphore_mem>> -> memref<!tpu.dma_semaphore, #tpu.memory_space<semaphore_mem>>
    %dma_start3A_27 = arith.constant 0 : i32
    %dma_start3A_28 = tpu.memref_slice %arg6[%dma_start3A_18, %dma_start3A_27] : memref<4x64xi32, #tpu.memory_space<vmem>> -> memref<1x64xi32, #tpu.memory_space<vmem>>
    %dma_start3A_29 = tpu.memref_squeeze %dma_start3A_28 : memref<1x64xi32, #tpu.memory_space<vmem>> -> memref<64xi32, #tpu.memory_space<vmem>>
    %dma_start3A_30 = tpu.memref_slice %arg2[%dma_start3A_17, %mul3A_2] : memref<4x2048xi32, #tpu.memory_space<hbm>> -> memref<1x64xi32, #tpu.memory_space<hbm>>
    %dma_start3A_31 = tpu.memref_squeeze %dma_start3A_30 : memref<1x64xi32, #tpu.memory_space<hbm>> -> memref<64xi32, #tpu.memory_space<hbm>>
    tpu.enqueue_dma source(%dma_start3A_31 : memref<64xi32, #tpu.memory_space<hbm>>) target(%dma_start3A_29 : memref<64xi32, #tpu.memory_space<vmem>>) target_semaphore(%dma_start3A_26 : memref<!tpu.dma_semaphore, #tpu.memory_space<semaphore_mem>>)
    %dma_start3A_32 = arith.constant 2 : i32
    %dma_start3A_33 = arith.constant 2 : i32
    %dma_start3A_34 = arith.constant 2 : i32
    %dma_start3A_35 = arith.constant 0 : i32
    %dma_start3A_36 = tpu.memref_slice %arg6[%dma_start3A_33, %dma_start3A_35] : memref<4x64xi32, #tpu.memory_space<vmem>> -> memref<1x64xi32, #tpu.memory_space<vmem>>
    %dma_start3A_37 = tpu.memref_squeeze %dma_start3A_36 : memref<1x64xi32, #tpu.memory_space<vmem>> -> memref<64xi32, #tpu.memory_space<vmem>>
    %dma_start3A_38 = tpu.memref_slice %arg2[%dma_start3A_32, %mul3A_2] : memref<4x2048xi32, #tpu.memory_space<hbm>> -> memref<1x64xi32, #tpu.memory_space<hbm>>
    %dma_start3A_39 = tpu.memref_squeeze %dma_start3A_38 : memref<1x64xi32, #tpu.memory_space<hbm>> -> memref<64xi32, #tpu.memory_space<hbm>>
    %dma_start3A_40 = tpu.memref_slice %arg9[%dma_start3A_34] : memref<4x!tpu.dma_semaphore, #tpu.memory_space<semaphore_mem>> -> memref<1x!tpu.dma_semaphore, #tpu.memory_space<semaphore_mem>>
    %dma_start3A_41 = tpu.memref_squeeze %dma_start3A_40 : memref<1x!tpu.dma_semaphore, #tpu.memory_space<semaphore_mem>> -> memref<!tpu.dma_semaphore, #tpu.memory_space<semaphore_mem>>
    %dma_start3A_42 = arith.constant 0 : i32
    %dma_start3A_43 = tpu.memref_slice %arg6[%dma_start3A_33, %dma_start3A_42] : memref<4x64xi32, #tpu.memory_space<vmem>> -> memref<1x64xi32, #tpu.memory_space<vmem>>
    %dma_start3A_44 = tpu.memref_squeeze %dma_start3A_43 : memref<1x64xi32, #tpu.memory_space<vmem>> -> memref<64xi32, #tpu.memory_space<vmem>>
    %dma_start3A_45 = tpu.memref_slice %arg2[%dma_start3A_32, %mul3A_2] : memref<4x2048xi32, #tpu.memory_space<hbm>> -> memref<1x64xi32, #tpu.memory_space<hbm>>
    %dma_start3A_46 = tpu.memref_squeeze %dma_start3A_45 : memref<1x64xi32, #tpu.memory_space<hbm>> -> memref<64xi32, #tpu.memory_space<hbm>>
    tpu.enqueue_dma source(%dma_start3A_46 : memref<64xi32, #tpu.memory_space<hbm>>) target(%dma_start3A_44 : memref<64xi32, #tpu.memory_space<vmem>>) target_semaphore(%dma_start3A_41 : memref<!tpu.dma_semaphore, #tpu.memory_space<semaphore_mem>>)
    %dma_start3A_47 = arith.constant 3 : i32
    %dma_start3A_48 = arith.constant 3 : i32
    %dma_start3A_49 = arith.constant 3 : i32
    %dma_start3A_50 = arith.constant 0 : i32
    %dma_start3A_51 = tpu.memref_slice %arg6[%dma_start3A_48, %dma_start3A_50] : memref<4x64xi32, #tpu.memory_space<vmem>> -> memref<1x64xi32, #tpu.memory_space<vmem>>
    %dma_start3A_52 = tpu.memref_squeeze %dma_start3A_51 : memref<1x64xi32, #tpu.memory_space<vmem>> -> memref<64xi32, #tpu.memory_space<vmem>>
    %dma_start3A_53 = tpu.memref_slice %arg2[%dma_start3A_47, %mul3A_2] : memref<4x2048xi32, #tpu.memory_space<hbm>> -> memref<1x64xi32, #tpu.memory_space<hbm>>
    %dma_start3A_54 = tpu.memref_squeeze %dma_start3A_53 : memref<1x64xi32, #tpu.memory_space<hbm>> -> memref<64xi32, #tpu.memory_space<hbm>>
    %dma_start3A_55 = tpu.memref_slice %arg9[%dma_start3A_49] : memref<4x!tpu.dma_semaphore, #tpu.memory_space<semaphore_mem>> -> memref<1x!tpu.dma_semaphore, #tpu.memory_space<semaphore_mem>>
    %dma_start3A_56 = tpu.memref_squeeze %dma_start3A_55 : memref<1x!tpu.dma_semaphore, #tpu.memory_space<semaphore_mem>> -> memref<!tpu.dma_semaphore, #tpu.memory_space<semaphore_mem>>
    %dma_start3A_57 = arith.constant 0 : i32
    %dma_start3A_58 = tpu.memref_slice %arg6[%dma_start3A_48, %dma_start3A_57] : memref<4x64xi32, #tpu.memory_space<vmem>> -> memref<1x64xi32, #tpu.memory_space<vmem>>
    %dma_start3A_59 = tpu.memref_squeeze %dma_start3A_58 : memref<1x64xi32, #tpu.memory_space<vmem>> -> memref<64xi32, #tpu.memory_space<vmem>>
    %dma_start3A_60 = tpu.memref_slice %arg2[%dma_start3A_47, %mul3A_2] : memref<4x2048xi32, #tpu.memory_space<hbm>> -> memref<1x64xi32, #tpu.memory_space<hbm>>
    %dma_start3A_61 = tpu.memref_squeeze %dma_start3A_60 : memref<1x64xi32, #tpu.memory_space<hbm>> -> memref<64xi32, #tpu.memory_space<hbm>>
    tpu.enqueue_dma source(%dma_start3A_61 : memref<64xi32, #tpu.memory_space<hbm>>) target(%dma_start3A_59 : memref<64xi32, #tpu.memory_space<vmem>>) target_semaphore(%dma_start3A_56 : memref<!tpu.dma_semaphore, #tpu.memory_space<semaphore_mem>>)
    %dma_wait3A = arith.constant 0 : i32
    %dma_wait3A_62 = arith.constant 0 : i32
    %dma_wait3A_63 = arith.constant 0 : i32
    %dma_wait3A_64 = arith.constant 0 : i32
    %dma_wait3A_65 = tpu.memref_slice %arg6[%dma_wait3A_62, %dma_wait3A_64] : memref<4x64xi32, #tpu.memory_space<vmem>> -> memref<1x64xi32, #tpu.memory_space<vmem>>
    %dma_wait3A_66 = tpu.memref_squeeze %dma_wait3A_65 : memref<1x64xi32, #tpu.memory_space<vmem>> -> memref<64xi32, #tpu.memory_space<vmem>>
    %dma_wait3A_67 = tpu.memref_slice %arg2[%dma_wait3A, %mul3A_2] : memref<4x2048xi32, #tpu.memory_space<hbm>> -> memref<1x64xi32, #tpu.memory_space<hbm>>
    %dma_wait3A_68 = tpu.memref_squeeze %dma_wait3A_67 : memref<1x64xi32, #tpu.memory_space<hbm>> -> memref<64xi32, #tpu.memory_space<hbm>>
    %dma_wait3A_69 = tpu.memref_slice %arg9[%dma_wait3A_63] : memref<4x!tpu.dma_semaphore, #tpu.memory_space<semaphore_mem>> -> memref<1x!tpu.dma_semaphore, #tpu.memory_space<semaphore_mem>>
    %dma_wait3A_70 = tpu.memref_squeeze %dma_wait3A_69 : memref<1x!tpu.dma_semaphore, #tpu.memory_space<semaphore_mem>> -> memref<!tpu.dma_semaphore, #tpu.memory_space<semaphore_mem>>
    %dma_wait3A_71 = arith.constant 0 : i32
    %dma_wait3A_72 = tpu.memref_slice %arg6[%dma_wait3A_62, %dma_wait3A_71] : memref<4x64xi32, #tpu.memory_space<vmem>> -> memref<1x64xi32, #tpu.memory_space<vmem>>
    %dma_wait3A_73 = tpu.memref_squeeze %dma_wait3A_72 : memref<1x64xi32, #tpu.memory_space<vmem>> -> memref<64xi32, #tpu.memory_space<vmem>>
    %dma_wait3A_74 = tpu.memref_slice %arg2[%dma_wait3A, %mul3A_2] : memref<4x2048xi32, #tpu.memory_space<hbm>> -> memref<1x64xi32, #tpu.memory_space<hbm>>
    %dma_wait3A_75 = tpu.memref_squeeze %dma_wait3A_74 : memref<1x64xi32, #tpu.memory_space<hbm>> -> memref<64xi32, #tpu.memory_space<hbm>>
    tpu.wait_dma2 semaphore(%dma_wait3A_70 : memref<!tpu.dma_semaphore, #tpu.memory_space<semaphore_mem>>) src(%dma_wait3A_75 : memref<64xi32, #tpu.memory_space<hbm>>) dst(%dma_wait3A_73 : memref<64xi32, #tpu.memory_space<vmem>>)
    %dma_start3A_76 = arith.constant 0 : i32
    %dma_start3A_77 = arith.constant 0 : i32
    %dma_start3A_78 = arith.constant 0 : i32
    %dma_start3A_79 = arith.constant 0 : i32
    %dma_start3A_80 = arith.constant 0 : i32
    %dma_start3A_81 = tpu.memref_slice %arg7[%dma_start3A_79, %dma_start3A_80] : memref<256x128xf32, #tpu.memory_space<vmem>> -> memref<32x128xf32, #tpu.memory_space<vmem>>
    %dma_start3A_82 = arith.constant 0 : i32
    %dma_start3A_83 = tpu.memref_slice %arg6[%dma_start3A_76, %dma_start3A_82] : memref<4x64xi32, #tpu.memory_space<vmem>> -> memref<1x32xi32, #tpu.memory_space<vmem>>
    %dma_start3A_84 = tpu.memref_squeeze %dma_start3A_83 : memref<1x32xi32, #tpu.memory_space<vmem>> -> memref<32xi32, #tpu.memory_space<vmem>>
    %dma_start3A_85 = arith.constant 0 : i32
    %dma_start3A_86 = arith.constant 0 : i32
    %dma_start3A_87 = tpu.memref_slice %arg3[%dma_start3A_85, %dma_start3A_86] : memref<100000x128xf32, #tpu.memory_space<hbm>> -> memref<100000x128xf32, #tpu.memory_space<hbm>>
    %dma_start3A_88 = tpu.memref_slice %arg10[%dma_start3A_77, %dma_start3A_78] : memref<4x2x!tpu.dma_semaphore, #tpu.memory_space<semaphore_mem>> -> memref<1x1x!tpu.dma_semaphore, #tpu.memory_space<semaphore_mem>>
    %dma_start3A_89 = tpu.memref_squeeze %dma_start3A_88 : memref<1x1x!tpu.dma_semaphore, #tpu.memory_space<semaphore_mem>> -> memref<!tpu.dma_semaphore, #tpu.memory_space<semaphore_mem>>
    tpu.enqueue_indirect_dma source(%dma_start3A_87 : memref<100000x128xf32, #tpu.memory_space<hbm>>) target(%dma_start3A_81 : memref<32x128xf32, #tpu.memory_space<vmem>>) offsets(%dma_start3A_84 : memref<32xi32, #tpu.memory_space<vmem>>) semaphore(%dma_start3A_89 : memref<!tpu.dma_semaphore, #tpu.memory_space<semaphore_mem>>)
    %dma_wait3A_90 = arith.constant 1 : i32
    %dma_wait3A_91 = arith.constant 1 : i32
    %dma_wait3A_92 = arith.constant 1 : i32
    %dma_wait3A_93 = arith.constant 0 : i32
    %dma_wait3A_94 = tpu.memref_slice %arg6[%dma_wait3A_91, %dma_wait3A_93] : memref<4x64xi32, #tpu.memory_space<vmem>> -> memref<1x64xi32, #tpu.memory_space<vmem>>
    %dma_wait3A_95 = tpu.memref_squeeze %dma_wait3A_94 : memref<1x64xi32, #tpu.memory_space<vmem>> -> memref<64xi32, #tpu.memory_space<vmem>>
    %dma_wait3A_96 = tpu.memref_slice %arg2[%dma_wait3A_90, %mul3A_2] : memref<4x2048xi32, #tpu.memory_space<hbm>> -> memref<1x64xi32, #tpu.memory_space<hbm>>
    %dma_wait3A_97 = tpu.memref_squeeze %dma_wait3A_96 : memref<1x64xi32, #tpu.memory_space<hbm>> -> memref<64xi32, #tpu.memory_space<hbm>>
    %dma_wait3A_98 = tpu.memref_slice %arg9[%dma_wait3A_92] : memref<4x!tpu.dma_semaphore, #tpu.memory_space<semaphore_mem>> -> memref<1x!tpu.dma_semaphore, #tpu.memory_space<semaphore_mem>>
    %dma_wait3A_99 = tpu.memref_squeeze %dma_wait3A_98 : memref<1x!tpu.dma_semaphore, #tpu.memory_space<semaphore_mem>> -> memref<!tpu.dma_semaphore, #tpu.memory_space<semaphore_mem>>
    %dma_wait3A_100 = arith.constant 0 : i32
    %dma_wait3A_101 = tpu.memref_slice %arg6[%dma_wait3A_91, %dma_wait3A_100] : memref<4x64xi32, #tpu.memory_space<vmem>> -> memref<1x64xi32, #tpu.memory_space<vmem>>
    %dma_wait3A_102 = tpu.memref_squeeze %dma_wait3A_101 : memref<1x64xi32, #tpu.memory_space<vmem>> -> memref<64xi32, #tpu.memory_space<vmem>>
    %dma_wait3A_103 = tpu.memref_slice %arg2[%dma_wait3A_90, %mul3A_2] : memref<4x2048xi32, #tpu.memory_space<hbm>> -> memref<1x64xi32, #tpu.memory_space<hbm>>
    %dma_wait3A_104 = tpu.memref_squeeze %dma_wait3A_103 : memref<1x64xi32, #tpu.memory_space<hbm>> -> memref<64xi32, #tpu.memory_space<hbm>>
    tpu.wait_dma2 semaphore(%dma_wait3A_99 : memref<!tpu.dma_semaphore, #tpu.memory_space<semaphore_mem>>) src(%dma_wait3A_104 : memref<64xi32, #tpu.memory_space<hbm>>) dst(%dma_wait3A_102 : memref<64xi32, #tpu.memory_space<vmem>>)
    %dma_start3A_105 = arith.constant 1 : i32
    %dma_start3A_106 = arith.constant 1 : i32
    %dma_start3A_107 = arith.constant 0 : i32
    %dma_start3A_108 = arith.constant 64 : i32
    %dma_start3A_109 = arith.constant 0 : i32
    %dma_start3A_110 = tpu.memref_slice %arg7[%dma_start3A_108, %dma_start3A_109] : memref<256x128xf32, #tpu.memory_space<vmem>> -> memref<32x128xf32, #tpu.memory_space<vmem>>
    %dma_start3A_111 = arith.constant 0 : i32
    %dma_start3A_112 = tpu.memref_slice %arg6[%dma_start3A_105, %dma_start3A_111] : memref<4x64xi32, #tpu.memory_space<vmem>> -> memref<1x32xi32, #tpu.memory_space<vmem>>
    %dma_start3A_113 = tpu.memref_squeeze %dma_start3A_112 : memref<1x32xi32, #tpu.memory_space<vmem>> -> memref<32xi32, #tpu.memory_space<vmem>>
    %dma_start3A_114 = arith.constant 0 : i32
    %dma_start3A_115 = arith.constant 0 : i32
    %dma_start3A_116 = tpu.memref_slice %arg3[%dma_start3A_114, %dma_start3A_115] : memref<100000x128xf32, #tpu.memory_space<hbm>> -> memref<100000x128xf32, #tpu.memory_space<hbm>>
    %dma_start3A_117 = tpu.memref_slice %arg10[%dma_start3A_106, %dma_start3A_107] : memref<4x2x!tpu.dma_semaphore, #tpu.memory_space<semaphore_mem>> -> memref<1x1x!tpu.dma_semaphore, #tpu.memory_space<semaphore_mem>>
    %dma_start3A_118 = tpu.memref_squeeze %dma_start3A_117 : memref<1x1x!tpu.dma_semaphore, #tpu.memory_space<semaphore_mem>> -> memref<!tpu.dma_semaphore, #tpu.memory_space<semaphore_mem>>
    tpu.enqueue_indirect_dma source(%dma_start3A_116 : memref<100000x128xf32, #tpu.memory_space<hbm>>) target(%dma_start3A_110 : memref<32x128xf32, #tpu.memory_space<vmem>>) offsets(%dma_start3A_113 : memref<32xi32, #tpu.memory_space<vmem>>) semaphore(%dma_start3A_118 : memref<!tpu.dma_semaphore, #tpu.memory_space<semaphore_mem>>)
    %dma_start3A_119 = arith.constant 0 : i32
    %dma_start3A_120 = tpu.memref_slice %arg4[%mul3A_2, %dma_start3A_119] : memref<2048x128xf32, #tpu.memory_space<hbm>> -> memref<64x128xf32, #tpu.memory_space<hbm>>
    %dma_start3A_121 = arith.constant 0 : i32
    %dma_start3A_122 = tpu.memref_slice %arg4[%mul3A_2, %dma_start3A_121] : memref<2048x128xf32, #tpu.memory_space<hbm>> -> memref<64x128xf32, #tpu.memory_space<hbm>>
    tpu.enqueue_dma source(%dma_start3A_122 : memref<64x128xf32, #tpu.memory_space<hbm>>) target(%arg8 : memref<64x128xf32, #tpu.memory_space<vmem>>) target_semaphore(%arg12 : memref<!tpu.dma_semaphore, #tpu.memory_space<semaphore_mem>>)
    %dma_start3A_123 = arith.constant 0 : i32
    %dma_start3A_124 = arith.constant 0 : i32
    %dma_start3A_125 = arith.constant 1 : i32
    %dma_start3A_126 = arith.constant 32 : i32
    %dma_start3A_127 = arith.constant 0 : i32
    %dma_start3A_128 = tpu.memref_slice %arg7[%dma_start3A_126, %dma_start3A_127] : memref<256x128xf32, #tpu.memory_space<vmem>> -> memref<32x128xf32, #tpu.memory_space<vmem>>
    %dma_start3A_129 = arith.constant 32 : i32
    %dma_start3A_130 = tpu.memref_slice %arg6[%dma_start3A_123, %dma_start3A_129] : memref<4x64xi32, #tpu.memory_space<vmem>> -> memref<1x32xi32, #tpu.memory_space<vmem>>
    %dma_start3A_131 = tpu.memref_squeeze %dma_start3A_130 : memref<1x32xi32, #tpu.memory_space<vmem>> -> memref<32xi32, #tpu.memory_space<vmem>>
    %dma_start3A_132 = arith.constant 0 : i32
    %dma_start3A_133 = arith.constant 0 : i32
    %dma_start3A_134 = tpu.memref_slice %arg3[%dma_start3A_132, %dma_start3A_133] : memref<100000x128xf32, #tpu.memory_space<hbm>> -> memref<100000x128xf32, #tpu.memory_space<hbm>>
    %dma_start3A_135 = tpu.memref_slice %arg10[%dma_start3A_124, %dma_start3A_125] : memref<4x2x!tpu.dma_semaphore, #tpu.memory_space<semaphore_mem>> -> memref<1x1x!tpu.dma_semaphore, #tpu.memory_space<semaphore_mem>>
    %dma_start3A_136 = tpu.memref_squeeze %dma_start3A_135 : memref<1x1x!tpu.dma_semaphore, #tpu.memory_space<semaphore_mem>> -> memref<!tpu.dma_semaphore, #tpu.memory_space<semaphore_mem>>
    tpu.enqueue_indirect_dma source(%dma_start3A_134 : memref<100000x128xf32, #tpu.memory_space<hbm>>) target(%dma_start3A_128 : memref<32x128xf32, #tpu.memory_space<vmem>>) offsets(%dma_start3A_131 : memref<32xi32, #tpu.memory_space<vmem>>) semaphore(%dma_start3A_136 : memref<!tpu.dma_semaphore, #tpu.memory_space<semaphore_mem>>)
    %dma_start3A_137 = arith.constant 1 : i32
    %dma_start3A_138 = arith.constant 1 : i32
    %dma_start3A_139 = arith.constant 1 : i32
    %dma_start3A_140 = arith.constant 96 : i32
    %dma_start3A_141 = arith.constant 0 : i32
    %dma_start3A_142 = tpu.memref_slice %arg7[%dma_start3A_140, %dma_start3A_141] : memref<256x128xf32, #tpu.memory_space<vmem>> -> memref<32x128xf32, #tpu.memory_space<vmem>>
    %dma_start3A_143 = arith.constant 32 : i32
    %dma_start3A_144 = tpu.memref_slice %arg6[%dma_start3A_137, %dma_start3A_143] : memref<4x64xi32, #tpu.memory_space<vmem>> -> memref<1x32xi32, #tpu.memory_space<vmem>>
    %dma_start3A_145 = tpu.memref_squeeze %dma_start3A_144 : memref<1x32xi32, #tpu.memory_space<vmem>> -> memref<32xi32, #tpu.memory_space<vmem>>
    %dma_start3A_146 = arith.constant 0 : i32
    %dma_start3A_147 = arith.constant 0 : i32
    %dma_start3A_148 = tpu.memref_slice %arg3[%dma_start3A_146, %dma_start3A_147] : memref<100000x128xf32, #tpu.memory_space<hbm>> -> memref<100000x128xf32, #tpu.memory_space<hbm>>
    %dma_start3A_149 = tpu.memref_slice %arg10[%dma_start3A_138, %dma_start3A_139] : memref<4x2x!tpu.dma_semaphore, #tpu.memory_space<semaphore_mem>> -> memref<1x1x!tpu.dma_semaphore, #tpu.memory_space<semaphore_mem>>
    %dma_start3A_150 = tpu.memref_squeeze %dma_start3A_149 : memref<1x1x!tpu.dma_semaphore, #tpu.memory_space<semaphore_mem>> -> memref<!tpu.dma_semaphore, #tpu.memory_space<semaphore_mem>>
    tpu.enqueue_indirect_dma source(%dma_start3A_148 : memref<100000x128xf32, #tpu.memory_space<hbm>>) target(%dma_start3A_142 : memref<32x128xf32, #tpu.memory_space<vmem>>) offsets(%dma_start3A_145 : memref<32xi32, #tpu.memory_space<vmem>>) semaphore(%dma_start3A_150 : memref<!tpu.dma_semaphore, #tpu.memory_space<semaphore_mem>>)
    %dma_wait3A_151 = arith.constant 2 : i32
    %dma_wait3A_152 = arith.constant 2 : i32
    %dma_wait3A_153 = arith.constant 2 : i32
    %dma_wait3A_154 = arith.constant 0 : i32
    %dma_wait3A_155 = tpu.memref_slice %arg6[%dma_wait3A_152, %dma_wait3A_154] : memref<4x64xi32, #tpu.memory_space<vmem>> -> memref<1x64xi32, #tpu.memory_space<vmem>>
    %dma_wait3A_156 = tpu.memref_squeeze %dma_wait3A_155 : memref<1x64xi32, #tpu.memory_space<vmem>> -> memref<64xi32, #tpu.memory_space<vmem>>
    %dma_wait3A_157 = tpu.memref_slice %arg2[%dma_wait3A_151, %mul3A_2] : memref<4x2048xi32, #tpu.memory_space<hbm>> -> memref<1x64xi32, #tpu.memory_space<hbm>>
    %dma_wait3A_158 = tpu.memref_squeeze %dma_wait3A_157 : memref<1x64xi32, #tpu.memory_space<hbm>> -> memref<64xi32, #tpu.memory_space<hbm>>
    %dma_wait3A_159 = tpu.memref_slice %arg9[%dma_wait3A_153] : memref<4x!tpu.dma_semaphore, #tpu.memory_space<semaphore_mem>> -> memref<1x!tpu.dma_semaphore, #tpu.memory_space<semaphore_mem>>
    %dma_wait3A_160 = tpu.memref_squeeze %dma_wait3A_159 : memref<1x!tpu.dma_semaphore, #tpu.memory_space<semaphore_mem>> -> memref<!tpu.dma_semaphore, #tpu.memory_space<semaphore_mem>>
    %dma_wait3A_161 = arith.constant 0 : i32
    %dma_wait3A_162 = tpu.memref_slice %arg6[%dma_wait3A_152, %dma_wait3A_161] : memref<4x64xi32, #tpu.memory_space<vmem>> -> memref<1x64xi32, #tpu.memory_space<vmem>>
    %dma_wait3A_163 = tpu.memref_squeeze %dma_wait3A_162 : memref<1x64xi32, #tpu.memory_space<vmem>> -> memref<64xi32, #tpu.memory_space<vmem>>
    %dma_wait3A_164 = tpu.memref_slice %arg2[%dma_wait3A_151, %mul3A_2] : memref<4x2048xi32, #tpu.memory_space<hbm>> -> memref<1x64xi32, #tpu.memory_space<hbm>>
    %dma_wait3A_165 = tpu.memref_squeeze %dma_wait3A_164 : memref<1x64xi32, #tpu.memory_space<hbm>> -> memref<64xi32, #tpu.memory_space<hbm>>
    tpu.wait_dma2 semaphore(%dma_wait3A_160 : memref<!tpu.dma_semaphore, #tpu.memory_space<semaphore_mem>>) src(%dma_wait3A_165 : memref<64xi32, #tpu.memory_space<hbm>>) dst(%dma_wait3A_163 : memref<64xi32, #tpu.memory_space<vmem>>)
    %dma_start3A_166 = arith.constant 2 : i32
    %dma_start3A_167 = arith.constant 2 : i32
    %dma_start3A_168 = arith.constant 0 : i32
    %dma_start3A_169 = arith.constant 128 : i32
    %dma_start3A_170 = arith.constant 0 : i32
    %dma_start3A_171 = tpu.memref_slice %arg7[%dma_start3A_169, %dma_start3A_170] : memref<256x128xf32, #tpu.memory_space<vmem>> -> memref<32x128xf32, #tpu.memory_space<vmem>>
    %dma_start3A_172 = arith.constant 0 : i32
    %dma_start3A_173 = tpu.memref_slice %arg6[%dma_start3A_166, %dma_start3A_172] : memref<4x64xi32, #tpu.memory_space<vmem>> -> memref<1x32xi32, #tpu.memory_space<vmem>>
    %dma_start3A_174 = tpu.memref_squeeze %dma_start3A_173 : memref<1x32xi32, #tpu.memory_space<vmem>> -> memref<32xi32, #tpu.memory_space<vmem>>
    %dma_start3A_175 = arith.constant 0 : i32
    %dma_start3A_176 = arith.constant 0 : i32
    %dma_start3A_177 = tpu.memref_slice %arg3[%dma_start3A_175, %dma_start3A_176] : memref<100000x128xf32, #tpu.memory_space<hbm>> -> memref<100000x128xf32, #tpu.memory_space<hbm>>
    %dma_start3A_178 = tpu.memref_slice %arg10[%dma_start3A_167, %dma_start3A_168] : memref<4x2x!tpu.dma_semaphore, #tpu.memory_space<semaphore_mem>> -> memref<1x1x!tpu.dma_semaphore, #tpu.memory_space<semaphore_mem>>
    %dma_start3A_179 = tpu.memref_squeeze %dma_start3A_178 : memref<1x1x!tpu.dma_semaphore, #tpu.memory_space<semaphore_mem>> -> memref<!tpu.dma_semaphore, #tpu.memory_space<semaphore_mem>>
    tpu.enqueue_indirect_dma source(%dma_start3A_177 : memref<100000x128xf32, #tpu.memory_space<hbm>>) target(%dma_start3A_171 : memref<32x128xf32, #tpu.memory_space<vmem>>) offsets(%dma_start3A_174 : memref<32xi32, #tpu.memory_space<vmem>>) semaphore(%dma_start3A_179 : memref<!tpu.dma_semaphore, #tpu.memory_space<semaphore_mem>>)
    %dma_wait3A_180 = arith.constant 3 : i32
    %dma_wait3A_181 = arith.constant 3 : i32
    %dma_wait3A_182 = arith.constant 3 : i32
    %dma_wait3A_183 = arith.constant 0 : i32
    %dma_wait3A_184 = tpu.memref_slice %arg6[%dma_wait3A_181, %dma_wait3A_183] : memref<4x64xi32, #tpu.memory_space<vmem>> -> memref<1x64xi32, #tpu.memory_space<vmem>>
    %dma_wait3A_185 = tpu.memref_squeeze %dma_wait3A_184 : memref<1x64xi32, #tpu.memory_space<vmem>> -> memref<64xi32, #tpu.memory_space<vmem>>
    %dma_wait3A_186 = tpu.memref_slice %arg2[%dma_wait3A_180, %mul3A_2] : memref<4x2048xi32, #tpu.memory_space<hbm>> -> memref<1x64xi32, #tpu.memory_space<hbm>>
    %dma_wait3A_187 = tpu.memref_squeeze %dma_wait3A_186 : memref<1x64xi32, #tpu.memory_space<hbm>> -> memref<64xi32, #tpu.memory_space<hbm>>
    %dma_wait3A_188 = tpu.memref_slice %arg9[%dma_wait3A_182] : memref<4x!tpu.dma_semaphore, #tpu.memory_space<semaphore_mem>> -> memref<1x!tpu.dma_semaphore, #tpu.memory_space<semaphore_mem>>
    %dma_wait3A_189 = tpu.memref_squeeze %dma_wait3A_188 : memref<1x!tpu.dma_semaphore, #tpu.memory_space<semaphore_mem>> -> memref<!tpu.dma_semaphore, #tpu.memory_space<semaphore_mem>>
    %dma_wait3A_190 = arith.constant 0 : i32
    %dma_wait3A_191 = tpu.memref_slice %arg6[%dma_wait3A_181, %dma_wait3A_190] : memref<4x64xi32, #tpu.memory_space<vmem>> -> memref<1x64xi32, #tpu.memory_space<vmem>>
    %dma_wait3A_192 = tpu.memref_squeeze %dma_wait3A_191 : memref<1x64xi32, #tpu.memory_space<vmem>> -> memref<64xi32, #tpu.memory_space<vmem>>
    %dma_wait3A_193 = tpu.memref_slice %arg2[%dma_wait3A_180, %mul3A_2] : memref<4x2048xi32, #tpu.memory_space<hbm>> -> memref<1x64xi32, #tpu.memory_space<hbm>>
    %dma_wait3A_194 = tpu.memref_squeeze %dma_wait3A_193 : memref<1x64xi32, #tpu.memory_space<hbm>> -> memref<64xi32, #tpu.memory_space<hbm>>
    tpu.wait_dma2 semaphore(%dma_wait3A_189 : memref<!tpu.dma_semaphore, #tpu.memory_space<semaphore_mem>>) src(%dma_wait3A_194 : memref<64xi32, #tpu.memory_space<hbm>>) dst(%dma_wait3A_192 : memref<64xi32, #tpu.memory_space<vmem>>)
    %dma_start3A_195 = arith.constant 3 : i32
    %dma_start3A_196 = arith.constant 3 : i32
    %dma_start3A_197 = arith.constant 0 : i32
    %dma_start3A_198 = arith.constant 192 : i32
    %dma_start3A_199 = arith.constant 0 : i32
    %dma_start3A_200 = tpu.memref_slice %arg7[%dma_start3A_198, %dma_start3A_199] : memref<256x128xf32, #tpu.memory_space<vmem>> -> memref<32x128xf32, #tpu.memory_space<vmem>>
    %dma_start3A_201 = arith.constant 0 : i32
    %dma_start3A_202 = tpu.memref_slice %arg6[%dma_start3A_195, %dma_start3A_201] : memref<4x64xi32, #tpu.memory_space<vmem>> -> memref<1x32xi32, #tpu.memory_space<vmem>>
    %dma_start3A_203 = tpu.memref_squeeze %dma_start3A_202 : memref<1x32xi32, #tpu.memory_space<vmem>> -> memref<32xi32, #tpu.memory_space<vmem>>
    %dma_start3A_204 = arith.constant 0 : i32
    %dma_start3A_205 = arith.constant 0 : i32
    %dma_start3A_206 = tpu.memref_slice %arg3[%dma_start3A_204, %dma_start3A_205] : memref<100000x128xf32, #tpu.memory_space<hbm>> -> memref<100000x128xf32, #tpu.memory_space<hbm>>
    %dma_start3A_207 = tpu.memref_slice %arg10[%dma_start3A_196, %dma_start3A_197] : memref<4x2x!tpu.dma_semaphore, #tpu.memory_space<semaphore_mem>> -> memref<1x1x!tpu.dma_semaphore, #tpu.memory_space<semaphore_mem>>
    %dma_start3A_208 = tpu.memref_squeeze %dma_start3A_207 : memref<1x1x!tpu.dma_semaphore, #tpu.memory_space<semaphore_mem>> -> memref<!tpu.dma_semaphore, #tpu.memory_space<semaphore_mem>>
    tpu.enqueue_indirect_dma source(%dma_start3A_206 : memref<100000x128xf32, #tpu.memory_space<hbm>>) target(%dma_start3A_200 : memref<32x128xf32, #tpu.memory_space<vmem>>) offsets(%dma_start3A_203 : memref<32xi32, #tpu.memory_space<vmem>>) semaphore(%dma_start3A_208 : memref<!tpu.dma_semaphore, #tpu.memory_space<semaphore_mem>>)
    %dma_start3A_209 = arith.constant 2 : i32
    %dma_start3A_210 = arith.constant 2 : i32
    %dma_start3A_211 = arith.constant 1 : i32
    %dma_start3A_212 = arith.constant 160 : i32
    %dma_start3A_213 = arith.constant 0 : i32
    %dma_start3A_214 = tpu.memref_slice %arg7[%dma_start3A_212, %dma_start3A_213] : memref<256x128xf32, #tpu.memory_space<vmem>> -> memref<32x128xf32, #tpu.memory_space<vmem>>
    %dma_start3A_215 = arith.constant 32 : i32
    %dma_start3A_216 = tpu.memref_slice %arg6[%dma_start3A_209, %dma_start3A_215] : memref<4x64xi32, #tpu.memory_space<vmem>> -> memref<1x32xi32, #tpu.memory_space<vmem>>
    %dma_start3A_217 = tpu.memref_squeeze %dma_start3A_216 : memref<1x32xi32, #tpu.memory_space<vmem>> -> memref<32xi32, #tpu.memory_space<vmem>>
    %dma_start3A_218 = arith.constant 0 : i32
    %dma_start3A_219 = arith.constant 0 : i32
    %dma_start3A_220 = tpu.memref_slice %arg3[%dma_start3A_218, %dma_start3A_219] : memref<100000x128xf32, #tpu.memory_space<hbm>> -> memref<100000x128xf32, #tpu.memory_space<hbm>>
    %dma_start3A_221 = tpu.memref_slice %arg10[%dma_start3A_210, %dma_start3A_211] : memref<4x2x!tpu.dma_semaphore, #tpu.memory_space<semaphore_mem>> -> memref<1x1x!tpu.dma_semaphore, #tpu.memory_space<semaphore_mem>>
    %dma_start3A_222 = tpu.memref_squeeze %dma_start3A_221 : memref<1x1x!tpu.dma_semaphore, #tpu.memory_space<semaphore_mem>> -> memref<!tpu.dma_semaphore, #tpu.memory_space<semaphore_mem>>
    tpu.enqueue_indirect_dma source(%dma_start3A_220 : memref<100000x128xf32, #tpu.memory_space<hbm>>) target(%dma_start3A_214 : memref<32x128xf32, #tpu.memory_space<vmem>>) offsets(%dma_start3A_217 : memref<32xi32, #tpu.memory_space<vmem>>) semaphore(%dma_start3A_222 : memref<!tpu.dma_semaphore, #tpu.memory_space<semaphore_mem>>)
    %dma_start3A_223 = arith.constant 3 : i32
    %dma_start3A_224 = arith.constant 3 : i32
    %dma_start3A_225 = arith.constant 1 : i32
    %dma_start3A_226 = arith.constant 224 : i32
    %dma_start3A_227 = arith.constant 0 : i32
    %dma_start3A_228 = tpu.memref_slice %arg7[%dma_start3A_226, %dma_start3A_227] : memref<256x128xf32, #tpu.memory_space<vmem>> -> memref<32x128xf32, #tpu.memory_space<vmem>>
    %dma_start3A_229 = arith.constant 32 : i32
    %dma_start3A_230 = tpu.memref_slice %arg6[%dma_start3A_223, %dma_start3A_229] : memref<4x64xi32, #tpu.memory_space<vmem>> -> memref<1x32xi32, #tpu.memory_space<vmem>>
    %dma_start3A_231 = tpu.memref_squeeze %dma_start3A_230 : memref<1x32xi32, #tpu.memory_space<vmem>> -> memref<32xi32, #tpu.memory_space<vmem>>
    %dma_start3A_232 = arith.constant 0 : i32
    %dma_start3A_233 = arith.constant 0 : i32
    %dma_start3A_234 = tpu.memref_slice %arg3[%dma_start3A_232, %dma_start3A_233] : memref<100000x128xf32, #tpu.memory_space<hbm>> -> memref<100000x128xf32, #tpu.memory_space<hbm>>
    %dma_start3A_235 = tpu.memref_slice %arg10[%dma_start3A_224, %dma_start3A_225] : memref<4x2x!tpu.dma_semaphore, #tpu.memory_space<semaphore_mem>> -> memref<1x1x!tpu.dma_semaphore, #tpu.memory_space<semaphore_mem>>
    %dma_start3A_236 = tpu.memref_squeeze %dma_start3A_235 : memref<1x1x!tpu.dma_semaphore, #tpu.memory_space<semaphore_mem>> -> memref<!tpu.dma_semaphore, #tpu.memory_space<semaphore_mem>>
    tpu.enqueue_indirect_dma source(%dma_start3A_234 : memref<100000x128xf32, #tpu.memory_space<hbm>>) target(%dma_start3A_228 : memref<32x128xf32, #tpu.memory_space<vmem>>) offsets(%dma_start3A_231 : memref<32xi32, #tpu.memory_space<vmem>>) semaphore(%dma_start3A_236 : memref<!tpu.dma_semaphore, #tpu.memory_space<semaphore_mem>>)
    %dma_wait3A_237 = arith.constant 0 : i32
    %dma_wait3A_238 = tpu.memref_slice %arg4[%mul3A_2, %dma_wait3A_237] : memref<2048x128xf32, #tpu.memory_space<hbm>> -> memref<64x128xf32, #tpu.memory_space<hbm>>
    %dma_wait3A_239 = arith.constant 0 : i32
    %dma_wait3A_240 = tpu.memref_slice %arg4[%mul3A_2, %dma_wait3A_239] : memref<2048x128xf32, #tpu.memory_space<hbm>> -> memref<64x128xf32, #tpu.memory_space<hbm>>
    tpu.wait_dma2 semaphore(%arg12 : memref<!tpu.dma_semaphore, #tpu.memory_space<semaphore_mem>>) src(%dma_wait3A_240 : memref<64x128xf32, #tpu.memory_space<hbm>>) dst(%arg8 : memref<64x128xf32, #tpu.memory_space<vmem>>)
    %dma_wait3A_241 = arith.constant 0 : i32
    %dma_wait3A_242 = arith.constant 0 : i32
    %dma_wait3A_243 = arith.constant 0 : i32
    %dma_wait3A_244 = arith.constant 0 : i32
    %dma_wait3A_245 = arith.constant 0 : i32
    %dma_wait3A_246 = tpu.memref_slice %arg7[%dma_wait3A_244, %dma_wait3A_245] : memref<256x128xf32, #tpu.memory_space<vmem>> -> memref<32x128xf32, #tpu.memory_space<vmem>>
    %dma_wait3A_247 = arith.constant 0 : i32
    %dma_wait3A_248 = tpu.memref_slice %arg6[%dma_wait3A_241, %dma_wait3A_247] : memref<4x64xi32, #tpu.memory_space<vmem>> -> memref<1x32xi32, #tpu.memory_space<vmem>>
    %dma_wait3A_249 = tpu.memref_squeeze %dma_wait3A_248 : memref<1x32xi32, #tpu.memory_space<vmem>> -> memref<32xi32, #tpu.memory_space<vmem>>
    %dma_wait3A_250 = arith.constant 0 : i32
    %dma_wait3A_251 = arith.constant 0 : i32
    %dma_wait3A_252 = tpu.memref_slice %arg3[%dma_wait3A_250, %dma_wait3A_251] : memref<100000x128xf32, #tpu.memory_space<hbm>> -> memref<100000x128xf32, #tpu.memory_space<hbm>>
    %dma_wait3A_253 = tpu.memref_slice %arg10[%dma_wait3A_242, %dma_wait3A_243] : memref<4x2x!tpu.dma_semaphore, #tpu.memory_space<semaphore_mem>> -> memref<1x1x!tpu.dma_semaphore, #tpu.memory_space<semaphore_mem>>
    %dma_wait3A_254 = tpu.memref_squeeze %dma_wait3A_253 : memref<1x1x!tpu.dma_semaphore, #tpu.memory_space<semaphore_mem>> -> memref<!tpu.dma_semaphore, #tpu.memory_space<semaphore_mem>>
    tpu.wait_indirect_dma semaphore(%dma_wait3A_254 : memref<!tpu.dma_semaphore, #tpu.memory_space<semaphore_mem>>) src(%dma_wait3A_252 : memref<100000x128xf32, #tpu.memory_space<hbm>>) dst(%dma_wait3A_246 : memref<32x128xf32, #tpu.memory_space<vmem>>)
    %dma_wait3A_255 = arith.constant 1 : i32
    %dma_wait3A_256 = arith.constant 1 : i32
    %dma_wait3A_257 = arith.constant 0 : i32
    %dma_wait3A_258 = arith.constant 64 : i32
    %dma_wait3A_259 = arith.constant 0 : i32
    %dma_wait3A_260 = tpu.memref_slice %arg7[%dma_wait3A_258, %dma_wait3A_259] : memref<256x128xf32, #tpu.memory_space<vmem>> -> memref<32x128xf32, #tpu.memory_space<vmem>>
    %dma_wait3A_261 = arith.constant 0 : i32
    %dma_wait3A_262 = tpu.memref_slice %arg6[%dma_wait3A_255, %dma_wait3A_261] : memref<4x64xi32, #tpu.memory_space<vmem>> -> memref<1x32xi32, #tpu.memory_space<vmem>>
    %dma_wait3A_263 = tpu.memref_squeeze %dma_wait3A_262 : memref<1x32xi32, #tpu.memory_space<vmem>> -> memref<32xi32, #tpu.memory_space<vmem>>
    %dma_wait3A_264 = arith.constant 0 : i32
    %dma_wait3A_265 = arith.constant 0 : i32
    %dma_wait3A_266 = tpu.memref_slice %arg3[%dma_wait3A_264, %dma_wait3A_265] : memref<100000x128xf32, #tpu.memory_space<hbm>> -> memref<100000x128xf32, #tpu.memory_space<hbm>>
    %dma_wait3A_267 = tpu.memref_slice %arg10[%dma_wait3A_256, %dma_wait3A_257] : memref<4x2x!tpu.dma_semaphore, #tpu.memory_space<semaphore_mem>> -> memref<1x1x!tpu.dma_semaphore, #tpu.memory_space<semaphore_mem>>
    %dma_wait3A_268 = tpu.memref_squeeze %dma_wait3A_267 : memref<1x1x!tpu.dma_semaphore, #tpu.memory_space<semaphore_mem>> -> memref<!tpu.dma_semaphore, #tpu.memory_space<semaphore_mem>>
    tpu.wait_indirect_dma semaphore(%dma_wait3A_268 : memref<!tpu.dma_semaphore, #tpu.memory_space<semaphore_mem>>) src(%dma_wait3A_266 : memref<100000x128xf32, #tpu.memory_space<hbm>>) dst(%dma_wait3A_260 : memref<32x128xf32, #tpu.memory_space<vmem>>)
    %scan3A = arith.constant 0 : i32
    %scan3A_269 = arith.constant 0 : i32
    %scan3A_270 = arith.constant 32 : i32
    %scan3A_271 = arith.addi %scan3A_269, %scan3A_270 : i32
    %scan3A_272 = arith.constant 1 : i32
    scf.for %scan3A_664 = %scan3A_269 to %scan3A_271 step %scan3A_272  : i32 {
      %get3A = arith.index_cast %scan3A_664 : i32 to index
      %get3A_665 = arith.constant 0 : index
      %get3A_666 = tpu.vector_load %arg8[%get3A, %get3A_665] {strides = array<i32>} : memref<64x128xf32, #tpu.memory_space<vmem>>, vector<1x16xf32>,
      %get3A_667 = vector.shape_cast %get3A_666 : vector<1x16xf32> to vector<16xf32>
      %get3A_668 = arith.index_cast %scan3A_664 : i32 to index
      %get3A_669 = arith.constant 16 : index
      %get3A_670 = tpu.vector_load %arg8[%get3A_668, %get3A_669] {strides = array<i32>} : memref<64x128xf32, #tpu.memory_space<vmem>>, vector<1x16xf32>,
      %get3A_671 = vector.shape_cast %get3A_670 : vector<1x16xf32> to vector<16xf32>
      %get3A_672 = arith.index_cast %scan3A_664 : i32 to index
      %get3A_673 = arith.constant 32 : index
      %get3A_674 = tpu.vector_load %arg8[%get3A_672, %get3A_673] {strides = array<i32>} : memref<64x128xf32, #tpu.memory_space<vmem>>, vector<1x16xf32>,
      %get3A_675 = vector.shape_cast %get3A_674 : vector<1x16xf32> to vector<16xf32>
      %get3A_676 = arith.index_cast %scan3A_664 : i32 to index
      %get3A_677 = arith.constant 48 : index
      %get3A_678 = tpu.vector_load %arg8[%get3A_676, %get3A_677] {strides = array<i32>} : memref<64x128xf32, #tpu.memory_space<vmem>>, vector<1x16xf32>,
      %get3A_679 = vector.shape_cast %get3A_678 : vector<1x16xf32> to vector<16xf32>
      %get3A_680 = arith.index_cast %scan3A_664 : i32 to index
      %get3A_681 = arith.constant 64 : index
      %get3A_682 = tpu.vector_load %arg8[%get3A_680, %get3A_681] {strides = array<i32>} : memref<64x128xf32, #tpu.memory_space<vmem>>, vector<1x16xf32>,
      %get3A_683 = vector.shape_cast %get3A_682 : vector<1x16xf32> to vector<16xf32>
      %get3A_684 = arith.index_cast %scan3A_664 : i32 to index
      %get3A_685 = arith.constant 80 : index
      %get3A_686 = tpu.vector_load %arg8[%get3A_684, %get3A_685] {strides = array<i32>} : memref<64x128xf32, #tpu.memory_space<vmem>>, vector<1x16xf32>,
      %get3A_687 = vector.shape_cast %get3A_686 : vector<1x16xf32> to vector<16xf32>
      %get3A_688 = arith.index_cast %scan3A_664 : i32 to index
      %get3A_689 = arith.constant 96 : index
      %get3A_690 = tpu.vector_load %arg8[%get3A_688, %get3A_689] {strides = array<i32>} : memref<64x128xf32, #tpu.memory_space<vmem>>, vector<1x16xf32>,
      %get3A_691 = vector.shape_cast %get3A_690 : vector<1x16xf32> to vector<16xf32>
      %get3A_692 = arith.index_cast %scan3A_664 : i32 to index
      %get3A_693 = arith.constant 112 : index
      %get3A_694 = tpu.vector_load %arg8[%get3A_692, %get3A_693] {strides = array<i32>} : memref<64x128xf32, #tpu.memory_space<vmem>>, vector<1x16xf32>,
      %get3A_695 = vector.shape_cast %get3A_694 : vector<1x16xf32> to vector<16xf32>
      %add3A_696 = arith.constant 0 : i32
      %add3A_697 = arith.addi %add3A_696, %scan3A_664 : i32
      %get3A_698 = arith.index_cast %add3A_697 : i32 to index
      %get3A_699 = arith.constant 0 : index
      %get3A_700 = tpu.vector_load %arg7[%get3A_698, %get3A_699] {strides = array<i32>} : memref<256x128xf32, #tpu.memory_space<vmem>>, vector<1x16xf32>,
      %get3A_701 = vector.shape_cast %get3A_700 : vector<1x16xf32> to vector<16xf32>
      %add3A_702 = arith.addf %get3A_701, %get3A_667 : vector<16xf32>
      %mul3A_703 = arith.constant 11.3137083 : f32
      %mul3A_704 = vector.broadcast %mul3A_703 : f32 to vector<16xf32>
      %mul3A_705 = arith.mulf %add3A_702, %mul3A_704 : vector<16xf32>
      %swap3A = arith.index_cast %add3A_697 : i32 to index
      %swap3A_706 = arith.constant 0 : index
      %swap3A_707 = tpu.vector_load %arg7[%swap3A, %swap3A_706] {strides = array<i32>} : memref<256x128xf32, #tpu.memory_space<vmem>>, vector<1x16xf32>,
      %swap3A_708 = vector.shape_cast %swap3A_707 : vector<1x16xf32> to vector<16xf32>
      %swap3A_709 = vector.shape_cast %mul3A_705 : vector<16xf32> to vector<1x16xf32>
      tpu.vector_store %arg7[%swap3A, %swap3A_706], %swap3A_709 {strides = array<i32>} : memref<256x128xf32, #tpu.memory_space<vmem>>, vector<1x16xf32>,
      %get3A_710 = arith.index_cast %add3A_697 : i32 to index
      %get3A_711 = arith.constant 16 : index
      %get3A_712 = tpu.vector_load %arg7[%get3A_710, %get3A_711] {strides = array<i32>} : memref<256x128xf32, #tpu.memory_space<vmem>>, vector<1x16xf32>,
      %get3A_713 = vector.shape_cast %get3A_712 : vector<1x16xf32> to vector<16xf32>
      %add3A_714 = arith.addf %get3A_713, %get3A_671 : vector<16xf32>
      %mul3A_715 = arith.constant 11.3137083 : f32
      %mul3A_716 = vector.broadcast %mul3A_715 : f32 to vector<16xf32>
      %mul3A_717 = arith.mulf %add3A_714, %mul3A_716 : vector<16xf32>
      %swap3A_718 = arith.index_cast %add3A_697 : i32 to index
      %swap3A_719 = arith.constant 16 : index
      %swap3A_720 = tpu.vector_load %arg7[%swap3A_718, %swap3A_719] {strides = array<i32>} : memref<256x128xf32, #tpu.memory_space<vmem>>, vector<1x16xf32>,
      %swap3A_721 = vector.shape_cast %swap3A_720 : vector<1x16xf32> to vector<16xf32>
      %swap3A_722 = vector.shape_cast %mul3A_717 : vector<16xf32> to vector<1x16xf32>
      tpu.vector_store %arg7[%swap3A_718, %swap3A_719], %swap3A_722 {strides = array<i32>} : memref<256x128xf32, #tpu.memory_space<vmem>>, vector<1x16xf32>,
      %get3A_723 = arith.index_cast %add3A_697 : i32 to index
      %get3A_724 = arith.constant 32 : index
      %get3A_725 = tpu.vector_load %arg7[%get3A_723, %get3A_724] {strides = array<i32>} : memref<256x128xf32, #tpu.memory_space<vmem>>, vector<1x16xf32>,
      %get3A_726 = vector.shape_cast %get3A_725 : vector<1x16xf32> to vector<16xf32>
      %add3A_727 = arith.addf %get3A_726, %get3A_675 : vector<16xf32>
      %mul3A_728 = arith.constant 11.3137083 : f32
      %mul3A_729 = vector.broadcast %mul3A_728 : f32 to vector<16xf32>
      %mul3A_730 = arith.mulf %add3A_727, %mul3A_729 : vector<16xf32>
      %swap3A_731 = arith.index_cast %add3A_697 : i32 to index
      %swap3A_732 = arith.constant 32 : index
      %swap3A_733 = tpu.vector_load %arg7[%swap3A_731, %swap3A_732] {strides = array<i32>} : memref<256x128xf32, #tpu.memory_space<vmem>>, vector<1x16xf32>,
      %swap3A_734 = vector.shape_cast %swap3A_733 : vector<1x16xf32> to vector<16xf32>
      %swap3A_735 = vector.shape_cast %mul3A_730 : vector<16xf32> to vector<1x16xf32>
      tpu.vector_store %arg7[%swap3A_731, %swap3A_732], %swap3A_735 {strides = array<i32>} : memref<256x128xf32, #tpu.memory_space<vmem>>, vector<1x16xf32>,
      %get3A_736 = arith.index_cast %add3A_697 : i32 to index
      %get3A_737 = arith.constant 48 : index
      %get3A_738 = tpu.vector_load %arg7[%get3A_736, %get3A_737] {strides = array<i32>} : memref<256x128xf32, #tpu.memory_space<vmem>>, vector<1x16xf32>,
      %get3A_739 = vector.shape_cast %get3A_738 : vector<1x16xf32> to vector<16xf32>
      %add3A_740 = arith.addf %get3A_739, %get3A_679 : vector<16xf32>
      %mul3A_741 = arith.constant 11.3137083 : f32
      %mul3A_742 = vector.broadcast %mul3A_741 : f32 to vector<16xf32>
      %mul3A_743 = arith.mulf %add3A_740, %mul3A_742 : vector<16xf32>
      %swap3A_744 = arith.index_cast %add3A_697 : i32 to index
      %swap3A_745 = arith.constant 48 : index
      %swap3A_746 = tpu.vector_load %arg7[%swap3A_744, %swap3A_745] {strides = array<i32>} : memref<256x128xf32, #tpu.memory_space<vmem>>, vector<1x16xf32>,
      %swap3A_747 = vector.shape_cast %swap3A_746 : vector<1x16xf32> to vector<16xf32>
      %swap3A_748 = vector.shape_cast %mul3A_743 : vector<16xf32> to vector<1x16xf32>
      tpu.vector_store %arg7[%swap3A_744, %swap3A_745], %swap3A_748 {strides = array<i32>} : memref<256x128xf32, #tpu.memory_space<vmem>>, vector<1x16xf32>,
      %get3A_749 = arith.index_cast %add3A_697 : i32 to index
      %get3A_750 = arith.constant 64 : index
      %get3A_751 = tpu.vector_load %arg7[%get3A_749, %get3A_750] {strides = array<i32>} : memref<256x128xf32, #tpu.memory_space<vmem>>, vector<1x16xf32>,
      %get3A_752 = vector.shape_cast %get3A_751 : vector<1x16xf32> to vector<16xf32>
      %add3A_753 = arith.addf %get3A_752, %get3A_683 : vector<16xf32>
      %mul3A_754 = arith.constant 11.3137083 : f32
      %mul3A_755 = vector.broadcast %mul3A_754 : f32 to vector<16xf32>
      %mul3A_756 = arith.mulf %add3A_753, %mul3A_755 : vector<16xf32>
      %swap3A_757 = arith.index_cast %add3A_697 : i32 to index
      %swap3A_758 = arith.constant 64 : index
      %swap3A_759 = tpu.vector_load %arg7[%swap3A_757, %swap3A_758] {strides = array<i32>} : memref<256x128xf32, #tpu.memory_space<vmem>>, vector<1x16xf32>,
      %swap3A_760 = vector.shape_cast %swap3A_759 : vector<1x16xf32> to vector<16xf32>
      %swap3A_761 = vector.shape_cast %mul3A_756 : vector<16xf32> to vector<1x16xf32>
      tpu.vector_store %arg7[%swap3A_757, %swap3A_758], %swap3A_761 {strides = array<i32>} : memref<256x128xf32, #tpu.memory_space<vmem>>, vector<1x16xf32>,
      %get3A_762 = arith.index_cast %add3A_697 : i32 to index
      %get3A_763 = arith.constant 80 : index
      %get3A_764 = tpu.vector_load %arg7[%get3A_762, %get3A_763] {strides = array<i32>} : memref<256x128xf32, #tpu.memory_space<vmem>>, vector<1x16xf32>,
      %get3A_765 = vector.shape_cast %get3A_764 : vector<1x16xf32> to vector<16xf32>
      %add3A_766 = arith.addf %get3A_765, %get3A_687 : vector<16xf32>
      %mul3A_767 = arith.constant 11.3137083 : f32
      %mul3A_768 = vector.broadcast %mul3A_767 : f32 to vector<16xf32>
      %mul3A_769 = arith.mulf %add3A_766, %mul3A_768 : vector<16xf32>
      %swap3A_770 = arith.index_cast %add3A_697 : i32 to index
      %swap3A_771 = arith.constant 80 : index
      %swap3A_772 = tpu.vector_load %arg7[%swap3A_770, %swap3A_771] {strides = array<i32>} : memref<256x128xf32, #tpu.memory_space<vmem>>, vector<1x16xf32>,
      %swap3A_773 = vector.shape_cast %swap3A_772 : vector<1x16xf32> to vector<16xf32>
      %swap3A_774 = vector.shape_cast %mul3A_769 : vector<16xf32> to vector<1x16xf32>
      tpu.vector_store %arg7[%swap3A_770, %swap3A_771], %swap3A_774 {strides = array<i32>} : memref<256x128xf32, #tpu.memory_space<vmem>>, vector<1x16xf32>,
      %get3A_775 = arith.index_cast %add3A_697 : i32 to index
      %get3A_776 = arith.constant 96 : index
      %get3A_777 = tpu.vector_load %arg7[%get3A_775, %get3A_776] {strides = array<i32>} : memref<256x128xf32, #tpu.memory_space<vmem>>, vector<1x16xf32>,
      %get3A_778 = vector.shape_cast %get3A_777 : vector<1x16xf32> to vector<16xf32>
      %add3A_779 = arith.addf %get3A_778, %get3A_691 : vector<16xf32>
      %mul3A_780 = arith.constant 11.3137083 : f32
      %mul3A_781 = vector.broadcast %mul3A_780 : f32 to vector<16xf32>
      %mul3A_782 = arith.mulf %add3A_779, %mul3A_781 : vector<16xf32>
      %swap3A_783 = arith.index_cast %add3A_697 : i32 to index
      %swap3A_784 = arith.constant 96 : index
      %swap3A_785 = tpu.vector_load %arg7[%swap3A_783, %swap3A_784] {strides = array<i32>} : memref<256x128xf32, #tpu.memory_space<vmem>>, vector<1x16xf32>,
      %swap3A_786 = vector.shape_cast %swap3A_785 : vector<1x16xf32> to vector<16xf32>
      %swap3A_787 = vector.shape_cast %mul3A_782 : vector<16xf32> to vector<1x16xf32>
      tpu.vector_store %arg7[%swap3A_783, %swap3A_784], %swap3A_787 {strides = array<i32>} : memref<256x128xf32, #tpu.memory_space<vmem>>, vector<1x16xf32>,
      %get3A_788 = arith.index_cast %add3A_697 : i32 to index
      %get3A_789 = arith.constant 112 : index
      %get3A_790 = tpu.vector_load %arg7[%get3A_788, %get3A_789] {strides = array<i32>} : memref<256x128xf32, #tpu.memory_space<vmem>>, vector<1x16xf32>,
      %get3A_791 = vector.shape_cast %get3A_790 : vector<1x16xf32> to vector<16xf32>
      %add3A_792 = arith.addf %get3A_791, %get3A_695 : vector<16xf32>
      %mul3A_793 = arith.constant 11.3137083 : f32
      %mul3A_794 = vector.broadcast %mul3A_793 : f32 to vector<16xf32>
      %mul3A_795 = arith.mulf %add3A_792, %mul3A_794 : vector<16xf32>
      %swap3A_796 = arith.index_cast %add3A_697 : i32 to index
      %swap3A_797 = arith.constant 112 : index
      %swap3A_798 = tpu.vector_load %arg7[%swap3A_796, %swap3A_797] {strides = array<i32>} : memref<256x128xf32, #tpu.memory_space<vmem>>, vector<1x16xf32>,
      %swap3A_799 = vector.shape_cast %swap3A_798 : vector<1x16xf32> to vector<16xf32>
      %swap3A_800 = vector.shape_cast %mul3A_795 : vector<16xf32> to vector<1x16xf32>
      tpu.vector_store %arg7[%swap3A_796, %swap3A_797], %swap3A_800 {strides = array<i32>} : memref<256x128xf32, #tpu.memory_space<vmem>>, vector<1x16xf32>,
      %add3A_801 = arith.constant 64 : i32
      %add3A_802 = arith.addi %add3A_801, %scan3A_664 : i32
      %get3A_803 = arith.index_cast %add3A_802 : i32 to index
      %get3A_804 = arith.constant 0 : index
      %get3A_805 = tpu.vector_load %arg7[%get3A_803, %get3A_804] {strides = array<i32>} : memref<256x128xf32, #tpu.memory_space<vmem>>, vector<1x16xf32>,
      %get3A_806 = vector.shape_cast %get3A_805 : vector<1x16xf32> to vector<16xf32>
      %add3A_807 = arith.addf %get3A_806, %get3A_667 : vector<16xf32>
      %mul3A_808 = arith.constant 11.3137083 : f32
      %mul3A_809 = vector.broadcast %mul3A_808 : f32 to vector<16xf32>
      %mul3A_810 = arith.mulf %add3A_807, %mul3A_809 : vector<16xf32>
      %swap3A_811 = arith.index_cast %add3A_802 : i32 to index
      %swap3A_812 = arith.constant 0 : index
      %swap3A_813 = tpu.vector_load %arg7[%swap3A_811, %swap3A_812] {strides = array<i32>} : memref<256x128xf32, #tpu.memory_space<vmem>>, vector<1x16xf32>,
      %swap3A_814 = vector.shape_cast %swap3A_813 : vector<1x16xf32> to vector<16xf32>
      %swap3A_815 = vector.shape_cast %mul3A_810 : vector<16xf32> to vector<1x16xf32>
      tpu.vector_store %arg7[%swap3A_811, %swap3A_812], %swap3A_815 {strides = array<i32>} : memref<256x128xf32, #tpu.memory_space<vmem>>, vector<1x16xf32>,
      %get3A_816 = arith.index_cast %add3A_802 : i32 to index
      %get3A_817 = arith.constant 16 : index
      %get3A_818 = tpu.vector_load %arg7[%get3A_816, %get3A_817] {strides = array<i32>} : memref<256x128xf32, #tpu.memory_space<vmem>>, vector<1x16xf32>,
      %get3A_819 = vector.shape_cast %get3A_818 : vector<1x16xf32> to vector<16xf32>
      %add3A_820 = arith.addf %get3A_819, %get3A_671 : vector<16xf32>
      %mul3A_821 = arith.constant 11.3137083 : f32
      %mul3A_822 = vector.broadcast %mul3A_821 : f32 to vector<16xf32>
      %mul3A_823 = arith.mulf %add3A_820, %mul3A_822 : vector<16xf32>
      %swap3A_824 = arith.index_cast %add3A_802 : i32 to index
      %swap3A_825 = arith.constant 16 : index
      %swap3A_826 = tpu.vector_load %arg7[%swap3A_824, %swap3A_825] {strides = array<i32>} : memref<256x128xf32, #tpu.memory_space<vmem>>, vector<1x16xf32>,
      %swap3A_827 = vector.shape_cast %swap3A_826 : vector<1x16xf32> to vector<16xf32>
      %swap3A_828 = vector.shape_cast %mul3A_823 : vector<16xf32> to vector<1x16xf32>
      tpu.vector_store %arg7[%swap3A_824, %swap3A_825], %swap3A_828 {strides = array<i32>} : memref<256x128xf32, #tpu.memory_space<vmem>>, vector<1x16xf32>,
      %get3A_829 = arith.index_cast %add3A_802 : i32 to index
      %get3A_830 = arith.constant 32 : index
      %get3A_831 = tpu.vector_load %arg7[%get3A_829, %get3A_830] {strides = array<i32>} : memref<256x128xf32, #tpu.memory_space<vmem>>, vector<1x16xf32>,
      %get3A_832 = vector.shape_cast %get3A_831 : vector<1x16xf32> to vector<16xf32>
      %add3A_833 = arith.addf %get3A_832, %get3A_675 : vector<16xf32>
      %mul3A_834 = arith.constant 11.3137083 : f32
      %mul3A_835 = vector.broadcast %mul3A_834 : f32 to vector<16xf32>
      %mul3A_836 = arith.mulf %add3A_833, %mul3A_835 : vector<16xf32>
      %swap3A_837 = arith.index_cast %add3A_802 : i32 to index
      %swap3A_838 = arith.constant 32 : index
      %swap3A_839 = tpu.vector_load %arg7[%swap3A_837, %swap3A_838] {strides = array<i32>} : memref<256x128xf32, #tpu.memory_space<vmem>>, vector<1x16xf32>,
      %swap3A_840 = vector.shape_cast %swap3A_839 : vector<1x16xf32> to vector<16xf32>
      %swap3A_841 = vector.shape_cast %mul3A_836 : vector<16xf32> to vector<1x16xf32>
      tpu.vector_store %arg7[%swap3A_837, %swap3A_838], %swap3A_841 {strides = array<i32>} : memref<256x128xf32, #tpu.memory_space<vmem>>, vector<1x16xf32>,
      %get3A_842 = arith.index_cast %add3A_802 : i32 to index
      %get3A_843 = arith.constant 48 : index
      %get3A_844 = tpu.vector_load %arg7[%get3A_842, %get3A_843] {strides = array<i32>} : memref<256x128xf32, #tpu.memory_space<vmem>>, vector<1x16xf32>,
      %get3A_845 = vector.shape_cast %get3A_844 : vector<1x16xf32> to vector<16xf32>
      %add3A_846 = arith.addf %get3A_845, %get3A_679 : vector<16xf32>
      %mul3A_847 = arith.constant 11.3137083 : f32
      %mul3A_848 = vector.broadcast %mul3A_847 : f32 to vector<16xf32>
      %mul3A_849 = arith.mulf %add3A_846, %mul3A_848 : vector<16xf32>
      %swap3A_850 = arith.index_cast %add3A_802 : i32 to index
      %swap3A_851 = arith.constant 48 : index
      %swap3A_852 = tpu.vector_load %arg7[%swap3A_850, %swap3A_851] {strides = array<i32>} : memref<256x128xf32, #tpu.memory_space<vmem>>, vector<1x16xf32>,
      %swap3A_853 = vector.shape_cast %swap3A_852 : vector<1x16xf32> to vector<16xf32>
      %swap3A_854 = vector.shape_cast %mul3A_849 : vector<16xf32> to vector<1x16xf32>
      tpu.vector_store %arg7[%swap3A_850, %swap3A_851], %swap3A_854 {strides = array<i32>} : memref<256x128xf32, #tpu.memory_space<vmem>>, vector<1x16xf32>,
      %get3A_855 = arith.index_cast %add3A_802 : i32 to index
      %get3A_856 = arith.constant 64 : index
      %get3A_857 = tpu.vector_load %arg7[%get3A_855, %get3A_856] {strides = array<i32>} : memref<256x128xf32, #tpu.memory_space<vmem>>, vector<1x16xf32>,
      %get3A_858 = vector.shape_cast %get3A_857 : vector<1x16xf32> to vector<16xf32>
      %add3A_859 = arith.addf %get3A_858, %get3A_683 : vector<16xf32>
      %mul3A_860 = arith.constant 11.3137083 : f32
      %mul3A_861 = vector.broadcast %mul3A_860 : f32 to vector<16xf32>
      %mul3A_862 = arith.mulf %add3A_859, %mul3A_861 : vector<16xf32>
      %swap3A_863 = arith.index_cast %add3A_802 : i32 to index
      %swap3A_864 = arith.constant 64 : index
      %swap3A_865 = tpu.vector_load %arg7[%swap3A_863, %swap3A_864] {strides = array<i32>} : memref<256x128xf32, #tpu.memory_space<vmem>>, vector<1x16xf32>,
      %swap3A_866 = vector.shape_cast %swap3A_865 : vector<1x16xf32> to vector<16xf32>
      %swap3A_867 = vector.shape_cast %mul3A_862 : vector<16xf32> to vector<1x16xf32>
      tpu.vector_store %arg7[%swap3A_863, %swap3A_864], %swap3A_867 {strides = array<i32>} : memref<256x128xf32, #tpu.memory_space<vmem>>, vector<1x16xf32>,
      %get3A_868 = arith.index_cast %add3A_802 : i32 to index
      %get3A_869 = arith.constant 80 : index
      %get3A_870 = tpu.vector_load %arg7[%get3A_868, %get3A_869] {strides = array<i32>} : memref<256x128xf32, #tpu.memory_space<vmem>>, vector<1x16xf32>,
      %get3A_871 = vector.shape_cast %get3A_870 : vector<1x16xf32> to vector<16xf32>
      %add3A_872 = arith.addf %get3A_871, %get3A_687 : vector<16xf32>
      %mul3A_873 = arith.constant 11.3137083 : f32
      %mul3A_874 = vector.broadcast %mul3A_873 : f32 to vector<16xf32>
      %mul3A_875 = arith.mulf %add3A_872, %mul3A_874 : vector<16xf32>
      %swap3A_876 = arith.index_cast %add3A_802 : i32 to index
      %swap3A_877 = arith.constant 80 : index
      %swap3A_878 = tpu.vector_load %arg7[%swap3A_876, %swap3A_877] {strides = array<i32>} : memref<256x128xf32, #tpu.memory_space<vmem>>, vector<1x16xf32>,
      %swap3A_879 = vector.shape_cast %swap3A_878 : vector<1x16xf32> to vector<16xf32>
      %swap3A_880 = vector.shape_cast %mul3A_875 : vector<16xf32> to vector<1x16xf32>
      tpu.vector_store %arg7[%swap3A_876, %swap3A_877], %swap3A_880 {strides = array<i32>} : memref<256x128xf32, #tpu.memory_space<vmem>>, vector<1x16xf32>,
      %get3A_881 = arith.index_cast %add3A_802 : i32 to index
      %get3A_882 = arith.constant 96 : index
      %get3A_883 = tpu.vector_load %arg7[%get3A_881, %get3A_882] {strides = array<i32>} : memref<256x128xf32, #tpu.memory_space<vmem>>, vector<1x16xf32>,
      %get3A_884 = vector.shape_cast %get3A_883 : vector<1x16xf32> to vector<16xf32>
      %add3A_885 = arith.addf %get3A_884, %get3A_691 : vector<16xf32>
      %mul3A_886 = arith.constant 11.3137083 : f32
      %mul3A_887 = vector.broadcast %mul3A_886 : f32 to vector<16xf32>
      %mul3A_888 = arith.mulf %add3A_885, %mul3A_887 : vector<16xf32>
      %swap3A_889 = arith.index_cast %add3A_802 : i32 to index
      %swap3A_890 = arith.constant 96 : index
      %swap3A_891 = tpu.vector_load %arg7[%swap3A_889, %swap3A_890] {strides = array<i32>} : memref<256x128xf32, #tpu.memory_space<vmem>>, vector<1x16xf32>,
      %swap3A_892 = vector.shape_cast %swap3A_891 : vector<1x16xf32> to vector<16xf32>
      %swap3A_893 = vector.shape_cast %mul3A_888 : vector<16xf32> to vector<1x16xf32>
      tpu.vector_store %arg7[%swap3A_889, %swap3A_890], %swap3A_893 {strides = array<i32>} : memref<256x128xf32, #tpu.memory_space<vmem>>, vector<1x16xf32>,
      %get3A_894 = arith.index_cast %add3A_802 : i32 to index
      %get3A_895 = arith.constant 112 : index
      %get3A_896 = tpu.vector_load %arg7[%get3A_894, %get3A_895] {strides = array<i32>} : memref<256x128xf32, #tpu.memory_space<vmem>>, vector<1x16xf32>,
      %get3A_897 = vector.shape_cast %get3A_896 : vector<1x16xf32> to vector<16xf32>
      %add3A_898 = arith.addf %get3A_897, %get3A_695 : vector<16xf32>
      %mul3A_899 = arith.constant 11.3137083 : f32
      %mul3A_900 = vector.broadcast %mul3A_899 : f32 to vector<16xf32>
      %mul3A_901 = arith.mulf %add3A_898, %mul3A_900 : vector<16xf32>
      %swap3A_902 = arith.index_cast %add3A_802 : i32 to index
      %swap3A_903 = arith.constant 112 : index
      %swap3A_904 = tpu.vector_load %arg7[%swap3A_902, %swap3A_903] {strides = array<i32>} : memref<256x128xf32, #tpu.memory_space<vmem>>, vector<1x16xf32>,
      %swap3A_905 = vector.shape_cast %swap3A_904 : vector<1x16xf32> to vector<16xf32>
      %swap3A_906 = vector.shape_cast %mul3A_901 : vector<16xf32> to vector<1x16xf32>
      tpu.vector_store %arg7[%swap3A_902, %swap3A_903], %swap3A_906 {strides = array<i32>} : memref<256x128xf32, #tpu.memory_space<vmem>>, vector<1x16xf32>,
    }
    %scan3A_273 = arith.constant 32 : i32
    %add3A_274 = arith.constant 0 : i32
    %add3A_275 = arith.addi %mul3A_2, %add3A_274 : i32
    %dma_start3A_276 = arith.constant 0 : i32
    %dma_start3A_277 = arith.constant 0 : i32
    %dma_start3A_278 = arith.constant 0 : i32
    %dma_start3A_279 = arith.constant 0 : i32
    %dma_start3A_280 = arith.constant 0 : i32
    %dma_start3A_281 = tpu.memref_slice %arg7[%dma_start3A_279, %dma_start3A_280] : memref<256x128xf32, #tpu.memory_space<vmem>> -> memref<32x128xf32, #tpu.memory_space<vmem>>
    %dma_start3A_282 = arith.constant 0 : i32
    %dma_start3A_283 = tpu.memref_slice %arg5[%dma_start3A_276, %add3A_275, %dma_start3A_282] : memref<4x2048x128xf32, #tpu.memory_space<hbm>> -> memref<1x32x128xf32, #tpu.memory_space<hbm>>
    %dma_start3A_284 = tpu.memref_squeeze %dma_start3A_283 : memref<1x32x128xf32, #tpu.memory_space<hbm>> -> memref<32x128xf32, #tpu.memory_space<hbm>>
    %dma_start3A_285 = tpu.memref_slice %arg11[%dma_start3A_277, %dma_start3A_278] : memref<4x2x!tpu.dma_semaphore, #tpu.memory_space<semaphore_mem>> -> memref<1x1x!tpu.dma_semaphore, #tpu.memory_space<semaphore_mem>>
    %dma_start3A_286 = tpu.memref_squeeze %dma_start3A_285 : memref<1x1x!tpu.dma_semaphore, #tpu.memory_space<semaphore_mem>> -> memref<!tpu.dma_semaphore, #tpu.memory_space<semaphore_mem>>
    %dma_start3A_287 = arith.constant 0 : i32
    %dma_start3A_288 = tpu.memref_slice %arg5[%dma_start3A_276, %add3A_275, %dma_start3A_287] : memref<4x2048x128xf32, #tpu.memory_space<hbm>> -> memref<1x32x128xf32, #tpu.memory_space<hbm>>
    %dma_start3A_289 = tpu.memref_squeeze %dma_start3A_288 : memref<1x32x128xf32, #tpu.memory_space<hbm>> -> memref<32x128xf32, #tpu.memory_space<hbm>>
    %dma_start3A_290 = arith.constant 0 : i32
    %dma_start3A_291 = arith.constant 0 : i32
    %dma_start3A_292 = tpu.memref_slice %arg7[%dma_start3A_290, %dma_start3A_291] : memref<256x128xf32, #tpu.memory_space<vmem>> -> memref<32x128xf32, #tpu.memory_space<vmem>>
    tpu.enqueue_dma source(%dma_start3A_292 : memref<32x128xf32, #tpu.memory_space<vmem>>) target(%dma_start3A_289 : memref<32x128xf32, #tpu.memory_space<hbm>>) target_semaphore(%dma_start3A_286 : memref<!tpu.dma_semaphore, #tpu.memory_space<semaphore_mem>>)
    %add3A_293 = arith.constant 0 : i32
    %add3A_294 = arith.addi %mul3A_2, %add3A_293 : i32
    %dma_start3A_295 = arith.constant 1 : i32
    %dma_start3A_296 = arith.constant 1 : i32
    %dma_start3A_297 = arith.constant 0 : i32
    %dma_start3A_298 = arith.constant 64 : i32
    %dma_start3A_299 = arith.constant 0 : i32
    %dma_start3A_300 = tpu.memref_slice %arg7[%dma_start3A_298, %dma_start3A_299] : memref<256x128xf32, #tpu.memory_space<vmem>> -> memref<32x128xf32, #tpu.memory_space<vmem>>
    %dma_start3A_301 = arith.constant 0 : i32
    %dma_start3A_302 = tpu.memref_slice %arg5[%dma_start3A_295, %add3A_294, %dma_start3A_301] : memref<4x2048x128xf32, #tpu.memory_space<hbm>> -> memref<1x32x128xf32, #tpu.memory_space<hbm>>
    %dma_start3A_303 = tpu.memref_squeeze %dma_start3A_302 : memref<1x32x128xf32, #tpu.memory_space<hbm>> -> memref<32x128xf32, #tpu.memory_space<hbm>>
    %dma_start3A_304 = tpu.memref_slice %arg11[%dma_start3A_296, %dma_start3A_297] : memref<4x2x!tpu.dma_semaphore, #tpu.memory_space<semaphore_mem>> -> memref<1x1x!tpu.dma_semaphore, #tpu.memory_space<semaphore_mem>>
    %dma_start3A_305 = tpu.memref_squeeze %dma_start3A_304 : memref<1x1x!tpu.dma_semaphore, #tpu.memory_space<semaphore_mem>> -> memref<!tpu.dma_semaphore, #tpu.memory_space<semaphore_mem>>
    %dma_start3A_306 = arith.constant 0 : i32
    %dma_start3A_307 = tpu.memref_slice %arg5[%dma_start3A_295, %add3A_294, %dma_start3A_306] : memref<4x2048x128xf32, #tpu.memory_space<hbm>> -> memref<1x32x128xf32, #tpu.memory_space<hbm>>
    %dma_start3A_308 = tpu.memref_squeeze %dma_start3A_307 : memref<1x32x128xf32, #tpu.memory_space<hbm>> -> memref<32x128xf32, #tpu.memory_space<hbm>>
    %dma_start3A_309 = arith.constant 64 : i32
    %dma_start3A_310 = arith.constant 0 : i32
    %dma_start3A_311 = tpu.memref_slice %arg7[%dma_start3A_309, %dma_start3A_310] : memref<256x128xf32, #tpu.memory_space<vmem>> -> memref<32x128xf32, #tpu.memory_space<vmem>>
    tpu.enqueue_dma source(%dma_start3A_311 : memref<32x128xf32, #tpu.memory_space<vmem>>) target(%dma_start3A_308 : memref<32x128xf32, #tpu.memory_space<hbm>>) target_semaphore(%dma_start3A_305 : memref<!tpu.dma_semaphore, #tpu.memory_space<semaphore_mem>>)
    %dma_wait3A_312 = arith.constant 0 : i32
    %dma_wait3A_313 = arith.constant 0 : i32
    %dma_wait3A_314 = arith.constant 1 : i32
    %dma_wait3A_315 = arith.constant 32 : i32
    %dma_wait3A_316 = arith.constant 0 : i32
    %dma_wait3A_317 = tpu.memref_slice %arg7[%dma_wait3A_315, %dma_wait3A_316] : memref<256x128xf32, #tpu.memory_space<vmem>> -> memref<32x128xf32, #tpu.memory_space<vmem>>
    %dma_wait3A_318 = arith.constant 32 : i32
    %dma_wait3A_319 = tpu.memref_slice %arg6[%dma_wait3A_312, %dma_wait3A_318] : memref<4x64xi32, #tpu.memory_space<vmem>> -> memref<1x32xi32, #tpu.memory_space<vmem>>
    %dma_wait3A_320 = tpu.memref_squeeze %dma_wait3A_319 : memref<1x32xi32, #tpu.memory_space<vmem>> -> memref<32xi32, #tpu.memory_space<vmem>>
    %dma_wait3A_321 = arith.constant 0 : i32
    %dma_wait3A_322 = arith.constant 0 : i32
    %dma_wait3A_323 = tpu.memref_slice %arg3[%dma_wait3A_321, %dma_wait3A_322] : memref<100000x128xf32, #tpu.memory_space<hbm>> -> memref<100000x128xf32, #tpu.memory_space<hbm>>
    %dma_wait3A_324 = tpu.memref_slice %arg10[%dma_wait3A_313, %dma_wait3A_314] : memref<4x2x!tpu.dma_semaphore, #tpu.memory_space<semaphore_mem>> -> memref<1x1x!tpu.dma_semaphore, #tpu.memory_space<semaphore_mem>>
    %dma_wait3A_325 = tpu.memref_squeeze %dma_wait3A_324 : memref<1x1x!tpu.dma_semaphore, #tpu.memory_space<semaphore_mem>> -> memref<!tpu.dma_semaphore, #tpu.memory_space<semaphore_mem>>
    tpu.wait_indirect_dma semaphore(%dma_wait3A_325 : memref<!tpu.dma_semaphore, #tpu.memory_space<semaphore_mem>>) src(%dma_wait3A_323 : memref<100000x128xf32, #tpu.memory_space<hbm>>) dst(%dma_wait3A_317 : memref<32x128xf32, #tpu.memory_space<vmem>>)
    %dma_wait3A_326 = arith.constant 1 : i32
    %dma_wait3A_327 = arith.constant 1 : i32
    %dma_wait3A_328 = arith.constant 1 : i32
    %dma_wait3A_329 = arith.constant 96 : i32
    %dma_wait3A_330 = arith.constant 0 : i32
    %dma_wait3A_331 = tpu.memref_slice %arg7[%dma_wait3A_329, %dma_wait3A_330] : memref<256x128xf32, #tpu.memory_space<vmem>> -> memref<32x128xf32, #tpu.memory_space<vmem>>
    %dma_wait3A_332 = arith.constant 32 : i32
    %dma_wait3A_333 = tpu.memref_slice %arg6[%dma_wait3A_326, %dma_wait3A_332] : memref<4x64xi32, #tpu.memory_space<vmem>> -> memref<1x32xi32, #tpu.memory_space<vmem>>
    %dma_wait3A_334 = tpu.memref_squeeze %dma_wait3A_333 : memref<1x32xi32, #tpu.memory_space<vmem>> -> memref<32xi32, #tpu.memory_space<vmem>>
    %dma_wait3A_335 = arith.constant 0 : i32
    %dma_wait3A_336 = arith.constant 0 : i32
    %dma_wait3A_337 = tpu.memref_slice %arg3[%dma_wait3A_335, %dma_wait3A_336] : memref<100000x128xf32, #tpu.memory_space<hbm>> -> memref<100000x128xf32, #tpu.memory_space<hbm>>
    %dma_wait3A_338 = tpu.memref_slice %arg10[%dma_wait3A_327, %dma_wait3A_328] : memref<4x2x!tpu.dma_semaphore, #tpu.memory_space<semaphore_mem>> -> memref<1x1x!tpu.dma_semaphore, #tpu.memory_space<semaphore_mem>>
    %dma_wait3A_339 = tpu.memref_squeeze %dma_wait3A_338 : memref<1x1x!tpu.dma_semaphore, #tpu.memory_space<semaphore_mem>> -> memref<!tpu.dma_semaphore, #tpu.memory_space<semaphore_mem>>
    tpu.wait_indirect_dma semaphore(%dma_wait3A_339 : memref<!tpu.dma_semaphore, #tpu.memory_space<semaphore_mem>>) src(%dma_wait3A_337 : memref<100000x128xf32, #tpu.memory_space<hbm>>) dst(%dma_wait3A_331 : memref<32x128xf32, #tpu.memory_space<vmem>>)
    %scan3A_340 = arith.constant 0 : i32
    %scan3A_341 = arith.constant 32 : i32
    %scan3A_342 = arith.constant 32 : i32
    %scan3A_343 = arith.addi %scan3A_341, %scan3A_342 : i32
    %scan3A_344 = arith.constant 1 : i32
    scf.for %scan3A_664 = %scan3A_341 to %scan3A_343 step %scan3A_344  : i32 {
      %get3A = arith.index_cast %scan3A_664 : i32 to index
      %get3A_665 = arith.constant 0 : index
      %get3A_666 = tpu.vector_load %arg8[%get3A, %get3A_665] {strides = array<i32>} : memref<64x128xf32, #tpu.memory_space<vmem>>, vector<1x16xf32>,
      %get3A_667 = vector.shape_cast %get3A_666 : vector<1x16xf32> to vector<16xf32>
      %get3A_668 = arith.index_cast %scan3A_664 : i32 to index
      %get3A_669 = arith.constant 16 : index
      %get3A_670 = tpu.vector_load %arg8[%get3A_668, %get3A_669] {strides = array<i32>} : memref<64x128xf32, #tpu.memory_space<vmem>>, vector<1x16xf32>,
      %get3A_671 = vector.shape_cast %get3A_670 : vector<1x16xf32> to vector<16xf32>
      %get3A_672 = arith.index_cast %scan3A_664 : i32 to index
      %get3A_673 = arith.constant 32 : index
      %get3A_674 = tpu.vector_load %arg8[%get3A_672, %get3A_673] {strides = array<i32>} : memref<64x128xf32, #tpu.memory_space<vmem>>, vector<1x16xf32>,
      %get3A_675 = vector.shape_cast %get3A_674 : vector<1x16xf32> to vector<16xf32>
      %get3A_676 = arith.index_cast %scan3A_664 : i32 to index
      %get3A_677 = arith.constant 48 : index
      %get3A_678 = tpu.vector_load %arg8[%get3A_676, %get3A_677] {strides = array<i32>} : memref<64x128xf32, #tpu.memory_space<vmem>>, vector<1x16xf32>,
      %get3A_679 = vector.shape_cast %get3A_678 : vector<1x16xf32> to vector<16xf32>
      %get3A_680 = arith.index_cast %scan3A_664 : i32 to index
      %get3A_681 = arith.constant 64 : index
      %get3A_682 = tpu.vector_load %arg8[%get3A_680, %get3A_681] {strides = array<i32>} : memref<64x128xf32, #tpu.memory_space<vmem>>, vector<1x16xf32>,
      %get3A_683 = vector.shape_cast %get3A_682 : vector<1x16xf32> to vector<16xf32>
      %get3A_684 = arith.index_cast %scan3A_664 : i32 to index
      %get3A_685 = arith.constant 80 : index
      %get3A_686 = tpu.vector_load %arg8[%get3A_684, %get3A_685] {strides = array<i32>} : memref<64x128xf32, #tpu.memory_space<vmem>>, vector<1x16xf32>,
      %get3A_687 = vector.shape_cast %get3A_686 : vector<1x16xf32> to vector<16xf32>
      %get3A_688 = arith.index_cast %scan3A_664 : i32 to index
      %get3A_689 = arith.constant 96 : index
      %get3A_690 = tpu.vector_load %arg8[%get3A_688, %get3A_689] {strides = array<i32>} : memref<64x128xf32, #tpu.memory_space<vmem>>, vector<1x16xf32>,
      %get3A_691 = vector.shape_cast %get3A_690 : vector<1x16xf32> to vector<16xf32>
      %get3A_692 = arith.index_cast %scan3A_664 : i32 to index
      %get3A_693 = arith.constant 112 : index
      %get3A_694 = tpu.vector_load %arg8[%get3A_692, %get3A_693] {strides = array<i32>} : memref<64x128xf32, #tpu.memory_space<vmem>>, vector<1x16xf32>,
      %get3A_695 = vector.shape_cast %get3A_694 : vector<1x16xf32> to vector<16xf32>
      %add3A_696 = arith.constant 0 : i32
      %add3A_697 = arith.addi %add3A_696, %scan3A_664 : i32
      %get3A_698 = arith.index_cast %add3A_697 : i32 to index
      %get3A_699 = arith.constant 0 : index
      %get3A_700 = tpu.vector_load %arg7[%get3A_698, %get3A_699] {strides = array<i32>} : memref<256x128xf32, #tpu.memory_space<vmem>>, vector<1x16xf32>,
      %get3A_701 = vector.shape_cast %get3A_700 : vector<1x16xf32> to vector<16xf32>
      %add3A_702 = arith.addf %get3A_701, %get3A_667 : vector<16xf32>
      %mul3A_703 = arith.constant 11.3137083 : f32
      %mul3A_704 = vector.broadcast %mul3A_703 : f32 to vector<16xf32>
      %mul3A_705 = arith.mulf %add3A_702, %mul3A_704 : vector<16xf32>
      %swap3A = arith.index_cast %add3A_697 : i32 to index
      %swap3A_706 = arith.constant 0 : index
      %swap3A_707 = tpu.vector_load %arg7[%swap3A, %swap3A_706] {strides = array<i32>} : memref<256x128xf32, #tpu.memory_space<vmem>>, vector<1x16xf32>,
      %swap3A_708 = vector.shape_cast %swap3A_707 : vector<1x16xf32> to vector<16xf32>
      %swap3A_709 = vector.shape_cast %mul3A_705 : vector<16xf32> to vector<1x16xf32>
      tpu.vector_store %arg7[%swap3A, %swap3A_706], %swap3A_709 {strides = array<i32>} : memref<256x128xf32, #tpu.memory_space<vmem>>, vector<1x16xf32>,
      %get3A_710 = arith.index_cast %add3A_697 : i32 to index
      %get3A_711 = arith.constant 16 : index
      %get3A_712 = tpu.vector_load %arg7[%get3A_710, %get3A_711] {strides = array<i32>} : memref<256x128xf32, #tpu.memory_space<vmem>>, vector<1x16xf32>,
      %get3A_713 = vector.shape_cast %get3A_712 : vector<1x16xf32> to vector<16xf32>
      %add3A_714 = arith.addf %get3A_713, %get3A_671 : vector<16xf32>
      %mul3A_715 = arith.constant 11.3137083 : f32
      %mul3A_716 = vector.broadcast %mul3A_715 : f32 to vector<16xf32>
      %mul3A_717 = arith.mulf %add3A_714, %mul3A_716 : vector<16xf32>
      %swap3A_718 = arith.index_cast %add3A_697 : i32 to index
      %swap3A_719 = arith.constant 16 : index
      %swap3A_720 = tpu.vector_load %arg7[%swap3A_718, %swap3A_719] {strides = array<i32>} : memref<256x128xf32, #tpu.memory_space<vmem>>, vector<1x16xf32>,
      %swap3A_721 = vector.shape_cast %swap3A_720 : vector<1x16xf32> to vector<16xf32>
      %swap3A_722 = vector.shape_cast %mul3A_717 : vector<16xf32> to vector<1x16xf32>
      tpu.vector_store %arg7[%swap3A_718, %swap3A_719], %swap3A_722 {strides = array<i32>} : memref<256x128xf32, #tpu.memory_space<vmem>>, vector<1x16xf32>,
      %get3A_723 = arith.index_cast %add3A_697 : i32 to index
      %get3A_724 = arith.constant 32 : index
      %get3A_725 = tpu.vector_load %arg7[%get3A_723, %get3A_724] {strides = array<i32>} : memref<256x128xf32, #tpu.memory_space<vmem>>, vector<1x16xf32>,
      %get3A_726 = vector.shape_cast %get3A_725 : vector<1x16xf32> to vector<16xf32>
      %add3A_727 = arith.addf %get3A_726, %get3A_675 : vector<16xf32>
      %mul3A_728 = arith.constant 11.3137083 : f32
      %mul3A_729 = vector.broadcast %mul3A_728 : f32 to vector<16xf32>
      %mul3A_730 = arith.mulf %add3A_727, %mul3A_729 : vector<16xf32>
      %swap3A_731 = arith.index_cast %add3A_697 : i32 to index
      %swap3A_732 = arith.constant 32 : index
      %swap3A_733 = tpu.vector_load %arg7[%swap3A_731, %swap3A_732] {strides = array<i32>} : memref<256x128xf32, #tpu.memory_space<vmem>>, vector<1x16xf32>,
      %swap3A_734 = vector.shape_cast %swap3A_733 : vector<1x16xf32> to vector<16xf32>
      %swap3A_735 = vector.shape_cast %mul3A_730 : vector<16xf32> to vector<1x16xf32>
      tpu.vector_store %arg7[%swap3A_731, %swap3A_732], %swap3A_735 {strides = array<i32>} : memref<256x128xf32, #tpu.memory_space<vmem>>, vector<1x16xf32>,
      %get3A_736 = arith.index_cast %add3A_697 : i32 to index
      %get3A_737 = arith.constant 48 : index
      %get3A_738 = tpu.vector_load %arg7[%get3A_736, %get3A_737] {strides = array<i32>} : memref<256x128xf32, #tpu.memory_space<vmem>>, vector<1x16xf32>,
      %get3A_739 = vector.shape_cast %get3A_738 : vector<1x16xf32> to vector<16xf32>
      %add3A_740 = arith.addf %get3A_739, %get3A_679 : vector<16xf32>
      %mul3A_741 = arith.constant 11.3137083 : f32
      %mul3A_742 = vector.broadcast %mul3A_741 : f32 to vector<16xf32>
      %mul3A_743 = arith.mulf %add3A_740, %mul3A_742 : vector<16xf32>
      %swap3A_744 = arith.index_cast %add3A_697 : i32 to index
      %swap3A_745 = arith.constant 48 : index
      %swap3A_746 = tpu.vector_load %arg7[%swap3A_744, %swap3A_745] {strides = array<i32>} : memref<256x128xf32, #tpu.memory_space<vmem>>, vector<1x16xf32>,
      %swap3A_747 = vector.shape_cast %swap3A_746 : vector<1x16xf32> to vector<16xf32>
      %swap3A_748 = vector.shape_cast %mul3A_743 : vector<16xf32> to vector<1x16xf32>
      tpu.vector_store %arg7[%swap3A_744, %swap3A_745], %swap3A_748 {strides = array<i32>} : memref<256x128xf32, #tpu.memory_space<vmem>>, vector<1x16xf32>,
      %get3A_749 = arith.index_cast %add3A_697 : i32 to index
      %get3A_750 = arith.constant 64 : index
      %get3A_751 = tpu.vector_load %arg7[%get3A_749, %get3A_750] {strides = array<i32>} : memref<256x128xf32, #tpu.memory_space<vmem>>, vector<1x16xf32>,
      %get3A_752 = vector.shape_cast %get3A_751 : vector<1x16xf32> to vector<16xf32>
      %add3A_753 = arith.addf %get3A_752, %get3A_683 : vector<16xf32>
      %mul3A_754 = arith.constant 11.3137083 : f32
      %mul3A_755 = vector.broadcast %mul3A_754 : f32 to vector<16xf32>
      %mul3A_756 = arith.mulf %add3A_753, %mul3A_755 : vector<16xf32>
      %swap3A_757 = arith.index_cast %add3A_697 : i32 to index
      %swap3A_758 = arith.constant 64 : index
      %swap3A_759 = tpu.vector_load %arg7[%swap3A_757, %swap3A_758] {strides = array<i32>} : memref<256x128xf32, #tpu.memory_space<vmem>>, vector<1x16xf32>,
      %swap3A_760 = vector.shape_cast %swap3A_759 : vector<1x16xf32> to vector<16xf32>
      %swap3A_761 = vector.shape_cast %mul3A_756 : vector<16xf32> to vector<1x16xf32>
      tpu.vector_store %arg7[%swap3A_757, %swap3A_758], %swap3A_761 {strides = array<i32>} : memref<256x128xf32, #tpu.memory_space<vmem>>, vector<1x16xf32>,
      %get3A_762 = arith.index_cast %add3A_697 : i32 to index
      %get3A_763 = arith.constant 80 : index
      %get3A_764 = tpu.vector_load %arg7[%get3A_762, %get3A_763] {strides = array<i32>} : memref<256x128xf32, #tpu.memory_space<vmem>>, vector<1x16xf32>,
      %get3A_765 = vector.shape_cast %get3A_764 : vector<1x16xf32> to vector<16xf32>
      %add3A_766 = arith.addf %get3A_765, %get3A_687 : vector<16xf32>
      %mul3A_767 = arith.constant 11.3137083 : f32
      %mul3A_768 = vector.broadcast %mul3A_767 : f32 to vector<16xf32>
      %mul3A_769 = arith.mulf %add3A_766, %mul3A_768 : vector<16xf32>
      %swap3A_770 = arith.index_cast %add3A_697 : i32 to index
      %swap3A_771 = arith.constant 80 : index
      %swap3A_772 = tpu.vector_load %arg7[%swap3A_770, %swap3A_771] {strides = array<i32>} : memref<256x128xf32, #tpu.memory_space<vmem>>, vector<1x16xf32>,
      %swap3A_773 = vector.shape_cast %swap3A_772 : vector<1x16xf32> to vector<16xf32>
      %swap3A_774 = vector.shape_cast %mul3A_769 : vector<16xf32> to vector<1x16xf32>
      tpu.vector_store %arg7[%swap3A_770, %swap3A_771], %swap3A_774 {strides = array<i32>} : memref<256x128xf32, #tpu.memory_space<vmem>>, vector<1x16xf32>,
      %get3A_775 = arith.index_cast %add3A_697 : i32 to index
      %get3A_776 = arith.constant 96 : index
      %get3A_777 = tpu.vector_load %arg7[%get3A_775, %get3A_776] {strides = array<i32>} : memref<256x128xf32, #tpu.memory_space<vmem>>, vector<1x16xf32>,
      %get3A_778 = vector.shape_cast %get3A_777 : vector<1x16xf32> to vector<16xf32>
      %add3A_779 = arith.addf %get3A_778, %get3A_691 : vector<16xf32>
      %mul3A_780 = arith.constant 11.3137083 : f32
      %mul3A_781 = vector.broadcast %mul3A_780 : f32 to vector<16xf32>
      %mul3A_782 = arith.mulf %add3A_779, %mul3A_781 : vector<16xf32>
      %swap3A_783 = arith.index_cast %add3A_697 : i32 to index
      %swap3A_784 = arith.constant 96 : index
      %swap3A_785 = tpu.vector_load %arg7[%swap3A_783, %swap3A_784] {strides = array<i32>} : memref<256x128xf32, #tpu.memory_space<vmem>>, vector<1x16xf32>,
      %swap3A_786 = vector.shape_cast %swap3A_785 : vector<1x16xf32> to vector<16xf32>
      %swap3A_787 = vector.shape_cast %mul3A_782 : vector<16xf32> to vector<1x16xf32>
      tpu.vector_store %arg7[%swap3A_783, %swap3A_784], %swap3A_787 {strides = array<i32>} : memref<256x128xf32, #tpu.memory_space<vmem>>, vector<1x16xf32>,
      %get3A_788 = arith.index_cast %add3A_697 : i32 to index
      %get3A_789 = arith.constant 112 : index
      %get3A_790 = tpu.vector_load %arg7[%get3A_788, %get3A_789] {strides = array<i32>} : memref<256x128xf32, #tpu.memory_space<vmem>>, vector<1x16xf32>,
      %get3A_791 = vector.shape_cast %get3A_790 : vector<1x16xf32> to vector<16xf32>
      %add3A_792 = arith.addf %get3A_791, %get3A_695 : vector<16xf32>
      %mul3A_793 = arith.constant 11.3137083 : f32
      %mul3A_794 = vector.broadcast %mul3A_793 : f32 to vector<16xf32>
      %mul3A_795 = arith.mulf %add3A_792, %mul3A_794 : vector<16xf32>
      %swap3A_796 = arith.index_cast %add3A_697 : i32 to index
      %swap3A_797 = arith.constant 112 : index
      %swap3A_798 = tpu.vector_load %arg7[%swap3A_796, %swap3A_797] {strides = array<i32>} : memref<256x128xf32, #tpu.memory_space<vmem>>, vector<1x16xf32>,
      %swap3A_799 = vector.shape_cast %swap3A_798 : vector<1x16xf32> to vector<16xf32>
      %swap3A_800 = vector.shape_cast %mul3A_795 : vector<16xf32> to vector<1x16xf32>
      tpu.vector_store %arg7[%swap3A_796, %swap3A_797], %swap3A_800 {strides = array<i32>} : memref<256x128xf32, #tpu.memory_space<vmem>>, vector<1x16xf32>,
      %add3A_801 = arith.constant 64 : i32
      %add3A_802 = arith.addi %add3A_801, %scan3A_664 : i32
      %get3A_803 = arith.index_cast %add3A_802 : i32 to index
      %get3A_804 = arith.constant 0 : index
      %get3A_805 = tpu.vector_load %arg7[%get3A_803, %get3A_804] {strides = array<i32>} : memref<256x128xf32, #tpu.memory_space<vmem>>, vector<1x16xf32>,
      %get3A_806 = vector.shape_cast %get3A_805 : vector<1x16xf32> to vector<16xf32>
      %add3A_807 = arith.addf %get3A_806, %get3A_667 : vector<16xf32>
      %mul3A_808 = arith.constant 11.3137083 : f32
      %mul3A_809 = vector.broadcast %mul3A_808 : f32 to vector<16xf32>
      %mul3A_810 = arith.mulf %add3A_807, %mul3A_809 : vector<16xf32>
      %swap3A_811 = arith.index_cast %add3A_802 : i32 to index
      %swap3A_812 = arith.constant 0 : index
      %swap3A_813 = tpu.vector_load %arg7[%swap3A_811, %swap3A_812] {strides = array<i32>} : memref<256x128xf32, #tpu.memory_space<vmem>>, vector<1x16xf32>,
      %swap3A_814 = vector.shape_cast %swap3A_813 : vector<1x16xf32> to vector<16xf32>
      %swap3A_815 = vector.shape_cast %mul3A_810 : vector<16xf32> to vector<1x16xf32>
      tpu.vector_store %arg7[%swap3A_811, %swap3A_812], %swap3A_815 {strides = array<i32>} : memref<256x128xf32, #tpu.memory_space<vmem>>, vector<1x16xf32>,
      %get3A_816 = arith.index_cast %add3A_802 : i32 to index
      %get3A_817 = arith.constant 16 : index
      %get3A_818 = tpu.vector_load %arg7[%get3A_816, %get3A_817] {strides = array<i32>} : memref<256x128xf32, #tpu.memory_space<vmem>>, vector<1x16xf32>,
      %get3A_819 = vector.shape_cast %get3A_818 : vector<1x16xf32> to vector<16xf32>
      %add3A_820 = arith.addf %get3A_819, %get3A_671 : vector<16xf32>
      %mul3A_821 = arith.constant 11.3137083 : f32
      %mul3A_822 = vector.broadcast %mul3A_821 : f32 to vector<16xf32>
      %mul3A_823 = arith.mulf %add3A_820, %mul3A_822 : vector<16xf32>
      %swap3A_824 = arith.index_cast %add3A_802 : i32 to index
      %swap3A_825 = arith.constant 16 : index
      %swap3A_826 = tpu.vector_load %arg7[%swap3A_824, %swap3A_825] {strides = array<i32>} : memref<256x128xf32, #tpu.memory_space<vmem>>, vector<1x16xf32>,
      %swap3A_827 = vector.shape_cast %swap3A_826 : vector<1x16xf32> to vector<16xf32>
      %swap3A_828 = vector.shape_cast %mul3A_823 : vector<16xf32> to vector<1x16xf32>
      tpu.vector_store %arg7[%swap3A_824, %swap3A_825], %swap3A_828 {strides = array<i32>} : memref<256x128xf32, #tpu.memory_space<vmem>>, vector<1x16xf32>,
      %get3A_829 = arith.index_cast %add3A_802 : i32 to index
      %get3A_830 = arith.constant 32 : index
      %get3A_831 = tpu.vector_load %arg7[%get3A_829, %get3A_830] {strides = array<i32>} : memref<256x128xf32, #tpu.memory_space<vmem>>, vector<1x16xf32>,
      %get3A_832 = vector.shape_cast %get3A_831 : vector<1x16xf32> to vector<16xf32>
      %add3A_833 = arith.addf %get3A_832, %get3A_675 : vector<16xf32>
      %mul3A_834 = arith.constant 11.3137083 : f32
      %mul3A_835 = vector.broadcast %mul3A_834 : f32 to vector<16xf32>
      %mul3A_836 = arith.mulf %add3A_833, %mul3A_835 : vector<16xf32>
      %swap3A_837 = arith.index_cast %add3A_802 : i32 to index
      %swap3A_838 = arith.constant 32 : index
      %swap3A_839 = tpu.vector_load %arg7[%swap3A_837, %swap3A_838] {strides = array<i32>} : memref<256x128xf32, #tpu.memory_space<vmem>>, vector<1x16xf32>,
      %swap3A_840 = vector.shape_cast %swap3A_839 : vector<1x16xf32> to vector<16xf32>
      %swap3A_841 = vector.shape_cast %mul3A_836 : vector<16xf32> to vector<1x16xf32>
      tpu.vector_store %arg7[%swap3A_837, %swap3A_838], %swap3A_841 {strides = array<i32>} : memref<256x128xf32, #tpu.memory_space<vmem>>, vector<1x16xf32>,
      %get3A_842 = arith.index_cast %add3A_802 : i32 to index
      %get3A_843 = arith.constant 48 : index
      %get3A_844 = tpu.vector_load %arg7[%get3A_842, %get3A_843] {strides = array<i32>} : memref<256x128xf32, #tpu.memory_space<vmem>>, vector<1x16xf32>,
      %get3A_845 = vector.shape_cast %get3A_844 : vector<1x16xf32> to vector<16xf32>
      %add3A_846 = arith.addf %get3A_845, %get3A_679 : vector<16xf32>
      %mul3A_847 = arith.constant 11.3137083 : f32
      %mul3A_848 = vector.broadcast %mul3A_847 : f32 to vector<16xf32>
      %mul3A_849 = arith.mulf %add3A_846, %mul3A_848 : vector<16xf32>
      %swap3A_850 = arith.index_cast %add3A_802 : i32 to index
      %swap3A_851 = arith.constant 48 : index
      %swap3A_852 = tpu.vector_load %arg7[%swap3A_850, %swap3A_851] {strides = array<i32>} : memref<256x128xf32, #tpu.memory_space<vmem>>, vector<1x16xf32>,
      %swap3A_853 = vector.shape_cast %swap3A_852 : vector<1x16xf32> to vector<16xf32>
      %swap3A_854 = vector.shape_cast %mul3A_849 : vector<16xf32> to vector<1x16xf32>
      tpu.vector_store %arg7[%swap3A_850, %swap3A_851], %swap3A_854 {strides = array<i32>} : memref<256x128xf32, #tpu.memory_space<vmem>>, vector<1x16xf32>,
      %get3A_855 = arith.index_cast %add3A_802 : i32 to index
      %get3A_856 = arith.constant 64 : index
      %get3A_857 = tpu.vector_load %arg7[%get3A_855, %get3A_856] {strides = array<i32>} : memref<256x128xf32, #tpu.memory_space<vmem>>, vector<1x16xf32>,
      %get3A_858 = vector.shape_cast %get3A_857 : vector<1x16xf32> to vector<16xf32>
      %add3A_859 = arith.addf %get3A_858, %get3A_683 : vector<16xf32>
      %mul3A_860 = arith.constant 11.3137083 : f32
      %mul3A_861 = vector.broadcast %mul3A_860 : f32 to vector<16xf32>
      %mul3A_862 = arith.mulf %add3A_859, %mul3A_861 : vector<16xf32>
      %swap3A_863 = arith.index_cast %add3A_802 : i32 to index
      %swap3A_864 = arith.constant 64 : index
      %swap3A_865 = tpu.vector_load %arg7[%swap3A_863, %swap3A_864] {strides = array<i32>} : memref<256x128xf32, #tpu.memory_space<vmem>>, vector<1x16xf32>,
      %swap3A_866 = vector.shape_cast %swap3A_865 : vector<1x16xf32> to vector<16xf32>
      %swap3A_867 = vector.shape_cast %mul3A_862 : vector<16xf32> to vector<1x16xf32>
      tpu.vector_store %arg7[%swap3A_863, %swap3A_864], %swap3A_867 {strides = array<i32>} : memref<256x128xf32, #tpu.memory_space<vmem>>, vector<1x16xf32>,
      %get3A_868 = arith.index_cast %add3A_802 : i32 to index
      %get3A_869 = arith.constant 80 : index
      %get3A_870 = tpu.vector_load %arg7[%get3A_868, %get3A_869] {strides = array<i32>} : memref<256x128xf32, #tpu.memory_space<vmem>>, vector<1x16xf32>,
      %get3A_871 = vector.shape_cast %get3A_870 : vector<1x16xf32> to vector<16xf32>
      %add3A_872 = arith.addf %get3A_871, %get3A_687 : vector<16xf32>
      %mul3A_873 = arith.constant 11.3137083 : f32
      %mul3A_874 = vector.broadcast %mul3A_873 : f32 to vector<16xf32>
      %mul3A_875 = arith.mulf %add3A_872, %mul3A_874 : vector<16xf32>
      %swap3A_876 = arith.index_cast %add3A_802 : i32 to index
      %swap3A_877 = arith.constant 80 : index
      %swap3A_878 = tpu.vector_load %arg7[%swap3A_876, %swap3A_877] {strides = array<i32>} : memref<256x128xf32, #tpu.memory_space<vmem>>, vector<1x16xf32>,
      %swap3A_879 = vector.shape_cast %swap3A_878 : vector<1x16xf32> to vector<16xf32>
      %swap3A_880 = vector.shape_cast %mul3A_875 : vector<16xf32> to vector<1x16xf32>
      tpu.vector_store %arg7[%swap3A_876, %swap3A_877], %swap3A_880 {strides = array<i32>} : memref<256x128xf32, #tpu.memory_space<vmem>>, vector<1x16xf32>,
      %get3A_881 = arith.index_cast %add3A_802 : i32 to index
      %get3A_882 = arith.constant 96 : index
      %get3A_883 = tpu.vector_load %arg7[%get3A_881, %get3A_882] {strides = array<i32>} : memref<256x128xf32, #tpu.memory_space<vmem>>, vector<1x16xf32>,
      %get3A_884 = vector.shape_cast %get3A_883 : vector<1x16xf32> to vector<16xf32>
      %add3A_885 = arith.addf %get3A_884, %get3A_691 : vector<16xf32>
      %mul3A_886 = arith.constant 11.3137083 : f32
      %mul3A_887 = vector.broadcast %mul3A_886 : f32 to vector<16xf32>
      %mul3A_888 = arith.mulf %add3A_885, %mul3A_887 : vector<16xf32>
      %swap3A_889 = arith.index_cast %add3A_802 : i32 to index
      %swap3A_890 = arith.constant 96 : index
      %swap3A_891 = tpu.vector_load %arg7[%swap3A_889, %swap3A_890] {strides = array<i32>} : memref<256x128xf32, #tpu.memory_space<vmem>>, vector<1x16xf32>,
      %swap3A_892 = vector.shape_cast %swap3A_891 : vector<1x16xf32> to vector<16xf32>
      %swap3A_893 = vector.shape_cast %mul3A_888 : vector<16xf32> to vector<1x16xf32>
      tpu.vector_store %arg7[%swap3A_889, %swap3A_890], %swap3A_893 {strides = array<i32>} : memref<256x128xf32, #tpu.memory_space<vmem>>, vector<1x16xf32>,
      %get3A_894 = arith.index_cast %add3A_802 : i32 to index
      %get3A_895 = arith.constant 112 : index
      %get3A_896 = tpu.vector_load %arg7[%get3A_894, %get3A_895] {strides = array<i32>} : memref<256x128xf32, #tpu.memory_space<vmem>>, vector<1x16xf32>,
      %get3A_897 = vector.shape_cast %get3A_896 : vector<1x16xf32> to vector<16xf32>
      %add3A_898 = arith.addf %get3A_897, %get3A_695 : vector<16xf32>
      %mul3A_899 = arith.constant 11.3137083 : f32
      %mul3A_900 = vector.broadcast %mul3A_899 : f32 to vector<16xf32>
      %mul3A_901 = arith.mulf %add3A_898, %mul3A_900 : vector<16xf32>
      %swap3A_902 = arith.index_cast %add3A_802 : i32 to index
      %swap3A_903 = arith.constant 112 : index
      %swap3A_904 = tpu.vector_load %arg7[%swap3A_902, %swap3A_903] {strides = array<i32>} : memref<256x128xf32, #tpu.memory_space<vmem>>, vector<1x16xf32>,
      %swap3A_905 = vector.shape_cast %swap3A_904 : vector<1x16xf32> to vector<16xf32>
      %swap3A_906 = vector.shape_cast %mul3A_901 : vector<16xf32> to vector<1x16xf32>
      tpu.vector_store %arg7[%swap3A_902, %swap3A_903], %swap3A_906 {strides = array<i32>} : memref<256x128xf32, #tpu.memory_space<vmem>>, vector<1x16xf32>,
    }
    %scan3A_345 = arith.constant 32 : i32
    %add3A_346 = arith.constant 32 : i32
    %add3A_347 = arith.addi %mul3A_2, %add3A_346 : i32
    %dma_start3A_348 = arith.constant 0 : i32
    %dma_start3A_349 = arith.constant 0 : i32
    %dma_start3A_350 = arith.constant 1 : i32
    %dma_start3A_351 = arith.constant 32 : i32
    %dma_start3A_352 = arith.constant 0 : i32
    %dma_start3A_353 = tpu.memref_slice %arg7[%dma_start3A_351, %dma_start3A_352] : memref<256x128xf32, #tpu.memory_space<vmem>> -> memref<32x128xf32, #tpu.memory_space<vmem>>
    %dma_start3A_354 = arith.constant 0 : i32
    %dma_start3A_355 = tpu.memref_slice %arg5[%dma_start3A_348, %add3A_347, %dma_start3A_354] : memref<4x2048x128xf32, #tpu.memory_space<hbm>> -> memref<1x32x128xf32, #tpu.memory_space<hbm>>
    %dma_start3A_356 = tpu.memref_squeeze %dma_start3A_355 : memref<1x32x128xf32, #tpu.memory_space<hbm>> -> memref<32x128xf32, #tpu.memory_space<hbm>>
    %dma_start3A_357 = tpu.memref_slice %arg11[%dma_start3A_349, %dma_start3A_350] : memref<4x2x!tpu.dma_semaphore, #tpu.memory_space<semaphore_mem>> -> memref<1x1x!tpu.dma_semaphore, #tpu.memory_space<semaphore_mem>>
    %dma_start3A_358 = tpu.memref_squeeze %dma_start3A_357 : memref<1x1x!tpu.dma_semaphore, #tpu.memory_space<semaphore_mem>> -> memref<!tpu.dma_semaphore, #tpu.memory_space<semaphore_mem>>
    %dma_start3A_359 = arith.constant 0 : i32
    %dma_start3A_360 = tpu.memref_slice %arg5[%dma_start3A_348, %add3A_347, %dma_start3A_359] : memref<4x2048x128xf32, #tpu.memory_space<hbm>> -> memref<1x32x128xf32, #tpu.memory_space<hbm>>
    %dma_start3A_361 = tpu.memref_squeeze %dma_start3A_360 : memref<1x32x128xf32, #tpu.memory_space<hbm>> -> memref<32x128xf32, #tpu.memory_space<hbm>>
    %dma_start3A_362 = arith.constant 32 : i32
    %dma_start3A_363 = arith.constant 0 : i32
    %dma_start3A_364 = tpu.memref_slice %arg7[%dma_start3A_362, %dma_start3A_363] : memref<256x128xf32, #tpu.memory_space<vmem>> -> memref<32x128xf32, #tpu.memory_space<vmem>>
    tpu.enqueue_dma source(%dma_start3A_364 : memref<32x128xf32, #tpu.memory_space<vmem>>) target(%dma_start3A_361 : memref<32x128xf32, #tpu.memory_space<hbm>>) target_semaphore(%dma_start3A_358 : memref<!tpu.dma_semaphore, #tpu.memory_space<semaphore_mem>>)
    %add3A_365 = arith.constant 32 : i32
    %add3A_366 = arith.addi %mul3A_2, %add3A_365 : i32
    %dma_start3A_367 = arith.constant 1 : i32
    %dma_start3A_368 = arith.constant 1 : i32
    %dma_start3A_369 = arith.constant 1 : i32
    %dma_start3A_370 = arith.constant 96 : i32
    %dma_start3A_371 = arith.constant 0 : i32
    %dma_start3A_372 = tpu.memref_slice %arg7[%dma_start3A_370, %dma_start3A_371] : memref<256x128xf32, #tpu.memory_space<vmem>> -> memref<32x128xf32, #tpu.memory_space<vmem>>
    %dma_start3A_373 = arith.constant 0 : i32
    %dma_start3A_374 = tpu.memref_slice %arg5[%dma_start3A_367, %add3A_366, %dma_start3A_373] : memref<4x2048x128xf32, #tpu.memory_space<hbm>> -> memref<1x32x128xf32, #tpu.memory_space<hbm>>
    %dma_start3A_375 = tpu.memref_squeeze %dma_start3A_374 : memref<1x32x128xf32, #tpu.memory_space<hbm>> -> memref<32x128xf32, #tpu.memory_space<hbm>>
    %dma_start3A_376 = tpu.memref_slice %arg11[%dma_start3A_368, %dma_start3A_369] : memref<4x2x!tpu.dma_semaphore, #tpu.memory_space<semaphore_mem>> -> memref<1x1x!tpu.dma_semaphore, #tpu.memory_space<semaphore_mem>>
    %dma_start3A_377 = tpu.memref_squeeze %dma_start3A_376 : memref<1x1x!tpu.dma_semaphore, #tpu.memory_space<semaphore_mem>> -> memref<!tpu.dma_semaphore, #tpu.memory_space<semaphore_mem>>
    %dma_start3A_378 = arith.constant 0 : i32
    %dma_start3A_379 = tpu.memref_slice %arg5[%dma_start3A_367, %add3A_366, %dma_start3A_378] : memref<4x2048x128xf32, #tpu.memory_space<hbm>> -> memref<1x32x128xf32, #tpu.memory_space<hbm>>
    %dma_start3A_380 = tpu.memref_squeeze %dma_start3A_379 : memref<1x32x128xf32, #tpu.memory_space<hbm>> -> memref<32x128xf32, #tpu.memory_space<hbm>>
    %dma_start3A_381 = arith.constant 96 : i32
    %dma_start3A_382 = arith.constant 0 : i32
    %dma_start3A_383 = tpu.memref_slice %arg7[%dma_start3A_381, %dma_start3A_382] : memref<256x128xf32, #tpu.memory_space<vmem>> -> memref<32x128xf32, #tpu.memory_space<vmem>>
    tpu.enqueue_dma source(%dma_start3A_383 : memref<32x128xf32, #tpu.memory_space<vmem>>) target(%dma_start3A_380 : memref<32x128xf32, #tpu.memory_space<hbm>>) target_semaphore(%dma_start3A_377 : memref<!tpu.dma_semaphore, #tpu.memory_space<semaphore_mem>>)
    %dma_wait3A_384 = arith.constant 2 : i32
    %dma_wait3A_385 = arith.constant 2 : i32
    %dma_wait3A_386 = arith.constant 0 : i32
    %dma_wait3A_387 = arith.constant 128 : i32
    %dma_wait3A_388 = arith.constant 0 : i32
    %dma_wait3A_389 = tpu.memref_slice %arg7[%dma_wait3A_387, %dma_wait3A_388] : memref<256x128xf32, #tpu.memory_space<vmem>> -> memref<32x128xf32, #tpu.memory_space<vmem>>
    %dma_wait3A_390 = arith.constant 0 : i32
    %dma_wait3A_391 = tpu.memref_slice %arg6[%dma_wait3A_384, %dma_wait3A_390] : memref<4x64xi32, #tpu.memory_space<vmem>> -> memref<1x32xi32, #tpu.memory_space<vmem>>
    %dma_wait3A_392 = tpu.memref_squeeze %dma_wait3A_391 : memref<1x32xi32, #tpu.memory_space<vmem>> -> memref<32xi32, #tpu.memory_space<vmem>>
    %dma_wait3A_393 = arith.constant 0 : i32
    %dma_wait3A_394 = arith.constant 0 : i32
    %dma_wait3A_395 = tpu.memref_slice %arg3[%dma_wait3A_393, %dma_wait3A_394] : memref<100000x128xf32, #tpu.memory_space<hbm>> -> memref<100000x128xf32, #tpu.memory_space<hbm>>
    %dma_wait3A_396 = tpu.memref_slice %arg10[%dma_wait3A_385, %dma_wait3A_386] : memref<4x2x!tpu.dma_semaphore, #tpu.memory_space<semaphore_mem>> -> memref<1x1x!tpu.dma_semaphore, #tpu.memory_space<semaphore_mem>>
    %dma_wait3A_397 = tpu.memref_squeeze %dma_wait3A_396 : memref<1x1x!tpu.dma_semaphore, #tpu.memory_space<semaphore_mem>> -> memref<!tpu.dma_semaphore, #tpu.memory_space<semaphore_mem>>
    tpu.wait_indirect_dma semaphore(%dma_wait3A_397 : memref<!tpu.dma_semaphore, #tpu.memory_space<semaphore_mem>>) src(%dma_wait3A_395 : memref<100000x128xf32, #tpu.memory_space<hbm>>) dst(%dma_wait3A_389 : memref<32x128xf32, #tpu.memory_space<vmem>>)
    %dma_wait3A_398 = arith.constant 3 : i32
    %dma_wait3A_399 = arith.constant 3 : i32
    %dma_wait3A_400 = arith.constant 0 : i32
    %dma_wait3A_401 = arith.constant 192 : i32
    %dma_wait3A_402 = arith.constant 0 : i32
    %dma_wait3A_403 = tpu.memref_slice %arg7[%dma_wait3A_401, %dma_wait3A_402] : memref<256x128xf32, #tpu.memory_space<vmem>> -> memref<32x128xf32, #tpu.memory_space<vmem>>
    %dma_wait3A_404 = arith.constant 0 : i32
    %dma_wait3A_405 = tpu.memref_slice %arg6[%dma_wait3A_398, %dma_wait3A_404] : memref<4x64xi32, #tpu.memory_space<vmem>> -> memref<1x32xi32, #tpu.memory_space<vmem>>
    %dma_wait3A_406 = tpu.memref_squeeze %dma_wait3A_405 : memref<1x32xi32, #tpu.memory_space<vmem>> -> memref<32xi32, #tpu.memory_space<vmem>>
    %dma_wait3A_407 = arith.constant 0 : i32
    %dma_wait3A_408 = arith.constant 0 : i32
    %dma_wait3A_409 = tpu.memref_slice %arg3[%dma_wait3A_407, %dma_wait3A_408] : memref<100000x128xf32, #tpu.memory_space<hbm>> -> memref<100000x128xf32, #tpu.memory_space<hbm>>
    %dma_wait3A_410 = tpu.memref_slice %arg10[%dma_wait3A_399, %dma_wait3A_400] : memref<4x2x!tpu.dma_semaphore, #tpu.memory_space<semaphore_mem>> -> memref<1x1x!tpu.dma_semaphore, #tpu.memory_space<semaphore_mem>>
    %dma_wait3A_411 = tpu.memref_squeeze %dma_wait3A_410 : memref<1x1x!tpu.dma_semaphore, #tpu.memory_space<semaphore_mem>> -> memref<!tpu.dma_semaphore, #tpu.memory_space<semaphore_mem>>
    tpu.wait_indirect_dma semaphore(%dma_wait3A_411 : memref<!tpu.dma_semaphore, #tpu.memory_space<semaphore_mem>>) src(%dma_wait3A_409 : memref<100000x128xf32, #tpu.memory_space<hbm>>) dst(%dma_wait3A_403 : memref<32x128xf32, #tpu.memory_space<vmem>>)
    %scan3A_412 = arith.constant 0 : i32
    %scan3A_413 = arith.constant 0 : i32
    %scan3A_414 = arith.constant 32 : i32
    %scan3A_415 = arith.addi %scan3A_413, %scan3A_414 : i32
    %scan3A_416 = arith.constant 1 : i32
    scf.for %scan3A_664 = %scan3A_413 to %scan3A_415 step %scan3A_416  : i32 {
      %get3A = arith.index_cast %scan3A_664 : i32 to index
      %get3A_665 = arith.constant 0 : index
      %get3A_666 = tpu.vector_load %arg8[%get3A, %get3A_665] {strides = array<i32>} : memref<64x128xf32, #tpu.memory_space<vmem>>, vector<1x16xf32>,
      %get3A_667 = vector.shape_cast %get3A_666 : vector<1x16xf32> to vector<16xf32>
      %get3A_668 = arith.index_cast %scan3A_664 : i32 to index
      %get3A_669 = arith.constant 16 : index
      %get3A_670 = tpu.vector_load %arg8[%get3A_668, %get3A_669] {strides = array<i32>} : memref<64x128xf32, #tpu.memory_space<vmem>>, vector<1x16xf32>,
      %get3A_671 = vector.shape_cast %get3A_670 : vector<1x16xf32> to vector<16xf32>
      %get3A_672 = arith.index_cast %scan3A_664 : i32 to index
      %get3A_673 = arith.constant 32 : index
      %get3A_674 = tpu.vector_load %arg8[%get3A_672, %get3A_673] {strides = array<i32>} : memref<64x128xf32, #tpu.memory_space<vmem>>, vector<1x16xf32>,
      %get3A_675 = vector.shape_cast %get3A_674 : vector<1x16xf32> to vector<16xf32>
      %get3A_676 = arith.index_cast %scan3A_664 : i32 to index
      %get3A_677 = arith.constant 48 : index
      %get3A_678 = tpu.vector_load %arg8[%get3A_676, %get3A_677] {strides = array<i32>} : memref<64x128xf32, #tpu.memory_space<vmem>>, vector<1x16xf32>,
      %get3A_679 = vector.shape_cast %get3A_678 : vector<1x16xf32> to vector<16xf32>
      %get3A_680 = arith.index_cast %scan3A_664 : i32 to index
      %get3A_681 = arith.constant 64 : index
      %get3A_682 = tpu.vector_load %arg8[%get3A_680, %get3A_681] {strides = array<i32>} : memref<64x128xf32, #tpu.memory_space<vmem>>, vector<1x16xf32>,
      %get3A_683 = vector.shape_cast %get3A_682 : vector<1x16xf32> to vector<16xf32>
      %get3A_684 = arith.index_cast %scan3A_664 : i32 to index
      %get3A_685 = arith.constant 80 : index
      %get3A_686 = tpu.vector_load %arg8[%get3A_684, %get3A_685] {strides = array<i32>} : memref<64x128xf32, #tpu.memory_space<vmem>>, vector<1x16xf32>,
      %get3A_687 = vector.shape_cast %get3A_686 : vector<1x16xf32> to vector<16xf32>
      %get3A_688 = arith.index_cast %scan3A_664 : i32 to index
      %get3A_689 = arith.constant 96 : index
      %get3A_690 = tpu.vector_load %arg8[%get3A_688, %get3A_689] {strides = array<i32>} : memref<64x128xf32, #tpu.memory_space<vmem>>, vector<1x16xf32>,
      %get3A_691 = vector.shape_cast %get3A_690 : vector<1x16xf32> to vector<16xf32>
      %get3A_692 = arith.index_cast %scan3A_664 : i32 to index
      %get3A_693 = arith.constant 112 : index
      %get3A_694 = tpu.vector_load %arg8[%get3A_692, %get3A_693] {strides = array<i32>} : memref<64x128xf32, #tpu.memory_space<vmem>>, vector<1x16xf32>,
      %get3A_695 = vector.shape_cast %get3A_694 : vector<1x16xf32> to vector<16xf32>
      %add3A_696 = arith.constant 128 : i32
      %add3A_697 = arith.addi %add3A_696, %scan3A_664 : i32
      %get3A_698 = arith.index_cast %add3A_697 : i32 to index
      %get3A_699 = arith.constant 0 : index
      %get3A_700 = tpu.vector_load %arg7[%get3A_698, %get3A_699] {strides = array<i32>} : memref<256x128xf32, #tpu.memory_space<vmem>>, vector<1x16xf32>,
      %get3A_701 = vector.shape_cast %get3A_700 : vector<1x16xf32> to vector<16xf32>
      %add3A_702 = arith.addf %get3A_701, %get3A_667 : vector<16xf32>
      %mul3A_703 = arith.constant 11.3137083 : f32
      %mul3A_704 = vector.broadcast %mul3A_703 : f32 to vector<16xf32>
      %mul3A_705 = arith.mulf %add3A_702, %mul3A_704 : vector<16xf32>
      %swap3A = arith.index_cast %add3A_697 : i32 to index
      %swap3A_706 = arith.constant 0 : index
      %swap3A_707 = tpu.vector_load %arg7[%swap3A, %swap3A_706] {strides = array<i32>} : memref<256x128xf32, #tpu.memory_space<vmem>>, vector<1x16xf32>,
      %swap3A_708 = vector.shape_cast %swap3A_707 : vector<1x16xf32> to vector<16xf32>
      %swap3A_709 = vector.shape_cast %mul3A_705 : vector<16xf32> to vector<1x16xf32>
      tpu.vector_store %arg7[%swap3A, %swap3A_706], %swap3A_709 {strides = array<i32>} : memref<256x128xf32, #tpu.memory_space<vmem>>, vector<1x16xf32>,
      %get3A_710 = arith.index_cast %add3A_697 : i32 to index
      %get3A_711 = arith.constant 16 : index
      %get3A_712 = tpu.vector_load %arg7[%get3A_710, %get3A_711] {strides = array<i32>} : memref<256x128xf32, #tpu.memory_space<vmem>>, vector<1x16xf32>,
      %get3A_713 = vector.shape_cast %get3A_712 : vector<1x16xf32> to vector<16xf32>
      %add3A_714 = arith.addf %get3A_713, %get3A_671 : vector<16xf32>
      %mul3A_715 = arith.constant 11.3137083 : f32
      %mul3A_716 = vector.broadcast %mul3A_715 : f32 to vector<16xf32>
      %mul3A_717 = arith.mulf %add3A_714, %mul3A_716 : vector<16xf32>
      %swap3A_718 = arith.index_cast %add3A_697 : i32 to index
      %swap3A_719 = arith.constant 16 : index
      %swap3A_720 = tpu.vector_load %arg7[%swap3A_718, %swap3A_719] {strides = array<i32>} : memref<256x128xf32, #tpu.memory_space<vmem>>, vector<1x16xf32>,
      %swap3A_721 = vector.shape_cast %swap3A_720 : vector<1x16xf32> to vector<16xf32>
      %swap3A_722 = vector.shape_cast %mul3A_717 : vector<16xf32> to vector<1x16xf32>
      tpu.vector_store %arg7[%swap3A_718, %swap3A_719], %swap3A_722 {strides = array<i32>} : memref<256x128xf32, #tpu.memory_space<vmem>>, vector<1x16xf32>,
      %get3A_723 = arith.index_cast %add3A_697 : i32 to index
      %get3A_724 = arith.constant 32 : index
      %get3A_725 = tpu.vector_load %arg7[%get3A_723, %get3A_724] {strides = array<i32>} : memref<256x128xf32, #tpu.memory_space<vmem>>, vector<1x16xf32>,
      %get3A_726 = vector.shape_cast %get3A_725 : vector<1x16xf32> to vector<16xf32>
      %add3A_727 = arith.addf %get3A_726, %get3A_675 : vector<16xf32>
      %mul3A_728 = arith.constant 11.3137083 : f32
      %mul3A_729 = vector.broadcast %mul3A_728 : f32 to vector<16xf32>
      %mul3A_730 = arith.mulf %add3A_727, %mul3A_729 : vector<16xf32>
      %swap3A_731 = arith.index_cast %add3A_697 : i32 to index
      %swap3A_732 = arith.constant 32 : index
      %swap3A_733 = tpu.vector_load %arg7[%swap3A_731, %swap3A_732] {strides = array<i32>} : memref<256x128xf32, #tpu.memory_space<vmem>>, vector<1x16xf32>,
      %swap3A_734 = vector.shape_cast %swap3A_733 : vector<1x16xf32> to vector<16xf32>
      %swap3A_735 = vector.shape_cast %mul3A_730 : vector<16xf32> to vector<1x16xf32>
      tpu.vector_store %arg7[%swap3A_731, %swap3A_732], %swap3A_735 {strides = array<i32>} : memref<256x128xf32, #tpu.memory_space<vmem>>, vector<1x16xf32>,
      %get3A_736 = arith.index_cast %add3A_697 : i32 to index
      %get3A_737 = arith.constant 48 : index
      %get3A_738 = tpu.vector_load %arg7[%get3A_736, %get3A_737] {strides = array<i32>} : memref<256x128xf32, #tpu.memory_space<vmem>>, vector<1x16xf32>,
      %get3A_739 = vector.shape_cast %get3A_738 : vector<1x16xf32> to vector<16xf32>
      %add3A_740 = arith.addf %get3A_739, %get3A_679 : vector<16xf32>
      %mul3A_741 = arith.constant 11.3137083 : f32
      %mul3A_742 = vector.broadcast %mul3A_741 : f32 to vector<16xf32>
      %mul3A_743 = arith.mulf %add3A_740, %mul3A_742 : vector<16xf32>
      %swap3A_744 = arith.index_cast %add3A_697 : i32 to index
      %swap3A_745 = arith.constant 48 : index
      %swap3A_746 = tpu.vector_load %arg7[%swap3A_744, %swap3A_745] {strides = array<i32>} : memref<256x128xf32, #tpu.memory_space<vmem>>, vector<1x16xf32>,
      %swap3A_747 = vector.shape_cast %swap3A_746 : vector<1x16xf32> to vector<16xf32>
      %swap3A_748 = vector.shape_cast %mul3A_743 : vector<16xf32> to vector<1x16xf32>
      tpu.vector_store %arg7[%swap3A_744, %swap3A_745], %swap3A_748 {strides = array<i32>} : memref<256x128xf32, #tpu.memory_space<vmem>>, vector<1x16xf32>,
      %get3A_749 = arith.index_cast %add3A_697 : i32 to index
      %get3A_750 = arith.constant 64 : index
      %get3A_751 = tpu.vector_load %arg7[%get3A_749, %get3A_750] {strides = array<i32>} : memref<256x128xf32, #tpu.memory_space<vmem>>, vector<1x16xf32>,
      %get3A_752 = vector.shape_cast %get3A_751 : vector<1x16xf32> to vector<16xf32>
      %add3A_753 = arith.addf %get3A_752, %get3A_683 : vector<16xf32>
      %mul3A_754 = arith.constant 11.3137083 : f32
      %mul3A_755 = vector.broadcast %mul3A_754 : f32 to vector<16xf32>
      %mul3A_756 = arith.mulf %add3A_753, %mul3A_755 : vector<16xf32>
      %swap3A_757 = arith.index_cast %add3A_697 : i32 to index
      %swap3A_758 = arith.constant 64 : index
      %swap3A_759 = tpu.vector_load %arg7[%swap3A_757, %swap3A_758] {strides = array<i32>} : memref<256x128xf32, #tpu.memory_space<vmem>>, vector<1x16xf32>,
      %swap3A_760 = vector.shape_cast %swap3A_759 : vector<1x16xf32> to vector<16xf32>
      %swap3A_761 = vector.shape_cast %mul3A_756 : vector<16xf32> to vector<1x16xf32>
      tpu.vector_store %arg7[%swap3A_757, %swap3A_758], %swap3A_761 {strides = array<i32>} : memref<256x128xf32, #tpu.memory_space<vmem>>, vector<1x16xf32>,
      %get3A_762 = arith.index_cast %add3A_697 : i32 to index
      %get3A_763 = arith.constant 80 : index
      %get3A_764 = tpu.vector_load %arg7[%get3A_762, %get3A_763] {strides = array<i32>} : memref<256x128xf32, #tpu.memory_space<vmem>>, vector<1x16xf32>,
      %get3A_765 = vector.shape_cast %get3A_764 : vector<1x16xf32> to vector<16xf32>
      %add3A_766 = arith.addf %get3A_765, %get3A_687 : vector<16xf32>
      %mul3A_767 = arith.constant 11.3137083 : f32
      %mul3A_768 = vector.broadcast %mul3A_767 : f32 to vector<16xf32>
      %mul3A_769 = arith.mulf %add3A_766, %mul3A_768 : vector<16xf32>
      %swap3A_770 = arith.index_cast %add3A_697 : i32 to index
      %swap3A_771 = arith.constant 80 : index
      %swap3A_772 = tpu.vector_load %arg7[%swap3A_770, %swap3A_771] {strides = array<i32>} : memref<256x128xf32, #tpu.memory_space<vmem>>, vector<1x16xf32>,
      %swap3A_773 = vector.shape_cast %swap3A_772 : vector<1x16xf32> to vector<16xf32>
      %swap3A_774 = vector.shape_cast %mul3A_769 : vector<16xf32> to vector<1x16xf32>
      tpu.vector_store %arg7[%swap3A_770, %swap3A_771], %swap3A_774 {strides = array<i32>} : memref<256x128xf32, #tpu.memory_space<vmem>>, vector<1x16xf32>,
      %get3A_775 = arith.index_cast %add3A_697 : i32 to index
      %get3A_776 = arith.constant 96 : index
      %get3A_777 = tpu.vector_load %arg7[%get3A_775, %get3A_776] {strides = array<i32>} : memref<256x128xf32, #tpu.memory_space<vmem>>, vector<1x16xf32>,
      %get3A_778 = vector.shape_cast %get3A_777 : vector<1x16xf32> to vector<16xf32>
      %add3A_779 = arith.addf %get3A_778, %get3A_691 : vector<16xf32>
      %mul3A_780 = arith.constant 11.3137083 : f32
      %mul3A_781 = vector.broadcast %mul3A_780 : f32 to vector<16xf32>
      %mul3A_782 = arith.mulf %add3A_779, %mul3A_781 : vector<16xf32>
      %swap3A_783 = arith.index_cast %add3A_697 : i32 to index
      %swap3A_784 = arith.constant 96 : index
      %swap3A_785 = tpu.vector_load %arg7[%swap3A_783, %swap3A_784] {strides = array<i32>} : memref<256x128xf32, #tpu.memory_space<vmem>>, vector<1x16xf32>,
      %swap3A_786 = vector.shape_cast %swap3A_785 : vector<1x16xf32> to vector<16xf32>
      %swap3A_787 = vector.shape_cast %mul3A_782 : vector<16xf32> to vector<1x16xf32>
      tpu.vector_store %arg7[%swap3A_783, %swap3A_784], %swap3A_787 {strides = array<i32>} : memref<256x128xf32, #tpu.memory_space<vmem>>, vector<1x16xf32>,
      %get3A_788 = arith.index_cast %add3A_697 : i32 to index
      %get3A_789 = arith.constant 112 : index
      %get3A_790 = tpu.vector_load %arg7[%get3A_788, %get3A_789] {strides = array<i32>} : memref<256x128xf32, #tpu.memory_space<vmem>>, vector<1x16xf32>,
      %get3A_791 = vector.shape_cast %get3A_790 : vector<1x16xf32> to vector<16xf32>
      %add3A_792 = arith.addf %get3A_791, %get3A_695 : vector<16xf32>
      %mul3A_793 = arith.constant 11.3137083 : f32
      %mul3A_794 = vector.broadcast %mul3A_793 : f32 to vector<16xf32>
      %mul3A_795 = arith.mulf %add3A_792, %mul3A_794 : vector<16xf32>
      %swap3A_796 = arith.index_cast %add3A_697 : i32 to index
      %swap3A_797 = arith.constant 112 : index
      %swap3A_798 = tpu.vector_load %arg7[%swap3A_796, %swap3A_797] {strides = array<i32>} : memref<256x128xf32, #tpu.memory_space<vmem>>, vector<1x16xf32>,
      %swap3A_799 = vector.shape_cast %swap3A_798 : vector<1x16xf32> to vector<16xf32>
      %swap3A_800 = vector.shape_cast %mul3A_795 : vector<16xf32> to vector<1x16xf32>
      tpu.vector_store %arg7[%swap3A_796, %swap3A_797], %swap3A_800 {strides = array<i32>} : memref<256x128xf32, #tpu.memory_space<vmem>>, vector<1x16xf32>,
      %add3A_801 = arith.constant 192 : i32
      %add3A_802 = arith.addi %add3A_801, %scan3A_664 : i32
      %get3A_803 = arith.index_cast %add3A_802 : i32 to index
      %get3A_804 = arith.constant 0 : index
      %get3A_805 = tpu.vector_load %arg7[%get3A_803, %get3A_804] {strides = array<i32>} : memref<256x128xf32, #tpu.memory_space<vmem>>, vector<1x16xf32>,
      %get3A_806 = vector.shape_cast %get3A_805 : vector<1x16xf32> to vector<16xf32>
      %add3A_807 = arith.addf %get3A_806, %get3A_667 : vector<16xf32>
      %mul3A_808 = arith.constant 11.3137083 : f32
      %mul3A_809 = vector.broadcast %mul3A_808 : f32 to vector<16xf32>
      %mul3A_810 = arith.mulf %add3A_807, %mul3A_809 : vector<16xf32>
      %swap3A_811 = arith.index_cast %add3A_802 : i32 to index
      %swap3A_812 = arith.constant 0 : index
      %swap3A_813 = tpu.vector_load %arg7[%swap3A_811, %swap3A_812] {strides = array<i32>} : memref<256x128xf32, #tpu.memory_space<vmem>>, vector<1x16xf32>,
      %swap3A_814 = vector.shape_cast %swap3A_813 : vector<1x16xf32> to vector<16xf32>
      %swap3A_815 = vector.shape_cast %mul3A_810 : vector<16xf32> to vector<1x16xf32>
      tpu.vector_store %arg7[%swap3A_811, %swap3A_812], %swap3A_815 {strides = array<i32>} : memref<256x128xf32, #tpu.memory_space<vmem>>, vector<1x16xf32>,
      %get3A_816 = arith.index_cast %add3A_802 : i32 to index
      %get3A_817 = arith.constant 16 : index
      %get3A_818 = tpu.vector_load %arg7[%get3A_816, %get3A_817] {strides = array<i32>} : memref<256x128xf32, #tpu.memory_space<vmem>>, vector<1x16xf32>,
      %get3A_819 = vector.shape_cast %get3A_818 : vector<1x16xf32> to vector<16xf32>
      %add3A_820 = arith.addf %get3A_819, %get3A_671 : vector<16xf32>
      %mul3A_821 = arith.constant 11.3137083 : f32
      %mul3A_822 = vector.broadcast %mul3A_821 : f32 to vector<16xf32>
      %mul3A_823 = arith.mulf %add3A_820, %mul3A_822 : vector<16xf32>
      %swap3A_824 = arith.index_cast %add3A_802 : i32 to index
      %swap3A_825 = arith.constant 16 : index
      %swap3A_826 = tpu.vector_load %arg7[%swap3A_824, %swap3A_825] {strides = array<i32>} : memref<256x128xf32, #tpu.memory_space<vmem>>, vector<1x16xf32>,
      %swap3A_827 = vector.shape_cast %swap3A_826 : vector<1x16xf32> to vector<16xf32>
      %swap3A_828 = vector.shape_cast %mul3A_823 : vector<16xf32> to vector<1x16xf32>
      tpu.vector_store %arg7[%swap3A_824, %swap3A_825], %swap3A_828 {strides = array<i32>} : memref<256x128xf32, #tpu.memory_space<vmem>>, vector<1x16xf32>,
      %get3A_829 = arith.index_cast %add3A_802 : i32 to index
      %get3A_830 = arith.constant 32 : index
      %get3A_831 = tpu.vector_load %arg7[%get3A_829, %get3A_830] {strides = array<i32>} : memref<256x128xf32, #tpu.memory_space<vmem>>, vector<1x16xf32>,
      %get3A_832 = vector.shape_cast %get3A_831 : vector<1x16xf32> to vector<16xf32>
      %add3A_833 = arith.addf %get3A_832, %get3A_675 : vector<16xf32>
      %mul3A_834 = arith.constant 11.3137083 : f32
      %mul3A_835 = vector.broadcast %mul3A_834 : f32 to vector<16xf32>
      %mul3A_836 = arith.mulf %add3A_833, %mul3A_835 : vector<16xf32>
      %swap3A_837 = arith.index_cast %add3A_802 : i32 to index
      %swap3A_838 = arith.constant 32 : index
      %swap3A_839 = tpu.vector_load %arg7[%swap3A_837, %swap3A_838] {strides = array<i32>} : memref<256x128xf32, #tpu.memory_space<vmem>>, vector<1x16xf32>,
      %swap3A_840 = vector.shape_cast %swap3A_839 : vector<1x16xf32> to vector<16xf32>
      %swap3A_841 = vector.shape_cast %mul3A_836 : vector<16xf32> to vector<1x16xf32>
      tpu.vector_store %arg7[%swap3A_837, %swap3A_838], %swap3A_841 {strides = array<i32>} : memref<256x128xf32, #tpu.memory_space<vmem>>, vector<1x16xf32>,
      %get3A_842 = arith.index_cast %add3A_802 : i32 to index
      %get3A_843 = arith.constant 48 : index
      %get3A_844 = tpu.vector_load %arg7[%get3A_842, %get3A_843] {strides = array<i32>} : memref<256x128xf32, #tpu.memory_space<vmem>>, vector<1x16xf32>,
      %get3A_845 = vector.shape_cast %get3A_844 : vector<1x16xf32> to vector<16xf32>
      %add3A_846 = arith.addf %get3A_845, %get3A_679 : vector<16xf32>
      %mul3A_847 = arith.constant 11.3137083 : f32
      %mul3A_848 = vector.broadcast %mul3A_847 : f32 to vector<16xf32>
      %mul3A_849 = arith.mulf %add3A_846, %mul3A_848 : vector<16xf32>
      %swap3A_850 = arith.index_cast %add3A_802 : i32 to index
      %swap3A_851 = arith.constant 48 : index
      %swap3A_852 = tpu.vector_load %arg7[%swap3A_850, %swap3A_851] {strides = array<i32>} : memref<256x128xf32, #tpu.memory_space<vmem>>, vector<1x16xf32>,
      %swap3A_853 = vector.shape_cast %swap3A_852 : vector<1x16xf32> to vector<16xf32>
      %swap3A_854 = vector.shape_cast %mul3A_849 : vector<16xf32> to vector<1x16xf32>
      tpu.vector_store %arg7[%swap3A_850, %swap3A_851], %swap3A_854 {strides = array<i32>} : memref<256x128xf32, #tpu.memory_space<vmem>>, vector<1x16xf32>,
      %get3A_855 = arith.index_cast %add3A_802 : i32 to index
      %get3A_856 = arith.constant 64 : index
      %get3A_857 = tpu.vector_load %arg7[%get3A_855, %get3A_856] {strides = array<i32>} : memref<256x128xf32, #tpu.memory_space<vmem>>, vector<1x16xf32>,
      %get3A_858 = vector.shape_cast %get3A_857 : vector<1x16xf32> to vector<16xf32>
      %add3A_859 = arith.addf %get3A_858, %get3A_683 : vector<16xf32>
      %mul3A_860 = arith.constant 11.3137083 : f32
      %mul3A_861 = vector.broadcast %mul3A_860 : f32 to vector<16xf32>
      %mul3A_862 = arith.mulf %add3A_859, %mul3A_861 : vector<16xf32>
      %swap3A_863 = arith.index_cast %add3A_802 : i32 to index
      %swap3A_864 = arith.constant 64 : index
      %swap3A_865 = tpu.vector_load %arg7[%swap3A_863, %swap3A_864] {strides = array<i32>} : memref<256x128xf32, #tpu.memory_space<vmem>>, vector<1x16xf32>,
      %swap3A_866 = vector.shape_cast %swap3A_865 : vector<1x16xf32> to vector<16xf32>
      %swap3A_867 = vector.shape_cast %mul3A_862 : vector<16xf32> to vector<1x16xf32>
      tpu.vector_store %arg7[%swap3A_863, %swap3A_864], %swap3A_867 {strides = array<i32>} : memref<256x128xf32, #tpu.memory_space<vmem>>, vector<1x16xf32>,
      %get3A_868 = arith.index_cast %add3A_802 : i32 to index
      %get3A_869 = arith.constant 80 : index
      %get3A_870 = tpu.vector_load %arg7[%get3A_868, %get3A_869] {strides = array<i32>} : memref<256x128xf32, #tpu.memory_space<vmem>>, vector<1x16xf32>,
      %get3A_871 = vector.shape_cast %get3A_870 : vector<1x16xf32> to vector<16xf32>
      %add3A_872 = arith.addf %get3A_871, %get3A_687 : vector<16xf32>
      %mul3A_873 = arith.constant 11.3137083 : f32
      %mul3A_874 = vector.broadcast %mul3A_873 : f32 to vector<16xf32>
      %mul3A_875 = arith.mulf %add3A_872, %mul3A_874 : vector<16xf32>
      %swap3A_876 = arith.index_cast %add3A_802 : i32 to index
      %swap3A_877 = arith.constant 80 : index
      %swap3A_878 = tpu.vector_load %arg7[%swap3A_876, %swap3A_877] {strides = array<i32>} : memref<256x128xf32, #tpu.memory_space<vmem>>, vector<1x16xf32>,
      %swap3A_879 = vector.shape_cast %swap3A_878 : vector<1x16xf32> to vector<16xf32>
      %swap3A_880 = vector.shape_cast %mul3A_875 : vector<16xf32> to vector<1x16xf32>
      tpu.vector_store %arg7[%swap3A_876, %swap3A_877], %swap3A_880 {strides = array<i32>} : memref<256x128xf32, #tpu.memory_space<vmem>>, vector<1x16xf32>,
      %get3A_881 = arith.index_cast %add3A_802 : i32 to index
      %get3A_882 = arith.constant 96 : index
      %get3A_883 = tpu.vector_load %arg7[%get3A_881, %get3A_882] {strides = array<i32>} : memref<256x128xf32, #tpu.memory_space<vmem>>, vector<1x16xf32>,
      %get3A_884 = vector.shape_cast %get3A_883 : vector<1x16xf32> to vector<16xf32>
      %add3A_885 = arith.addf %get3A_884, %get3A_691 : vector<16xf32>
      %mul3A_886 = arith.constant 11.3137083 : f32
      %mul3A_887 = vector.broadcast %mul3A_886 : f32 to vector<16xf32>
      %mul3A_888 = arith.mulf %add3A_885, %mul3A_887 : vector<16xf32>
      %swap3A_889 = arith.index_cast %add3A_802 : i32 to index
      %swap3A_890 = arith.constant 96 : index
      %swap3A_891 = tpu.vector_load %arg7[%swap3A_889, %swap3A_890] {strides = array<i32>} : memref<256x128xf32, #tpu.memory_space<vmem>>, vector<1x16xf32>,
      %swap3A_892 = vector.shape_cast %swap3A_891 : vector<1x16xf32> to vector<16xf32>
      %swap3A_893 = vector.shape_cast %mul3A_888 : vector<16xf32> to vector<1x16xf32>
      tpu.vector_store %arg7[%swap3A_889, %swap3A_890], %swap3A_893 {strides = array<i32>} : memref<256x128xf32, #tpu.memory_space<vmem>>, vector<1x16xf32>,
      %get3A_894 = arith.index_cast %add3A_802 : i32 to index
      %get3A_895 = arith.constant 112 : index
      %get3A_896 = tpu.vector_load %arg7[%get3A_894, %get3A_895] {strides = array<i32>} : memref<256x128xf32, #tpu.memory_space<vmem>>, vector<1x16xf32>,
      %get3A_897 = vector.shape_cast %get3A_896 : vector<1x16xf32> to vector<16xf32>
      %add3A_898 = arith.addf %get3A_897, %get3A_695 : vector<16xf32>
      %mul3A_899 = arith.constant 11.3137083 : f32
      %mul3A_900 = vector.broadcast %mul3A_899 : f32 to vector<16xf32>
      %mul3A_901 = arith.mulf %add3A_898, %mul3A_900 : vector<16xf32>
      %swap3A_902 = arith.index_cast %add3A_802 : i32 to index
      %swap3A_903 = arith.constant 112 : index
      %swap3A_904 = tpu.vector_load %arg7[%swap3A_902, %swap3A_903] {strides = array<i32>} : memref<256x128xf32, #tpu.memory_space<vmem>>, vector<1x16xf32>,
      %swap3A_905 = vector.shape_cast %swap3A_904 : vector<1x16xf32> to vector<16xf32>
      %swap3A_906 = vector.shape_cast %mul3A_901 : vector<16xf32> to vector<1x16xf32>
      tpu.vector_store %arg7[%swap3A_902, %swap3A_903], %swap3A_906 {strides = array<i32>} : memref<256x128xf32, #tpu.memory_space<vmem>>, vector<1x16xf32>,
    }
    %scan3A_417 = arith.constant 32 : i32
    %add3A_418 = arith.constant 0 : i32
    %add3A_419 = arith.addi %mul3A_2, %add3A_418 : i32
    %dma_start3A_420 = arith.constant 2 : i32
    %dma_start3A_421 = arith.constant 2 : i32
    %dma_start3A_422 = arith.constant 0 : i32
    %dma_start3A_423 = arith.constant 128 : i32
    %dma_start3A_424 = arith.constant 0 : i32
    %dma_start3A_425 = tpu.memref_slice %arg7[%dma_start3A_423, %dma_start3A_424] : memref<256x128xf32, #tpu.memory_space<vmem>> -> memref<32x128xf32, #tpu.memory_space<vmem>>
    %dma_start3A_426 = arith.constant 0 : i32
    %dma_start3A_427 = tpu.memref_slice %arg5[%dma_start3A_420, %add3A_419, %dma_start3A_426] : memref<4x2048x128xf32, #tpu.memory_space<hbm>> -> memref<1x32x128xf32, #tpu.memory_space<hbm>>
    %dma_start3A_428 = tpu.memref_squeeze %dma_start3A_427 : memref<1x32x128xf32, #tpu.memory_space<hbm>> -> memref<32x128xf32, #tpu.memory_space<hbm>>
    %dma_start3A_429 = tpu.memref_slice %arg11[%dma_start3A_421, %dma_start3A_422] : memref<4x2x!tpu.dma_semaphore, #tpu.memory_space<semaphore_mem>> -> memref<1x1x!tpu.dma_semaphore, #tpu.memory_space<semaphore_mem>>
    %dma_start3A_430 = tpu.memref_squeeze %dma_start3A_429 : memref<1x1x!tpu.dma_semaphore, #tpu.memory_space<semaphore_mem>> -> memref<!tpu.dma_semaphore, #tpu.memory_space<semaphore_mem>>
    %dma_start3A_431 = arith.constant 0 : i32
    %dma_start3A_432 = tpu.memref_slice %arg5[%dma_start3A_420, %add3A_419, %dma_start3A_431] : memref<4x2048x128xf32, #tpu.memory_space<hbm>> -> memref<1x32x128xf32, #tpu.memory_space<hbm>>
    %dma_start3A_433 = tpu.memref_squeeze %dma_start3A_432 : memref<1x32x128xf32, #tpu.memory_space<hbm>> -> memref<32x128xf32, #tpu.memory_space<hbm>>
    %dma_start3A_434 = arith.constant 128 : i32
    %dma_start3A_435 = arith.constant 0 : i32
    %dma_start3A_436 = tpu.memref_slice %arg7[%dma_start3A_434, %dma_start3A_435] : memref<256x128xf32, #tpu.memory_space<vmem>> -> memref<32x128xf32, #tpu.memory_space<vmem>>
    tpu.enqueue_dma source(%dma_start3A_436 : memref<32x128xf32, #tpu.memory_space<vmem>>) target(%dma_start3A_433 : memref<32x128xf32, #tpu.memory_space<hbm>>) target_semaphore(%dma_start3A_430 : memref<!tpu.dma_semaphore, #tpu.memory_space<semaphore_mem>>)
    %add3A_437 = arith.constant 0 : i32
    %add3A_438 = arith.addi %mul3A_2, %add3A_437 : i32
    %dma_start3A_439 = arith.constant 3 : i32
    %dma_start3A_440 = arith.constant 3 : i32
    %dma_start3A_441 = arith.constant 0 : i32
    %dma_start3A_442 = arith.constant 192 : i32
    %dma_start3A_443 = arith.constant 0 : i32
    %dma_start3A_444 = tpu.memref_slice %arg7[%dma_start3A_442, %dma_start3A_443] : memref<256x128xf32, #tpu.memory_space<vmem>> -> memref<32x128xf32, #tpu.memory_space<vmem>>
    %dma_start3A_445 = arith.constant 0 : i32
    %dma_start3A_446 = tpu.memref_slice %arg5[%dma_start3A_439, %add3A_438, %dma_start3A_445] : memref<4x2048x128xf32, #tpu.memory_space<hbm>> -> memref<1x32x128xf32, #tpu.memory_space<hbm>>
    %dma_start3A_447 = tpu.memref_squeeze %dma_start3A_446 : memref<1x32x128xf32, #tpu.memory_space<hbm>> -> memref<32x128xf32, #tpu.memory_space<hbm>>
    %dma_start3A_448 = tpu.memref_slice %arg11[%dma_start3A_440, %dma_start3A_441] : memref<4x2x!tpu.dma_semaphore, #tpu.memory_space<semaphore_mem>> -> memref<1x1x!tpu.dma_semaphore, #tpu.memory_space<semaphore_mem>>
    %dma_start3A_449 = tpu.memref_squeeze %dma_start3A_448 : memref<1x1x!tpu.dma_semaphore, #tpu.memory_space<semaphore_mem>> -> memref<!tpu.dma_semaphore, #tpu.memory_space<semaphore_mem>>
    %dma_start3A_450 = arith.constant 0 : i32
    %dma_start3A_451 = tpu.memref_slice %arg5[%dma_start3A_439, %add3A_438, %dma_start3A_450] : memref<4x2048x128xf32, #tpu.memory_space<hbm>> -> memref<1x32x128xf32, #tpu.memory_space<hbm>>
    %dma_start3A_452 = tpu.memref_squeeze %dma_start3A_451 : memref<1x32x128xf32, #tpu.memory_space<hbm>> -> memref<32x128xf32, #tpu.memory_space<hbm>>
    %dma_start3A_453 = arith.constant 192 : i32
    %dma_start3A_454 = arith.constant 0 : i32
    %dma_start3A_455 = tpu.memref_slice %arg7[%dma_start3A_453, %dma_start3A_454] : memref<256x128xf32, #tpu.memory_space<vmem>> -> memref<32x128xf32, #tpu.memory_space<vmem>>
    tpu.enqueue_dma source(%dma_start3A_455 : memref<32x128xf32, #tpu.memory_space<vmem>>) target(%dma_start3A_452 : memref<32x128xf32, #tpu.memory_space<hbm>>) target_semaphore(%dma_start3A_449 : memref<!tpu.dma_semaphore, #tpu.memory_space<semaphore_mem>>)
    %dma_wait3A_456 = arith.constant 2 : i32
    %dma_wait3A_457 = arith.constant 2 : i32
    %dma_wait3A_458 = arith.constant 1 : i32
    %dma_wait3A_459 = arith.constant 160 : i32
    %dma_wait3A_460 = arith.constant 0 : i32
    %dma_wait3A_461 = tpu.memref_slice %arg7[%dma_wait3A_459, %dma_wait3A_460] : memref<256x128xf32, #tpu.memory_space<vmem>> -> memref<32x128xf32, #tpu.memory_space<vmem>>
    %dma_wait3A_462 = arith.constant 32 : i32
    %dma_wait3A_463 = tpu.memref_slice %arg6[%dma_wait3A_456, %dma_wait3A_462] : memref<4x64xi32, #tpu.memory_space<vmem>> -> memref<1x32xi32, #tpu.memory_space<vmem>>
    %dma_wait3A_464 = tpu.memref_squeeze %dma_wait3A_463 : memref<1x32xi32, #tpu.memory_space<vmem>> -> memref<32xi32, #tpu.memory_space<vmem>>
    %dma_wait3A_465 = arith.constant 0 : i32
    %dma_wait3A_466 = arith.constant 0 : i32
    %dma_wait3A_467 = tpu.memref_slice %arg3[%dma_wait3A_465, %dma_wait3A_466] : memref<100000x128xf32, #tpu.memory_space<hbm>> -> memref<100000x128xf32, #tpu.memory_space<hbm>>
    %dma_wait3A_468 = tpu.memref_slice %arg10[%dma_wait3A_457, %dma_wait3A_458] : memref<4x2x!tpu.dma_semaphore, #tpu.memory_space<semaphore_mem>> -> memref<1x1x!tpu.dma_semaphore, #tpu.memory_space<semaphore_mem>>
    %dma_wait3A_469 = tpu.memref_squeeze %dma_wait3A_468 : memref<1x1x!tpu.dma_semaphore, #tpu.memory_space<semaphore_mem>> -> memref<!tpu.dma_semaphore, #tpu.memory_space<semaphore_mem>>
    tpu.wait_indirect_dma semaphore(%dma_wait3A_469 : memref<!tpu.dma_semaphore, #tpu.memory_space<semaphore_mem>>) src(%dma_wait3A_467 : memref<100000x128xf32, #tpu.memory_space<hbm>>) dst(%dma_wait3A_461 : memref<32x128xf32, #tpu.memory_space<vmem>>)
    %dma_wait3A_470 = arith.constant 3 : i32
    %dma_wait3A_471 = arith.constant 3 : i32
    %dma_wait3A_472 = arith.constant 1 : i32
    %dma_wait3A_473 = arith.constant 224 : i32
    %dma_wait3A_474 = arith.constant 0 : i32
    %dma_wait3A_475 = tpu.memref_slice %arg7[%dma_wait3A_473, %dma_wait3A_474] : memref<256x128xf32, #tpu.memory_space<vmem>> -> memref<32x128xf32, #tpu.memory_space<vmem>>
    %dma_wait3A_476 = arith.constant 32 : i32
    %dma_wait3A_477 = tpu.memref_slice %arg6[%dma_wait3A_470, %dma_wait3A_476] : memref<4x64xi32, #tpu.memory_space<vmem>> -> memref<1x32xi32, #tpu.memory_space<vmem>>
    %dma_wait3A_478 = tpu.memref_squeeze %dma_wait3A_477 : memref<1x32xi32, #tpu.memory_space<vmem>> -> memref<32xi32, #tpu.memory_space<vmem>>
    %dma_wait3A_479 = arith.constant 0 : i32
    %dma_wait3A_480 = arith.constant 0 : i32
    %dma_wait3A_481 = tpu.memref_slice %arg3[%dma_wait3A_479, %dma_wait3A_480] : memref<100000x128xf32, #tpu.memory_space<hbm>> -> memref<100000x128xf32, #tpu.memory_space<hbm>>
    %dma_wait3A_482 = tpu.memref_slice %arg10[%dma_wait3A_471, %dma_wait3A_472] : memref<4x2x!tpu.dma_semaphore, #tpu.memory_space<semaphore_mem>> -> memref<1x1x!tpu.dma_semaphore, #tpu.memory_space<semaphore_mem>>
    %dma_wait3A_483 = tpu.memref_squeeze %dma_wait3A_482 : memref<1x1x!tpu.dma_semaphore, #tpu.memory_space<semaphore_mem>> -> memref<!tpu.dma_semaphore, #tpu.memory_space<semaphore_mem>>
    tpu.wait_indirect_dma semaphore(%dma_wait3A_483 : memref<!tpu.dma_semaphore, #tpu.memory_space<semaphore_mem>>) src(%dma_wait3A_481 : memref<100000x128xf32, #tpu.memory_space<hbm>>) dst(%dma_wait3A_475 : memref<32x128xf32, #tpu.memory_space<vmem>>)
    %scan3A_484 = arith.constant 0 : i32
    %scan3A_485 = arith.constant 32 : i32
    %scan3A_486 = arith.constant 32 : i32
    %scan3A_487 = arith.addi %scan3A_485, %scan3A_486 : i32
    %scan3A_488 = arith.constant 1 : i32
    scf.for %scan3A_664 = %scan3A_485 to %scan3A_487 step %scan3A_488  : i32 {
      %get3A = arith.index_cast %scan3A_664 : i32 to index
      %get3A_665 = arith.constant 0 : index
      %get3A_666 = tpu.vector_load %arg8[%get3A, %get3A_665] {strides = array<i32>} : memref<64x128xf32, #tpu.memory_space<vmem>>, vector<1x16xf32>,
      %get3A_667 = vector.shape_cast %get3A_666 : vector<1x16xf32> to vector<16xf32>
      %get3A_668 = arith.index_cast %scan3A_664 : i32 to index
      %get3A_669 = arith.constant 16 : index
      %get3A_670 = tpu.vector_load %arg8[%get3A_668, %get3A_669] {strides = array<i32>} : memref<64x128xf32, #tpu.memory_space<vmem>>, vector<1x16xf32>,
      %get3A_671 = vector.shape_cast %get3A_670 : vector<1x16xf32> to vector<16xf32>
      %get3A_672 = arith.index_cast %scan3A_664 : i32 to index
      %get3A_673 = arith.constant 32 : index
      %get3A_674 = tpu.vector_load %arg8[%get3A_672, %get3A_673] {strides = array<i32>} : memref<64x128xf32, #tpu.memory_space<vmem>>, vector<1x16xf32>,
      %get3A_675 = vector.shape_cast %get3A_674 : vector<1x16xf32> to vector<16xf32>
      %get3A_676 = arith.index_cast %scan3A_664 : i32 to index
      %get3A_677 = arith.constant 48 : index
      %get3A_678 = tpu.vector_load %arg8[%get3A_676, %get3A_677] {strides = array<i32>} : memref<64x128xf32, #tpu.memory_space<vmem>>, vector<1x16xf32>,
      %get3A_679 = vector.shape_cast %get3A_678 : vector<1x16xf32> to vector<16xf32>
      %get3A_680 = arith.index_cast %scan3A_664 : i32 to index
      %get3A_681 = arith.constant 64 : index
      %get3A_682 = tpu.vector_load %arg8[%get3A_680, %get3A_681] {strides = array<i32>} : memref<64x128xf32, #tpu.memory_space<vmem>>, vector<1x16xf32>,
      %get3A_683 = vector.shape_cast %get3A_682 : vector<1x16xf32> to vector<16xf32>
      %get3A_684 = arith.index_cast %scan3A_664 : i32 to index
      %get3A_685 = arith.constant 80 : index
      %get3A_686 = tpu.vector_load %arg8[%get3A_684, %get3A_685] {strides = array<i32>} : memref<64x128xf32, #tpu.memory_space<vmem>>, vector<1x16xf32>,
      %get3A_687 = vector.shape_cast %get3A_686 : vector<1x16xf32> to vector<16xf32>
      %get3A_688 = arith.index_cast %scan3A_664 : i32 to index
      %get3A_689 = arith.constant 96 : index
      %get3A_690 = tpu.vector_load %arg8[%get3A_688, %get3A_689] {strides = array<i32>} : memref<64x128xf32, #tpu.memory_space<vmem>>, vector<1x16xf32>,
      %get3A_691 = vector.shape_cast %get3A_690 : vector<1x16xf32> to vector<16xf32>
      %get3A_692 = arith.index_cast %scan3A_664 : i32 to index
      %get3A_693 = arith.constant 112 : index
      %get3A_694 = tpu.vector_load %arg8[%get3A_692, %get3A_693] {strides = array<i32>} : memref<64x128xf32, #tpu.memory_space<vmem>>, vector<1x16xf32>,
      %get3A_695 = vector.shape_cast %get3A_694 : vector<1x16xf32> to vector<16xf32>
      %add3A_696 = arith.constant 128 : i32
      %add3A_697 = arith.addi %add3A_696, %scan3A_664 : i32
      %get3A_698 = arith.index_cast %add3A_697 : i32 to index
      %get3A_699 = arith.constant 0 : index
      %get3A_700 = tpu.vector_load %arg7[%get3A_698, %get3A_699] {strides = array<i32>} : memref<256x128xf32, #tpu.memory_space<vmem>>, vector<1x16xf32>,
      %get3A_701 = vector.shape_cast %get3A_700 : vector<1x16xf32> to vector<16xf32>
      %add3A_702 = arith.addf %get3A_701, %get3A_667 : vector<16xf32>
      %mul3A_703 = arith.constant 11.3137083 : f32
      %mul3A_704 = vector.broadcast %mul3A_703 : f32 to vector<16xf32>
      %mul3A_705 = arith.mulf %add3A_702, %mul3A_704 : vector<16xf32>
      %swap3A = arith.index_cast %add3A_697 : i32 to index
      %swap3A_706 = arith.constant 0 : index
      %swap3A_707 = tpu.vector_load %arg7[%swap3A, %swap3A_706] {strides = array<i32>} : memref<256x128xf32, #tpu.memory_space<vmem>>, vector<1x16xf32>,
      %swap3A_708 = vector.shape_cast %swap3A_707 : vector<1x16xf32> to vector<16xf32>
      %swap3A_709 = vector.shape_cast %mul3A_705 : vector<16xf32> to vector<1x16xf32>
      tpu.vector_store %arg7[%swap3A, %swap3A_706], %swap3A_709 {strides = array<i32>} : memref<256x128xf32, #tpu.memory_space<vmem>>, vector<1x16xf32>,
      %get3A_710 = arith.index_cast %add3A_697 : i32 to index
      %get3A_711 = arith.constant 16 : index
      %get3A_712 = tpu.vector_load %arg7[%get3A_710, %get3A_711] {strides = array<i32>} : memref<256x128xf32, #tpu.memory_space<vmem>>, vector<1x16xf32>,
      %get3A_713 = vector.shape_cast %get3A_712 : vector<1x16xf32> to vector<16xf32>
      %add3A_714 = arith.addf %get3A_713, %get3A_671 : vector<16xf32>
      %mul3A_715 = arith.constant 11.3137083 : f32
      %mul3A_716 = vector.broadcast %mul3A_715 : f32 to vector<16xf32>
      %mul3A_717 = arith.mulf %add3A_714, %mul3A_716 : vector<16xf32>
      %swap3A_718 = arith.index_cast %add3A_697 : i32 to index
      %swap3A_719 = arith.constant 16 : index
      %swap3A_720 = tpu.vector_load %arg7[%swap3A_718, %swap3A_719] {strides = array<i32>} : memref<256x128xf32, #tpu.memory_space<vmem>>, vector<1x16xf32>,
      %swap3A_721 = vector.shape_cast %swap3A_720 : vector<1x16xf32> to vector<16xf32>
      %swap3A_722 = vector.shape_cast %mul3A_717 : vector<16xf32> to vector<1x16xf32>
      tpu.vector_store %arg7[%swap3A_718, %swap3A_719], %swap3A_722 {strides = array<i32>} : memref<256x128xf32, #tpu.memory_space<vmem>>, vector<1x16xf32>,
      %get3A_723 = arith.index_cast %add3A_697 : i32 to index
      %get3A_724 = arith.constant 32 : index
      %get3A_725 = tpu.vector_load %arg7[%get3A_723, %get3A_724] {strides = array<i32>} : memref<256x128xf32, #tpu.memory_space<vmem>>, vector<1x16xf32>,
      %get3A_726 = vector.shape_cast %get3A_725 : vector<1x16xf32> to vector<16xf32>
      %add3A_727 = arith.addf %get3A_726, %get3A_675 : vector<16xf32>
      %mul3A_728 = arith.constant 11.3137083 : f32
      %mul3A_729 = vector.broadcast %mul3A_728 : f32 to vector<16xf32>
      %mul3A_730 = arith.mulf %add3A_727, %mul3A_729 : vector<16xf32>
      %swap3A_731 = arith.index_cast %add3A_697 : i32 to index
      %swap3A_732 = arith.constant 32 : index
      %swap3A_733 = tpu.vector_load %arg7[%swap3A_731, %swap3A_732] {strides = array<i32>} : memref<256x128xf32, #tpu.memory_space<vmem>>, vector<1x16xf32>,
      %swap3A_734 = vector.shape_cast %swap3A_733 : vector<1x16xf32> to vector<16xf32>
      %swap3A_735 = vector.shape_cast %mul3A_730 : vector<16xf32> to vector<1x16xf32>
      tpu.vector_store %arg7[%swap3A_731, %swap3A_732], %swap3A_735 {strides = array<i32>} : memref<256x128xf32, #tpu.memory_space<vmem>>, vector<1x16xf32>,
      %get3A_736 = arith.index_cast %add3A_697 : i32 to index
      %get3A_737 = arith.constant 48 : index
      %get3A_738 = tpu.vector_load %arg7[%get3A_736, %get3A_737] {strides = array<i32>} : memref<256x128xf32, #tpu.memory_space<vmem>>, vector<1x16xf32>,
      %get3A_739 = vector.shape_cast %get3A_738 : vector<1x16xf32> to vector<16xf32>
      %add3A_740 = arith.addf %get3A_739, %get3A_679 : vector<16xf32>
      %mul3A_741 = arith.constant 11.3137083 : f32
      %mul3A_742 = vector.broadcast %mul3A_741 : f32 to vector<16xf32>
      %mul3A_743 = arith.mulf %add3A_740, %mul3A_742 : vector<16xf32>
      %swap3A_744 = arith.index_cast %add3A_697 : i32 to index
      %swap3A_745 = arith.constant 48 : index
      %swap3A_746 = tpu.vector_load %arg7[%swap3A_744, %swap3A_745] {strides = array<i32>} : memref<256x128xf32, #tpu.memory_space<vmem>>, vector<1x16xf32>,
      %swap3A_747 = vector.shape_cast %swap3A_746 : vector<1x16xf32> to vector<16xf32>
      %swap3A_748 = vector.shape_cast %mul3A_743 : vector<16xf32> to vector<1x16xf32>
      tpu.vector_store %arg7[%swap3A_744, %swap3A_745], %swap3A_748 {strides = array<i32>} : memref<256x128xf32, #tpu.memory_space<vmem>>, vector<1x16xf32>,
      %get3A_749 = arith.index_cast %add3A_697 : i32 to index
      %get3A_750 = arith.constant 64 : index
      %get3A_751 = tpu.vector_load %arg7[%get3A_749, %get3A_750] {strides = array<i32>} : memref<256x128xf32, #tpu.memory_space<vmem>>, vector<1x16xf32>,
      %get3A_752 = vector.shape_cast %get3A_751 : vector<1x16xf32> to vector<16xf32>
      %add3A_753 = arith.addf %get3A_752, %get3A_683 : vector<16xf32>
      %mul3A_754 = arith.constant 11.3137083 : f32
      %mul3A_755 = vector.broadcast %mul3A_754 : f32 to vector<16xf32>
      %mul3A_756 = arith.mulf %add3A_753, %mul3A_755 : vector<16xf32>
      %swap3A_757 = arith.index_cast %add3A_697 : i32 to index
      %swap3A_758 = arith.constant 64 : index
      %swap3A_759 = tpu.vector_load %arg7[%swap3A_757, %swap3A_758] {strides = array<i32>} : memref<256x128xf32, #tpu.memory_space<vmem>>, vector<1x16xf32>,
      %swap3A_760 = vector.shape_cast %swap3A_759 : vector<1x16xf32> to vector<16xf32>
      %swap3A_761 = vector.shape_cast %mul3A_756 : vector<16xf32> to vector<1x16xf32>
      tpu.vector_store %arg7[%swap3A_757, %swap3A_758], %swap3A_761 {strides = array<i32>} : memref<256x128xf32, #tpu.memory_space<vmem>>, vector<1x16xf32>,
      %get3A_762 = arith.index_cast %add3A_697 : i32 to index
      %get3A_763 = arith.constant 80 : index
      %get3A_764 = tpu.vector_load %arg7[%get3A_762, %get3A_763] {strides = array<i32>} : memref<256x128xf32, #tpu.memory_space<vmem>>, vector<1x16xf32>,
      %get3A_765 = vector.shape_cast %get3A_764 : vector<1x16xf32> to vector<16xf32>
      %add3A_766 = arith.addf %get3A_765, %get3A_687 : vector<16xf32>
      %mul3A_767 = arith.constant 11.3137083 : f32
      %mul3A_768 = vector.broadcast %mul3A_767 : f32 to vector<16xf32>
      %mul3A_769 = arith.mulf %add3A_766, %mul3A_768 : vector<16xf32>
      %swap3A_770 = arith.index_cast %add3A_697 : i32 to index
      %swap3A_771 = arith.constant 80 : index
      %swap3A_772 = tpu.vector_load %arg7[%swap3A_770, %swap3A_771] {strides = array<i32>} : memref<256x128xf32, #tpu.memory_space<vmem>>, vector<1x16xf32>,
      %swap3A_773 = vector.shape_cast %swap3A_772 : vector<1x16xf32> to vector<16xf32>
      %swap3A_774 = vector.shape_cast %mul3A_769 : vector<16xf32> to vector<1x16xf32>
      tpu.vector_store %arg7[%swap3A_770, %swap3A_771], %swap3A_774 {strides = array<i32>} : memref<256x128xf32, #tpu.memory_space<vmem>>, vector<1x16xf32>,
      %get3A_775 = arith.index_cast %add3A_697 : i32 to index
      %get3A_776 = arith.constant 96 : index
      %get3A_777 = tpu.vector_load %arg7[%get3A_775, %get3A_776] {strides = array<i32>} : memref<256x128xf32, #tpu.memory_space<vmem>>, vector<1x16xf32>,
      %get3A_778 = vector.shape_cast %get3A_777 : vector<1x16xf32> to vector<16xf32>
      %add3A_779 = arith.addf %get3A_778, %get3A_691 : vector<16xf32>
      %mul3A_780 = arith.constant 11.3137083 : f32
      %mul3A_781 = vector.broadcast %mul3A_780 : f32 to vector<16xf32>
      %mul3A_782 = arith.mulf %add3A_779, %mul3A_781 : vector<16xf32>
      %swap3A_783 = arith.index_cast %add3A_697 : i32 to index
      %swap3A_784 = arith.constant 96 : index
      %swap3A_785 = tpu.vector_load %arg7[%swap3A_783, %swap3A_784] {strides = array<i32>} : memref<256x128xf32, #tpu.memory_space<vmem>>, vector<1x16xf32>,
      %swap3A_786 = vector.shape_cast %swap3A_785 : vector<1x16xf32> to vector<16xf32>
      %swap3A_787 = vector.shape_cast %mul3A_782 : vector<16xf32> to vector<1x16xf32>
      tpu.vector_store %arg7[%swap3A_783, %swap3A_784], %swap3A_787 {strides = array<i32>} : memref<256x128xf32, #tpu.memory_space<vmem>>, vector<1x16xf32>,
      %get3A_788 = arith.index_cast %add3A_697 : i32 to index
      %get3A_789 = arith.constant 112 : index
      %get3A_790 = tpu.vector_load %arg7[%get3A_788, %get3A_789] {strides = array<i32>} : memref<256x128xf32, #tpu.memory_space<vmem>>, vector<1x16xf32>,
      %get3A_791 = vector.shape_cast %get3A_790 : vector<1x16xf32> to vector<16xf32>
      %add3A_792 = arith.addf %get3A_791, %get3A_695 : vector<16xf32>
      %mul3A_793 = arith.constant 11.3137083 : f32
      %mul3A_794 = vector.broadcast %mul3A_793 : f32 to vector<16xf32>
      %mul3A_795 = arith.mulf %add3A_792, %mul3A_794 : vector<16xf32>
      %swap3A_796 = arith.index_cast %add3A_697 : i32 to index
      %swap3A_797 = arith.constant 112 : index
      %swap3A_798 = tpu.vector_load %arg7[%swap3A_796, %swap3A_797] {strides = array<i32>} : memref<256x128xf32, #tpu.memory_space<vmem>>, vector<1x16xf32>,
      %swap3A_799 = vector.shape_cast %swap3A_798 : vector<1x16xf32> to vector<16xf32>
      %swap3A_800 = vector.shape_cast %mul3A_795 : vector<16xf32> to vector<1x16xf32>
      tpu.vector_store %arg7[%swap3A_796, %swap3A_797], %swap3A_800 {strides = array<i32>} : memref<256x128xf32, #tpu.memory_space<vmem>>, vector<1x16xf32>,
      %add3A_801 = arith.constant 192 : i32
      %add3A_802 = arith.addi %add3A_801, %scan3A_664 : i32
      %get3A_803 = arith.index_cast %add3A_802 : i32 to index
      %get3A_804 = arith.constant 0 : index
      %get3A_805 = tpu.vector_load %arg7[%get3A_803, %get3A_804] {strides = array<i32>} : memref<256x128xf32, #tpu.memory_space<vmem>>, vector<1x16xf32>,
      %get3A_806 = vector.shape_cast %get3A_805 : vector<1x16xf32> to vector<16xf32>
      %add3A_807 = arith.addf %get3A_806, %get3A_667 : vector<16xf32>
      %mul3A_808 = arith.constant 11.3137083 : f32
      %mul3A_809 = vector.broadcast %mul3A_808 : f32 to vector<16xf32>
      %mul3A_810 = arith.mulf %add3A_807, %mul3A_809 : vector<16xf32>
      %swap3A_811 = arith.index_cast %add3A_802 : i32 to index
      %swap3A_812 = arith.constant 0 : index
      %swap3A_813 = tpu.vector_load %arg7[%swap3A_811, %swap3A_812] {strides = array<i32>} : memref<256x128xf32, #tpu.memory_space<vmem>>, vector<1x16xf32>,
      %swap3A_814 = vector.shape_cast %swap3A_813 : vector<1x16xf32> to vector<16xf32>
      %swap3A_815 = vector.shape_cast %mul3A_810 : vector<16xf32> to vector<1x16xf32>
      tpu.vector_store %arg7[%swap3A_811, %swap3A_812], %swap3A_815 {strides = array<i32>} : memref<256x128xf32, #tpu.memory_space<vmem>>, vector<1x16xf32>,
      %get3A_816 = arith.index_cast %add3A_802 : i32 to index
      %get3A_817 = arith.constant 16 : index
      %get3A_818 = tpu.vector_load %arg7[%get3A_816, %get3A_817] {strides = array<i32>} : memref<256x128xf32, #tpu.memory_space<vmem>>, vector<1x16xf32>,
      %get3A_819 = vector.shape_cast %get3A_818 : vector<1x16xf32> to vector<16xf32>
      %add3A_820 = arith.addf %get3A_819, %get3A_671 : vector<16xf32>
      %mul3A_821 = arith.constant 11.3137083 : f32
      %mul3A_822 = vector.broadcast %mul3A_821 : f32 to vector<16xf32>
      %mul3A_823 = arith.mulf %add3A_820, %mul3A_822 : vector<16xf32>
      %swap3A_824 = arith.index_cast %add3A_802 : i32 to index
      %swap3A_825 = arith.constant 16 : index
      %swap3A_826 = tpu.vector_load %arg7[%swap3A_824, %swap3A_825] {strides = array<i32>} : memref<256x128xf32, #tpu.memory_space<vmem>>, vector<1x16xf32>,
      %swap3A_827 = vector.shape_cast %swap3A_826 : vector<1x16xf32> to vector<16xf32>
      %swap3A_828 = vector.shape_cast %mul3A_823 : vector<16xf32> to vector<1x16xf32>
      tpu.vector_store %arg7[%swap3A_824, %swap3A_825], %swap3A_828 {strides = array<i32>} : memref<256x128xf32, #tpu.memory_space<vmem>>, vector<1x16xf32>,
      %get3A_829 = arith.index_cast %add3A_802 : i32 to index
      %get3A_830 = arith.constant 32 : index
      %get3A_831 = tpu.vector_load %arg7[%get3A_829, %get3A_830] {strides = array<i32>} : memref<256x128xf32, #tpu.memory_space<vmem>>, vector<1x16xf32>,
      %get3A_832 = vector.shape_cast %get3A_831 : vector<1x16xf32> to vector<16xf32>
      %add3A_833 = arith.addf %get3A_832, %get3A_675 : vector<16xf32>
      %mul3A_834 = arith.constant 11.3137083 : f32
      %mul3A_835 = vector.broadcast %mul3A_834 : f32 to vector<16xf32>
      %mul3A_836 = arith.mulf %add3A_833, %mul3A_835 : vector<16xf32>
      %swap3A_837 = arith.index_cast %add3A_802 : i32 to index
      %swap3A_838 = arith.constant 32 : index
      %swap3A_839 = tpu.vector_load %arg7[%swap3A_837, %swap3A_838] {strides = array<i32>} : memref<256x128xf32, #tpu.memory_space<vmem>>, vector<1x16xf32>,
      %swap3A_840 = vector.shape_cast %swap3A_839 : vector<1x16xf32> to vector<16xf32>
      %swap3A_841 = vector.shape_cast %mul3A_836 : vector<16xf32> to vector<1x16xf32>
      tpu.vector_store %arg7[%swap3A_837, %swap3A_838], %swap3A_841 {strides = array<i32>} : memref<256x128xf32, #tpu.memory_space<vmem>>, vector<1x16xf32>,
      %get3A_842 = arith.index_cast %add3A_802 : i32 to index
      %get3A_843 = arith.constant 48 : index
      %get3A_844 = tpu.vector_load %arg7[%get3A_842, %get3A_843] {strides = array<i32>} : memref<256x128xf32, #tpu.memory_space<vmem>>, vector<1x16xf32>,
      %get3A_845 = vector.shape_cast %get3A_844 : vector<1x16xf32> to vector<16xf32>
      %add3A_846 = arith.addf %get3A_845, %get3A_679 : vector<16xf32>
      %mul3A_847 = arith.constant 11.3137083 : f32
      %mul3A_848 = vector.broadcast %mul3A_847 : f32 to vector<16xf32>
      %mul3A_849 = arith.mulf %add3A_846, %mul3A_848 : vector<16xf32>
      %swap3A_850 = arith.index_cast %add3A_802 : i32 to index
      %swap3A_851 = arith.constant 48 : index
      %swap3A_852 = tpu.vector_load %arg7[%swap3A_850, %swap3A_851] {strides = array<i32>} : memref<256x128xf32, #tpu.memory_space<vmem>>, vector<1x16xf32>,
      %swap3A_853 = vector.shape_cast %swap3A_852 : vector<1x16xf32> to vector<16xf32>
      %swap3A_854 = vector.shape_cast %mul3A_849 : vector<16xf32> to vector<1x16xf32>
      tpu.vector_store %arg7[%swap3A_850, %swap3A_851], %swap3A_854 {strides = array<i32>} : memref<256x128xf32, #tpu.memory_space<vmem>>, vector<1x16xf32>,
      %get3A_855 = arith.index_cast %add3A_802 : i32 to index
      %get3A_856 = arith.constant 64 : index
      %get3A_857 = tpu.vector_load %arg7[%get3A_855, %get3A_856] {strides = array<i32>} : memref<256x128xf32, #tpu.memory_space<vmem>>, vector<1x16xf32>,
      %get3A_858 = vector.shape_cast %get3A_857 : vector<1x16xf32> to vector<16xf32>
      %add3A_859 = arith.addf %get3A_858, %get3A_683 : vector<16xf32>
      %mul3A_860 = arith.constant 11.3137083 : f32
      %mul3A_861 = vector.broadcast %mul3A_860 : f32 to vector<16xf32>
      %mul3A_862 = arith.mulf %add3A_859, %mul3A_861 : vector<16xf32>
      %swap3A_863 = arith.index_cast %add3A_802 : i32 to index
      %swap3A_864 = arith.constant 64 : index
      %swap3A_865 = tpu.vector_load %arg7[%swap3A_863, %swap3A_864] {strides = array<i32>} : memref<256x128xf32, #tpu.memory_space<vmem>>, vector<1x16xf32>,
      %swap3A_866 = vector.shape_cast %swap3A_865 : vector<1x16xf32> to vector<16xf32>
      %swap3A_867 = vector.shape_cast %mul3A_862 : vector<16xf32> to vector<1x16xf32>
      tpu.vector_store %arg7[%swap3A_863, %swap3A_864], %swap3A_867 {strides = array<i32>} : memref<256x128xf32, #tpu.memory_space<vmem>>, vector<1x16xf32>,
      %get3A_868 = arith.index_cast %add3A_802 : i32 to index
      %get3A_869 = arith.constant 80 : index
      %get3A_870 = tpu.vector_load %arg7[%get3A_868, %get3A_869] {strides = array<i32>} : memref<256x128xf32, #tpu.memory_space<vmem>>, vector<1x16xf32>,
      %get3A_871 = vector.shape_cast %get3A_870 : vector<1x16xf32> to vector<16xf32>
      %add3A_872 = arith.addf %get3A_871, %get3A_687 : vector<16xf32>
      %mul3A_873 = arith.constant 11.3137083 : f32
      %mul3A_874 = vector.broadcast %mul3A_873 : f32 to vector<16xf32>
      %mul3A_875 = arith.mulf %add3A_872, %mul3A_874 : vector<16xf32>
      %swap3A_876 = arith.index_cast %add3A_802 : i32 to index
      %swap3A_877 = arith.constant 80 : index
      %swap3A_878 = tpu.vector_load %arg7[%swap3A_876, %swap3A_877] {strides = array<i32>} : memref<256x128xf32, #tpu.memory_space<vmem>>, vector<1x16xf32>,
      %swap3A_879 = vector.shape_cast %swap3A_878 : vector<1x16xf32> to vector<16xf32>
      %swap3A_880 = vector.shape_cast %mul3A_875 : vector<16xf32> to vector<1x16xf32>
      tpu.vector_store %arg7[%swap3A_876, %swap3A_877], %swap3A_880 {strides = array<i32>} : memref<256x128xf32, #tpu.memory_space<vmem>>, vector<1x16xf32>,
      %get3A_881 = arith.index_cast %add3A_802 : i32 to index
      %get3A_882 = arith.constant 96 : index
      %get3A_883 = tpu.vector_load %arg7[%get3A_881, %get3A_882] {strides = array<i32>} : memref<256x128xf32, #tpu.memory_space<vmem>>, vector<1x16xf32>,
      %get3A_884 = vector.shape_cast %get3A_883 : vector<1x16xf32> to vector<16xf32>
      %add3A_885 = arith.addf %get3A_884, %get3A_691 : vector<16xf32>
      %mul3A_886 = arith.constant 11.3137083 : f32
      %mul3A_887 = vector.broadcast %mul3A_886 : f32 to vector<16xf32>
      %mul3A_888 = arith.mulf %add3A_885, %mul3A_887 : vector<16xf32>
      %swap3A_889 = arith.index_cast %add3A_802 : i32 to index
      %swap3A_890 = arith.constant 96 : index
      %swap3A_891 = tpu.vector_load %arg7[%swap3A_889, %swap3A_890] {strides = array<i32>} : memref<256x128xf32, #tpu.memory_space<vmem>>, vector<1x16xf32>,
      %swap3A_892 = vector.shape_cast %swap3A_891 : vector<1x16xf32> to vector<16xf32>
      %swap3A_893 = vector.shape_cast %mul3A_888 : vector<16xf32> to vector<1x16xf32>
      tpu.vector_store %arg7[%swap3A_889, %swap3A_890], %swap3A_893 {strides = array<i32>} : memref<256x128xf32, #tpu.memory_space<vmem>>, vector<1x16xf32>,
      %get3A_894 = arith.index_cast %add3A_802 : i32 to index
      %get3A_895 = arith.constant 112 : index
      %get3A_896 = tpu.vector_load %arg7[%get3A_894, %get3A_895] {strides = array<i32>} : memref<256x128xf32, #tpu.memory_space<vmem>>, vector<1x16xf32>,
      %get3A_897 = vector.shape_cast %get3A_896 : vector<1x16xf32> to vector<16xf32>
      %add3A_898 = arith.addf %get3A_897, %get3A_695 : vector<16xf32>
      %mul3A_899 = arith.constant 11.3137083 : f32
      %mul3A_900 = vector.broadcast %mul3A_899 : f32 to vector<16xf32>
      %mul3A_901 = arith.mulf %add3A_898, %mul3A_900 : vector<16xf32>
      %swap3A_902 = arith.index_cast %add3A_802 : i32 to index
      %swap3A_903 = arith.constant 112 : index
      %swap3A_904 = tpu.vector_load %arg7[%swap3A_902, %swap3A_903] {strides = array<i32>} : memref<256x128xf32, #tpu.memory_space<vmem>>, vector<1x16xf32>,
      %swap3A_905 = vector.shape_cast %swap3A_904 : vector<1x16xf32> to vector<16xf32>
      %swap3A_906 = vector.shape_cast %mul3A_901 : vector<16xf32> to vector<1x16xf32>
      tpu.vector_store %arg7[%swap3A_902, %swap3A_903], %swap3A_906 {strides = array<i32>} : memref<256x128xf32, #tpu.memory_space<vmem>>, vector<1x16xf32>,
    }
    %scan3A_489 = arith.constant 32 : i32
    %add3A_490 = arith.constant 32 : i32
    %add3A_491 = arith.addi %mul3A_2, %add3A_490 : i32
    %dma_start3A_492 = arith.constant 2 : i32
    %dma_start3A_493 = arith.constant 2 : i32
    %dma_start3A_494 = arith.constant 1 : i32
    %dma_start3A_495 = arith.constant 160 : i32
    %dma_start3A_496 = arith.constant 0 : i32
    %dma_start3A_497 = tpu.memref_slice %arg7[%dma_start3A_495, %dma_start3A_496] : memref<256x128xf32, #tpu.memory_space<vmem>> -> memref<32x128xf32, #tpu.memory_space<vmem>>
    %dma_start3A_498 = arith.constant 0 : i32
    %dma_start3A_499 = tpu.memref_slice %arg5[%dma_start3A_492, %add3A_491, %dma_start3A_498] : memref<4x2048x128xf32, #tpu.memory_space<hbm>> -> memref<1x32x128xf32, #tpu.memory_space<hbm>>
    %dma_start3A_500 = tpu.memref_squeeze %dma_start3A_499 : memref<1x32x128xf32, #tpu.memory_space<hbm>> -> memref<32x128xf32, #tpu.memory_space<hbm>>
    %dma_start3A_501 = tpu.memref_slice %arg11[%dma_start3A_493, %dma_start3A_494] : memref<4x2x!tpu.dma_semaphore, #tpu.memory_space<semaphore_mem>> -> memref<1x1x!tpu.dma_semaphore, #tpu.memory_space<semaphore_mem>>
    %dma_start3A_502 = tpu.memref_squeeze %dma_start3A_501 : memref<1x1x!tpu.dma_semaphore, #tpu.memory_space<semaphore_mem>> -> memref<!tpu.dma_semaphore, #tpu.memory_space<semaphore_mem>>
    %dma_start3A_503 = arith.constant 0 : i32
    %dma_start3A_504 = tpu.memref_slice %arg5[%dma_start3A_492, %add3A_491, %dma_start3A_503] : memref<4x2048x128xf32, #tpu.memory_space<hbm>> -> memref<1x32x128xf32, #tpu.memory_space<hbm>>
    %dma_start3A_505 = tpu.memref_squeeze %dma_start3A_504 : memref<1x32x128xf32, #tpu.memory_space<hbm>> -> memref<32x128xf32, #tpu.memory_space<hbm>>
    %dma_start3A_506 = arith.constant 160 : i32
    %dma_start3A_507 = arith.constant 0 : i32
    %dma_start3A_508 = tpu.memref_slice %arg7[%dma_start3A_506, %dma_start3A_507] : memref<256x128xf32, #tpu.memory_space<vmem>> -> memref<32x128xf32, #tpu.memory_space<vmem>>
    tpu.enqueue_dma source(%dma_start3A_508 : memref<32x128xf32, #tpu.memory_space<vmem>>) target(%dma_start3A_505 : memref<32x128xf32, #tpu.memory_space<hbm>>) target_semaphore(%dma_start3A_502 : memref<!tpu.dma_semaphore, #tpu.memory_space<semaphore_mem>>)
    %add3A_509 = arith.constant 32 : i32
    %add3A_510 = arith.addi %mul3A_2, %add3A_509 : i32
    %dma_start3A_511 = arith.constant 3 : i32
    %dma_start3A_512 = arith.constant 3 : i32
    %dma_start3A_513 = arith.constant 1 : i32
    %dma_start3A_514 = arith.constant 224 : i32
    %dma_start3A_515 = arith.constant 0 : i32
    %dma_start3A_516 = tpu.memref_slice %arg7[%dma_start3A_514, %dma_start3A_515] : memref<256x128xf32, #tpu.memory_space<vmem>> -> memref<32x128xf32, #tpu.memory_space<vmem>>
    %dma_start3A_517 = arith.constant 0 : i32
    %dma_start3A_518 = tpu.memref_slice %arg5[%dma_start3A_511, %add3A_510, %dma_start3A_517] : memref<4x2048x128xf32, #tpu.memory_space<hbm>> -> memref<1x32x128xf32, #tpu.memory_space<hbm>>
    %dma_start3A_519 = tpu.memref_squeeze %dma_start3A_518 : memref<1x32x128xf32, #tpu.memory_space<hbm>> -> memref<32x128xf32, #tpu.memory_space<hbm>>
    %dma_start3A_520 = tpu.memref_slice %arg11[%dma_start3A_512, %dma_start3A_513] : memref<4x2x!tpu.dma_semaphore, #tpu.memory_space<semaphore_mem>> -> memref<1x1x!tpu.dma_semaphore, #tpu.memory_space<semaphore_mem>>
    %dma_start3A_521 = tpu.memref_squeeze %dma_start3A_520 : memref<1x1x!tpu.dma_semaphore, #tpu.memory_space<semaphore_mem>> -> memref<!tpu.dma_semaphore, #tpu.memory_space<semaphore_mem>>
    %dma_start3A_522 = arith.constant 0 : i32
    %dma_start3A_523 = tpu.memref_slice %arg5[%dma_start3A_511, %add3A_510, %dma_start3A_522] : memref<4x2048x128xf32, #tpu.memory_space<hbm>> -> memref<1x32x128xf32, #tpu.memory_space<hbm>>
    %dma_start3A_524 = tpu.memref_squeeze %dma_start3A_523 : memref<1x32x128xf32, #tpu.memory_space<hbm>> -> memref<32x128xf32, #tpu.memory_space<hbm>>
    %dma_start3A_525 = arith.constant 224 : i32
    %dma_start3A_526 = arith.constant 0 : i32
    %dma_start3A_527 = tpu.memref_slice %arg7[%dma_start3A_525, %dma_start3A_526] : memref<256x128xf32, #tpu.memory_space<vmem>> -> memref<32x128xf32, #tpu.memory_space<vmem>>
    tpu.enqueue_dma source(%dma_start3A_527 : memref<32x128xf32, #tpu.memory_space<vmem>>) target(%dma_start3A_524 : memref<32x128xf32, #tpu.memory_space<hbm>>) target_semaphore(%dma_start3A_521 : memref<!tpu.dma_semaphore, #tpu.memory_space<semaphore_mem>>)
    %dma_wait3A_528 = arith.constant 0 : i32
    %dma_wait3A_529 = arith.constant 0 : i32
    %dma_wait3A_530 = arith.constant 0 : i32
    %dma_wait3A_531 = arith.constant 0 : i32
    %dma_wait3A_532 = arith.constant 0 : i32
    %dma_wait3A_533 = tpu.memref_slice %arg7[%dma_wait3A_531, %dma_wait3A_532] : memref<256x128xf32, #tpu.memory_space<vmem>> -> memref<32x128xf32, #tpu.memory_space<vmem>>
    %dma_wait3A_534 = arith.constant 0 : i32
    %dma_wait3A_535 = tpu.memref_slice %arg5[%dma_wait3A_528, %add3A_275, %dma_wait3A_534] : memref<4x2048x128xf32, #tpu.memory_space<hbm>> -> memref<1x32x128xf32, #tpu.memory_space<hbm>>
    %dma_wait3A_536 = tpu.memref_squeeze %dma_wait3A_535 : memref<1x32x128xf32, #tpu.memory_space<hbm>> -> memref<32x128xf32, #tpu.memory_space<hbm>>
    %dma_wait3A_537 = tpu.memref_slice %arg11[%dma_wait3A_529, %dma_wait3A_530] : memref<4x2x!tpu.dma_semaphore, #tpu.memory_space<semaphore_mem>> -> memref<1x1x!tpu.dma_semaphore, #tpu.memory_space<semaphore_mem>>
    %dma_wait3A_538 = tpu.memref_squeeze %dma_wait3A_537 : memref<1x1x!tpu.dma_semaphore, #tpu.memory_space<semaphore_mem>> -> memref<!tpu.dma_semaphore, #tpu.memory_space<semaphore_mem>>
    %dma_wait3A_539 = arith.constant 0 : i32
    %dma_wait3A_540 = tpu.memref_slice %arg5[%dma_wait3A_528, %add3A_275, %dma_wait3A_539] : memref<4x2048x128xf32, #tpu.memory_space<hbm>> -> memref<1x32x128xf32, #tpu.memory_space<hbm>>
    %dma_wait3A_541 = tpu.memref_squeeze %dma_wait3A_540 : memref<1x32x128xf32, #tpu.memory_space<hbm>> -> memref<32x128xf32, #tpu.memory_space<hbm>>
    %dma_wait3A_542 = arith.constant 0 : i32
    %dma_wait3A_543 = arith.constant 0 : i32
    %dma_wait3A_544 = tpu.memref_slice %arg7[%dma_wait3A_542, %dma_wait3A_543] : memref<256x128xf32, #tpu.memory_space<vmem>> -> memref<32x128xf32, #tpu.memory_space<vmem>>
    tpu.wait_dma2 semaphore(%dma_wait3A_538 : memref<!tpu.dma_semaphore, #tpu.memory_space<semaphore_mem>>) src(%dma_wait3A_544 : memref<32x128xf32, #tpu.memory_space<vmem>>) dst(%dma_wait3A_541 : memref<32x128xf32, #tpu.memory_space<hbm>>)
    %dma_wait3A_545 = arith.constant 1 : i32
    %dma_wait3A_546 = arith.constant 1 : i32
    %dma_wait3A_547 = arith.constant 0 : i32
    %dma_wait3A_548 = arith.constant 64 : i32
    %dma_wait3A_549 = arith.constant 0 : i32
    %dma_wait3A_550 = tpu.memref_slice %arg7[%dma_wait3A_548, %dma_wait3A_549] : memref<256x128xf32, #tpu.memory_space<vmem>> -> memref<32x128xf32, #tpu.memory_space<vmem>>
    %dma_wait3A_551 = arith.constant 0 : i32
    %dma_wait3A_552 = tpu.memref_slice %arg5[%dma_wait3A_545, %add3A_294, %dma_wait3A_551] : memref<4x2048x128xf32, #tpu.memory_space<hbm>> -> memref<1x32x128xf32, #tpu.memory_space<hbm>>
    %dma_wait3A_553 = tpu.memref_squeeze %dma_wait3A_552 : memref<1x32x128xf32, #tpu.memory_space<hbm>> -> memref<32x128xf32, #tpu.memory_space<hbm>>
    %dma_wait3A_554 = tpu.memref_slice %arg11[%dma_wait3A_546, %dma_wait3A_547] : memref<4x2x!tpu.dma_semaphore, #tpu.memory_space<semaphore_mem>> -> memref<1x1x!tpu.dma_semaphore, #tpu.memory_space<semaphore_mem>>
    %dma_wait3A_555 = tpu.memref_squeeze %dma_wait3A_554 : memref<1x1x!tpu.dma_semaphore, #tpu.memory_space<semaphore_mem>> -> memref<!tpu.dma_semaphore, #tpu.memory_space<semaphore_mem>>
    %dma_wait3A_556 = arith.constant 0 : i32
    %dma_wait3A_557 = tpu.memref_slice %arg5[%dma_wait3A_545, %add3A_294, %dma_wait3A_556] : memref<4x2048x128xf32, #tpu.memory_space<hbm>> -> memref<1x32x128xf32, #tpu.memory_space<hbm>>
    %dma_wait3A_558 = tpu.memref_squeeze %dma_wait3A_557 : memref<1x32x128xf32, #tpu.memory_space<hbm>> -> memref<32x128xf32, #tpu.memory_space<hbm>>
    %dma_wait3A_559 = arith.constant 64 : i32
    %dma_wait3A_560 = arith.constant 0 : i32
    %dma_wait3A_561 = tpu.memref_slice %arg7[%dma_wait3A_559, %dma_wait3A_560] : memref<256x128xf32, #tpu.memory_space<vmem>> -> memref<32x128xf32, #tpu.memory_space<vmem>>
    tpu.wait_dma2 semaphore(%dma_wait3A_555 : memref<!tpu.dma_semaphore, #tpu.memory_space<semaphore_mem>>) src(%dma_wait3A_561 : memref<32x128xf32, #tpu.memory_space<vmem>>) dst(%dma_wait3A_558 : memref<32x128xf32, #tpu.memory_space<hbm>>)
    %dma_wait3A_562 = arith.constant 0 : i32
    %dma_wait3A_563 = arith.constant 0 : i32
    %dma_wait3A_564 = arith.constant 1 : i32
    %dma_wait3A_565 = arith.constant 32 : i32
    %dma_wait3A_566 = arith.constant 0 : i32
    %dma_wait3A_567 = tpu.memref_slice %arg7[%dma_wait3A_565, %dma_wait3A_566] : memref<256x128xf32, #tpu.memory_space<vmem>> -> memref<32x128xf32, #tpu.memory_space<vmem>>
    %dma_wait3A_568 = arith.constant 0 : i32
    %dma_wait3A_569 = tpu.memref_slice %arg5[%dma_wait3A_562, %add3A_347, %dma_wait3A_568] : memref<4x2048x128xf32, #tpu.memory_space<hbm>> -> memref<1x32x128xf32, #tpu.memory_space<hbm>>
    %dma_wait3A_570 = tpu.memref_squeeze %dma_wait3A_569 : memref<1x32x128xf32, #tpu.memory_space<hbm>> -> memref<32x128xf32, #tpu.memory_space<hbm>>
    %dma_wait3A_571 = tpu.memref_slice %arg11[%dma_wait3A_563, %dma_wait3A_564] : memref<4x2x!tpu.dma_semaphore, #tpu.memory_space<semaphore_mem>> -> memref<1x1x!tpu.dma_semaphore, #tpu.memory_space<semaphore_mem>>
    %dma_wait3A_572 = tpu.memref_squeeze %dma_wait3A_571 : memref<1x1x!tpu.dma_semaphore, #tpu.memory_space<semaphore_mem>> -> memref<!tpu.dma_semaphore, #tpu.memory_space<semaphore_mem>>
    %dma_wait3A_573 = arith.constant 0 : i32
    %dma_wait3A_574 = tpu.memref_slice %arg5[%dma_wait3A_562, %add3A_347, %dma_wait3A_573] : memref<4x2048x128xf32, #tpu.memory_space<hbm>> -> memref<1x32x128xf32, #tpu.memory_space<hbm>>
    %dma_wait3A_575 = tpu.memref_squeeze %dma_wait3A_574 : memref<1x32x128xf32, #tpu.memory_space<hbm>> -> memref<32x128xf32, #tpu.memory_space<hbm>>
    %dma_wait3A_576 = arith.constant 32 : i32
    %dma_wait3A_577 = arith.constant 0 : i32
    %dma_wait3A_578 = tpu.memref_slice %arg7[%dma_wait3A_576, %dma_wait3A_577] : memref<256x128xf32, #tpu.memory_space<vmem>> -> memref<32x128xf32, #tpu.memory_space<vmem>>
    tpu.wait_dma2 semaphore(%dma_wait3A_572 : memref<!tpu.dma_semaphore, #tpu.memory_space<semaphore_mem>>) src(%dma_wait3A_578 : memref<32x128xf32, #tpu.memory_space<vmem>>) dst(%dma_wait3A_575 : memref<32x128xf32, #tpu.memory_space<hbm>>)
    %dma_wait3A_579 = arith.constant 1 : i32
    %dma_wait3A_580 = arith.constant 1 : i32
    %dma_wait3A_581 = arith.constant 1 : i32
    %dma_wait3A_582 = arith.constant 96 : i32
    %dma_wait3A_583 = arith.constant 0 : i32
    %dma_wait3A_584 = tpu.memref_slice %arg7[%dma_wait3A_582, %dma_wait3A_583] : memref<256x128xf32, #tpu.memory_space<vmem>> -> memref<32x128xf32, #tpu.memory_space<vmem>>
    %dma_wait3A_585 = arith.constant 0 : i32
    %dma_wait3A_586 = tpu.memref_slice %arg5[%dma_wait3A_579, %add3A_366, %dma_wait3A_585] : memref<4x2048x128xf32, #tpu.memory_space<hbm>> -> memref<1x32x128xf32, #tpu.memory_space<hbm>>
    %dma_wait3A_587 = tpu.memref_squeeze %dma_wait3A_586 : memref<1x32x128xf32, #tpu.memory_space<hbm>> -> memref<32x128xf32, #tpu.memory_space<hbm>>
    %dma_wait3A_588 = tpu.memref_slice %arg11[%dma_wait3A_580, %dma_wait3A_581] : memref<4x2x!tpu.dma_semaphore, #tpu.memory_space<semaphore_mem>> -> memref<1x1x!tpu.dma_semaphore, #tpu.memory_space<semaphore_mem>>
    %dma_wait3A_589 = tpu.memref_squeeze %dma_wait3A_588 : memref<1x1x!tpu.dma_semaphore, #tpu.memory_space<semaphore_mem>> -> memref<!tpu.dma_semaphore, #tpu.memory_space<semaphore_mem>>
    %dma_wait3A_590 = arith.constant 0 : i32
    %dma_wait3A_591 = tpu.memref_slice %arg5[%dma_wait3A_579, %add3A_366, %dma_wait3A_590] : memref<4x2048x128xf32, #tpu.memory_space<hbm>> -> memref<1x32x128xf32, #tpu.memory_space<hbm>>
    %dma_wait3A_592 = tpu.memref_squeeze %dma_wait3A_591 : memref<1x32x128xf32, #tpu.memory_space<hbm>> -> memref<32x128xf32, #tpu.memory_space<hbm>>
    %dma_wait3A_593 = arith.constant 96 : i32
    %dma_wait3A_594 = arith.constant 0 : i32
    %dma_wait3A_595 = tpu.memref_slice %arg7[%dma_wait3A_593, %dma_wait3A_594] : memref<256x128xf32, #tpu.memory_space<vmem>> -> memref<32x128xf32, #tpu.memory_space<vmem>>
    tpu.wait_dma2 semaphore(%dma_wait3A_589 : memref<!tpu.dma_semaphore, #tpu.memory_space<semaphore_mem>>) src(%dma_wait3A_595 : memref<32x128xf32, #tpu.memory_space<vmem>>) dst(%dma_wait3A_592 : memref<32x128xf32, #tpu.memory_space<hbm>>)
    %dma_wait3A_596 = arith.constant 2 : i32
    %dma_wait3A_597 = arith.constant 2 : i32
    %dma_wait3A_598 = arith.constant 0 : i32
    %dma_wait3A_599 = arith.constant 128 : i32
    %dma_wait3A_600 = arith.constant 0 : i32
    %dma_wait3A_601 = tpu.memref_slice %arg7[%dma_wait3A_599, %dma_wait3A_600] : memref<256x128xf32, #tpu.memory_space<vmem>> -> memref<32x128xf32, #tpu.memory_space<vmem>>
    %dma_wait3A_602 = arith.constant 0 : i32
    %dma_wait3A_603 = tpu.memref_slice %arg5[%dma_wait3A_596, %add3A_419, %dma_wait3A_602] : memref<4x2048x128xf32, #tpu.memory_space<hbm>> -> memref<1x32x128xf32, #tpu.memory_space<hbm>>
    %dma_wait3A_604 = tpu.memref_squeeze %dma_wait3A_603 : memref<1x32x128xf32, #tpu.memory_space<hbm>> -> memref<32x128xf32, #tpu.memory_space<hbm>>
    %dma_wait3A_605 = tpu.memref_slice %arg11[%dma_wait3A_597, %dma_wait3A_598] : memref<4x2x!tpu.dma_semaphore, #tpu.memory_space<semaphore_mem>> -> memref<1x1x!tpu.dma_semaphore, #tpu.memory_space<semaphore_mem>>
    %dma_wait3A_606 = tpu.memref_squeeze %dma_wait3A_605 : memref<1x1x!tpu.dma_semaphore, #tpu.memory_space<semaphore_mem>> -> memref<!tpu.dma_semaphore, #tpu.memory_space<semaphore_mem>>
    %dma_wait3A_607 = arith.constant 0 : i32
    %dma_wait3A_608 = tpu.memref_slice %arg5[%dma_wait3A_596, %add3A_419, %dma_wait3A_607] : memref<4x2048x128xf32, #tpu.memory_space<hbm>> -> memref<1x32x128xf32, #tpu.memory_space<hbm>>
    %dma_wait3A_609 = tpu.memref_squeeze %dma_wait3A_608 : memref<1x32x128xf32, #tpu.memory_space<hbm>> -> memref<32x128xf32, #tpu.memory_space<hbm>>
    %dma_wait3A_610 = arith.constant 128 : i32
    %dma_wait3A_611 = arith.constant 0 : i32
    %dma_wait3A_612 = tpu.memref_slice %arg7[%dma_wait3A_610, %dma_wait3A_611] : memref<256x128xf32, #tpu.memory_space<vmem>> -> memref<32x128xf32, #tpu.memory_space<vmem>>
    tpu.wait_dma2 semaphore(%dma_wait3A_606 : memref<!tpu.dma_semaphore, #tpu.memory_space<semaphore_mem>>) src(%dma_wait3A_612 : memref<32x128xf32, #tpu.memory_space<vmem>>) dst(%dma_wait3A_609 : memref<32x128xf32, #tpu.memory_space<hbm>>)
    %dma_wait3A_613 = arith.constant 3 : i32
    %dma_wait3A_614 = arith.constant 3 : i32
    %dma_wait3A_615 = arith.constant 0 : i32
    %dma_wait3A_616 = arith.constant 192 : i32
    %dma_wait3A_617 = arith.constant 0 : i32
    %dma_wait3A_618 = tpu.memref_slice %arg7[%dma_wait3A_616, %dma_wait3A_617] : memref<256x128xf32, #tpu.memory_space<vmem>> -> memref<32x128xf32, #tpu.memory_space<vmem>>
    %dma_wait3A_619 = arith.constant 0 : i32
    %dma_wait3A_620 = tpu.memref_slice %arg5[%dma_wait3A_613, %add3A_438, %dma_wait3A_619] : memref<4x2048x128xf32, #tpu.memory_space<hbm>> -> memref<1x32x128xf32, #tpu.memory_space<hbm>>
    %dma_wait3A_621 = tpu.memref_squeeze %dma_wait3A_620 : memref<1x32x128xf32, #tpu.memory_space<hbm>> -> memref<32x128xf32, #tpu.memory_space<hbm>>
    %dma_wait3A_622 = tpu.memref_slice %arg11[%dma_wait3A_614, %dma_wait3A_615] : memref<4x2x!tpu.dma_semaphore, #tpu.memory_space<semaphore_mem>> -> memref<1x1x!tpu.dma_semaphore, #tpu.memory_space<semaphore_mem>>
    %dma_wait3A_623 = tpu.memref_squeeze %dma_wait3A_622 : memref<1x1x!tpu.dma_semaphore, #tpu.memory_space<semaphore_mem>> -> memref<!tpu.dma_semaphore, #tpu.memory_space<semaphore_mem>>
    %dma_wait3A_624 = arith.constant 0 : i32
    %dma_wait3A_625 = tpu.memref_slice %arg5[%dma_wait3A_613, %add3A_438, %dma_wait3A_624] : memref<4x2048x128xf32, #tpu.memory_space<hbm>> -> memref<1x32x128xf32, #tpu.memory_space<hbm>>
    %dma_wait3A_626 = tpu.memref_squeeze %dma_wait3A_625 : memref<1x32x128xf32, #tpu.memory_space<hbm>> -> memref<32x128xf32, #tpu.memory_space<hbm>>
    %dma_wait3A_627 = arith.constant 192 : i32
    %dma_wait3A_628 = arith.constant 0 : i32
    %dma_wait3A_629 = tpu.memref_slice %arg7[%dma_wait3A_627, %dma_wait3A_628] : memref<256x128xf32, #tpu.memory_space<vmem>> -> memref<32x128xf32, #tpu.memory_space<vmem>>
    tpu.wait_dma2 semaphore(%dma_wait3A_623 : memref<!tpu.dma_semaphore, #tpu.memory_space<semaphore_mem>>) src(%dma_wait3A_629 : memref<32x128xf32, #tpu.memory_space<vmem>>) dst(%dma_wait3A_626 : memref<32x128xf32, #tpu.memory_space<hbm>>)
    %dma_wait3A_630 = arith.constant 2 : i32
    %dma_wait3A_631 = arith.constant 2 : i32
    %dma_wait3A_632 = arith.constant 1 : i32
    %dma_wait3A_633 = arith.constant 160 : i32
    %dma_wait3A_634 = arith.constant 0 : i32
    %dma_wait3A_635 = tpu.memref_slice %arg7[%dma_wait3A_633, %dma_wait3A_634] : memref<256x128xf32, #tpu.memory_space<vmem>> -> memref<32x128xf32, #tpu.memory_space<vmem>>
    %dma_wait3A_636 = arith.constant 0 : i32
    %dma_wait3A_637 = tpu.memref_slice %arg5[%dma_wait3A_630, %add3A_491, %dma_wait3A_636] : memref<4x2048x128xf32, #tpu.memory_space<hbm>> -> memref<1x32x128xf32, #tpu.memory_space<hbm>>
    %dma_wait3A_638 = tpu.memref_squeeze %dma_wait3A_637 : memref<1x32x128xf32, #tpu.memory_space<hbm>> -> memref<32x128xf32, #tpu.memory_space<hbm>>
    %dma_wait3A_639 = tpu.memref_slice %arg11[%dma_wait3A_631, %dma_wait3A_632] : memref<4x2x!tpu.dma_semaphore, #tpu.memory_space<semaphore_mem>> -> memref<1x1x!tpu.dma_semaphore, #tpu.memory_space<semaphore_mem>>
    %dma_wait3A_640 = tpu.memref_squeeze %dma_wait3A_639 : memref<1x1x!tpu.dma_semaphore, #tpu.memory_space<semaphore_mem>> -> memref<!tpu.dma_semaphore, #tpu.memory_space<semaphore_mem>>
    %dma_wait3A_641 = arith.constant 0 : i32
    %dma_wait3A_642 = tpu.memref_slice %arg5[%dma_wait3A_630, %add3A_491, %dma_wait3A_641] : memref<4x2048x128xf32, #tpu.memory_space<hbm>> -> memref<1x32x128xf32, #tpu.memory_space<hbm>>
    %dma_wait3A_643 = tpu.memref_squeeze %dma_wait3A_642 : memref<1x32x128xf32, #tpu.memory_space<hbm>> -> memref<32x128xf32, #tpu.memory_space<hbm>>
    %dma_wait3A_644 = arith.constant 160 : i32
    %dma_wait3A_645 = arith.constant 0 : i32
    %dma_wait3A_646 = tpu.memref_slice %arg7[%dma_wait3A_644, %dma_wait3A_645] : memref<256x128xf32, #tpu.memory_space<vmem>> -> memref<32x128xf32, #tpu.memory_space<vmem>>
    tpu.wait_dma2 semaphore(%dma_wait3A_640 : memref<!tpu.dma_semaphore, #tpu.memory_space<semaphore_mem>>) src(%dma_wait3A_646 : memref<32x128xf32, #tpu.memory_space<vmem>>) dst(%dma_wait3A_643 : memref<32x128xf32, #tpu.memory_space<hbm>>)
    %dma_wait3A_647 = arith.constant 3 : i32
    %dma_wait3A_648 = arith.constant 3 : i32
    %dma_wait3A_649 = arith.constant 1 : i32
    %dma_wait3A_650 = arith.constant 224 : i32
    %dma_wait3A_651 = arith.constant 0 : i32
    %dma_wait3A_652 = tpu.memref_slice %arg7[%dma_wait3A_650, %dma_wait3A_651] : memref<256x128xf32, #tpu.memory_space<vmem>> -> memref<32x128xf32, #tpu.memory_space<vmem>>
    %dma_wait3A_653 = arith.constant 0 : i32
    %dma_wait3A_654 = tpu.memref_slice %arg5[%dma_wait3A_647, %add3A_510, %dma_wait3A_653] : memref<4x2048x128xf32, #tpu.memory_space<hbm>> -> memref<1x32x128xf32, #tpu.memory_space<hbm>>
    %dma_wait3A_655 = tpu.memref_squeeze %dma_wait3A_654 : memref<1x32x128xf32, #tpu.memory_space<hbm>> -> memref<32x128xf32, #tpu.memory_space<hbm>>
    %dma_wait3A_656 = tpu.memref_slice %arg11[%dma_wait3A_648, %dma_wait3A_649] : memref<4x2x!tpu.dma_semaphore, #tpu.memory_space<semaphore_mem>> -> memref<1x1x!tpu.dma_semaphore, #tpu.memory_space<semaphore_mem>>
    %dma_wait3A_657 = tpu.memref_squeeze %dma_wait3A_656 : memref<1x1x!tpu.dma_semaphore, #tpu.memory_space<semaphore_mem>> -> memref<!tpu.dma_semaphore, #tpu.memory_space<semaphore_mem>>
    %dma_wait3A_658 = arith.constant 0 : i32
    %dma_wait3A_659 = tpu.memref_slice %arg5[%dma_wait3A_647, %add3A_510, %dma_wait3A_658] : memref<4x2048x128xf32, #tpu.memory_space<hbm>> -> memref<1x32x128xf32, #tpu.memory_space<hbm>>
    %dma_wait3A_660 = tpu.memref_squeeze %dma_wait3A_659 : memref<1x32x128xf32, #tpu.memory_space<hbm>> -> memref<32x128xf32, #tpu.memory_space<hbm>>
    %dma_wait3A_661 = arith.constant 224 : i32
    %dma_wait3A_662 = arith.constant 0 : i32
    %dma_wait3A_663 = tpu.memref_slice %arg7[%dma_wait3A_661, %dma_wait3A_662] : memref<256x128xf32, #tpu.memory_space<vmem>> -> memref<32x128xf32, #tpu.memory_space<vmem>>
    tpu.wait_dma2 semaphore(%dma_wait3A_657 : memref<!tpu.dma_semaphore, #tpu.memory_space<semaphore_mem>>) src(%dma_wait3A_663 : memref<32x128xf32, #tpu.memory_space<vmem>>) dst(%dma_wait3A_660 : memref<32x128xf32, #tpu.memory_space<hbm>>)
    return
  }
}

</mosaic_0001>

<sc_bundles>
// kernel: kernel.3.cloned.1.call-start
scs
__scs_entry_jumppad:
0x0: {  	(pc) =	sbr.rel $0x88, $3  }
0x1: {  	(tag) =	ssettag $0x0;
	lr =	simm.s32 $0x1  }
0x2: {  	[smem:$0x3F9E] =	sst lr;
	_ =	strace $0xD0000000  }
0x3: {  	_ = 	snop  }
0x4: {  	_ = 	snop  }
0x5: {  	_ = 	snop  }
0x6: {  	_ = 	snop  }
0x7: {  	_ = 	snop  }
__scs_overlays_trampoline_lowered:
0x8: {  	[smem:$0x3FAD] =	sst s0  }
0x9: {  	[smem:$0x3FAE] =	sst s1  }
0xa: {  	[smem:$0x3FAF] =	sst s2  }
0xb: {  	[smem:$0x3FB0] =	sst s3  }
0xc: {  	[smem:$0x3FB1] =	sst s4  }
0xd: {  	[smem:$0x3FB2] =	sst s5  }
0xe: {  	[smem:$0x3FB3] =	sst s6  }
0xf: {  	[smem:$0x3FB4] =	sst s7  }
0x10: {  	[smem:$0x3FB5] =	sst s8  }
0x11: {  	[smem:$0x3FB6] =	sst s9;
	s0 =	simm.s32 @!p0 $0x0  }
0x12: {  	s1 =	sld [smem:$0x3F9C];
	s0 =	simm.s32 @p0 $0x1  }
0x13: {  	[smem:$0x3FB7] =	sst s0;
	s0 =	simm.s32 @!p1 $0x0  }
0x14: {  	s2 =	sld [smem:$0x3F9B];
	s0 =	simm.s32 @p1 $0x1  }
0x15: {  	[smem:$0x3FB8] =	sst s0;
	s0 =	simm.s32 @!p2 $0x0  }
0x16: {  	s3 =	sld [smem:$0x3FDB];
	s0 =	simm.s32 @p2 $0x1  }
0x17: {  	s4 =	simm.s32 $0x1BF5;
	[smem:$0x3FBA] =	sst s0  }
0x18: {  	s0 =	sld [smem:$0x3F9D];
	_ =	swait.ge [sflag:s4], $0x0  }
0x19: {  	s7 =	sld [smem:$0x3F9E]  }
0x1a: {  	s8 =	sadd.s32 $0xFFFFE003, lr  }
0x1b: {  	s9 =	sadd.s32 $0xFFFFFEF7, lr;
	s5 =	simm.s32 $0xFFFFFFFF;
	p2 =	slt.u32 s8, $0xFFFFF086  }
0x1c: {  	p1 =	slt.u32 s9, $0xF7A;
	s5 =	simm.s32 @!p2 $0x0  }
0x1d: {  	s5 =	simm.s32 @p1 $0x1;
	p0 =	seq.s32 s7, s2  }
0x1e: {  	s7 =	smul.u32 @!p0 $0xF7A, s2;
	p2 =	seq.s32 @!p0 s5, $0x0  }
0x1f: {  	s9 =	smul.u32 $0xF7A, s1;
	s8 =	simm.s32 @!p0 $0x1BF5;
	p2 =	por !p2, p0  }
0x20: {  	[sflag:s8] =	ssyncset.s32 @!p0 $0xFFFFF086;
	s6 =	sadd.s32 @!p0 s3, s7;
	s7 =	simm.s32 @!p0 $0x108  }
0x21: {  	s3 =	sadd.s32 s3, s9;
	s6 =	sadd.s32 @!p0 $0x88, s6;
	s7 =	simm.s32 @p2 $0x1082  }
0x22: {  	[simem:s7], [sflag:s8] =	dma.local @!p0 [hbm:s6], $0xF7A  }
0x23: {  	s9 =	sor.u32 $0xD0000000, s2;
	s6 =	simm.s32 $0x108;
	_ =	swait.ge @!p0 [sflag:s8], $0x0  }
0x24: {  	s3 =	sadd.s32 $0x88, s3;
	s6 =	simm.s32 @!p1 $0x1082;
	[sflag:s4] =	ssyncset.s32 $0xFFFFF086  }
0x25: {  	[simem:s6], [sflag:s4] =	dma.local [hbm:s3], $0xF7A  }
0x26: {  	[smem:$0x3F9E] =	sst s1;
	(tag) =	ssettag s2;
	_ =	strace s9  }
0x27: {  	s1 =	sld [smem:$0x3FAE]  }
0x28: {  	s2 =	sld [smem:$0x3FAF]  }
0x29: {  	s4 =	sld [smem:$0x3FB1]  }
0x2a: {  	p0 =	seq.s32 s5, $0x0;
	s5 =	sld [smem:$0x3FB2]  }
0x2b: {  	s6 =	sld [smem:$0x3FB3]  }
0x2c: {  	s7 =	sld [smem:$0x3FB4]  }
0x2d: {  	s3 =	simm.s32 $0x108;
	s8 =	sld [smem:$0x3FB5]  }
0x2e: {  	s3 =	simm.s32 @!p0 $0x1082;
	s9 =	sld [smem:$0x3FB6]  }
0x2f: {  	lr =	sadd.s32 s0, s3;
	s0 =	sld [smem:$0x3FAD]  }
0x30: {  	s3 =	sld [smem:$0x3FB0]  }
0x31: {  	[smem:$0x3FB9] =	sst s10  }
0x32: {  	s10 =	sld [smem:$0x3FB7];
	_ =	sdelay $0x3  }
0x33: {  	p0 =	seq.s32 s10, $0x1;
	s10 =	sld [smem:$0x3FB9];
	_ =	sdelay $0x3  }
0x34: {  	[smem:$0x3FB9] =	sst s10  }
0x35: {  	s10 =	sld [smem:$0x3FB8];
	_ =	sdelay $0x3  }
0x36: {  	p1 =	seq.s32 s10, $0x1;
	s10 =	sld [smem:$0x3FB9];
	_ =	sdelay $0x3  }
0x37: {  	[smem:$0x3FB9] =	sst s10  }
0x38: {  	s10 =	sld [smem:$0x3FBA]  }
0x39: {  	_ = 	snop;
	(pc) =	sbr.ind lr, $3  }
0x3a: {  	_ = 	snop  }
0x3b: {  	_ = 	snop  }
0x3c: {  	p2 =	seq.s32 s10, $0x1;
	s10 =	sld [smem:$0x3FB9]  }
0x3d: {  	_ =	shalt  }
0x3e: {  	_ =	shalt  }
0x3f: {  	_ =	shalt  }
0x40: {  	_ =	shalt  }
0x41: {  	_ =	shalt  }
0x42: {  	_ =	shalt  }
0x43: {  	_ =	shalt  }
0x44: {  	_ =	shalt  }
0x45: {  	_ =	shalt  }
0x46: {  	_ =	shalt  }
0x47: {  	_ =	shalt  }
0x48: {  	_ =	shalt  }
0x49: {  	_ =	shalt  }
0x4a: {  	_ =	shalt  }
0x4b: {  	_ =	shalt  }
0x4c: {  	_ =	shalt  }
0x4d: {  	_ =	shalt  }
0x4e: {  	_ =	shalt  }
0x4f: {  	_ =	shalt  }
0x50: {  	_ =	shalt  }
0x51: {  	_ =	shalt  }
0x52: {  	_ =	shalt  }
0x53: {  	_ =	shalt  }
0x54: {  	_ =	shalt  }
0x55: {  	_ =	shalt  }
0x56: {  	_ =	shalt  }
0x57: {  	_ =	shalt  }
0x58: {  	_ =	shalt  }
0x59: {  	_ =	shalt  }
0x5a: {  	_ =	shalt  }
0x5b: {  	_ =	shalt  }
0x5c: {  	_ =	shalt  }
0x5d: {  	_ =	shalt  }
0x5e: {  	_ =	shalt  }
0x5f: {  	_ =	shalt  }
0x60: {  	_ =	shalt  }
0x61: {  	_ =	shalt  }
0x62: {  	_ =	shalt  }
0x63: {  	_ =	shalt  }
0x64: {  	_ =	shalt  }
0x65: {  	_ =	shalt  }
0x66: {  	_ =	shalt  }
0x67: {  	_ =	shalt  }
0x68: {  	_ =	shalt  }
0x69: {  	_ =	shalt  }
0x6a: {  	_ =	shalt  }
0x6b: {  	_ =	shalt  }
0x6c: {  	_ =	shalt  }
0x6d: {  	_ =	shalt  }
0x6e: {  	_ =	shalt  }
0x6f: {  	_ =	shalt  }
0x70: {  	_ =	shalt  }
0x71: {  	_ =	shalt  }
0x72: {  	_ =	shalt  }
0x73: {  	_ =	shalt  }
0x74: {  	_ =	shalt  }
0x75: {  	_ =	shalt  }
0x76: {  	_ =	shalt  }
0x77: {  	_ =	shalt  }
0x78: {  	_ =	shalt  }
0x79: {  	_ =	shalt  }
0x7a: {  	_ =	shalt  }
0x7b: {  	_ =	shalt  }
0x7c: {  	_ =	shalt  }
0x7d: {  	_ =	shalt  }
0x7e: {  	_ =	shalt  }
0x7f: {  	_ =	shalt  }
0x80: {  	_ =	shalt  }
0x81: {  	_ =	shalt  }
0x82: {  	_ =	shalt  }
0x83: {  	_ =	shalt  }
0x84: {  	_ =	shalt  }
0x85: {  	_ =	shalt  }
0x86: {  	_ =	shalt  }
0x87: {  	_ =	shalt  }
.Lfunc_end0:
.L_simem_size_0:
called_computation_lowered:
.L_overlay_start_0:
0x88: {  	s2 =	sld [smem:$0x3FD9]  }
0x89: {  	s3 =	sld [smem:$0x3FFE];
	_ =	sdelay $0x1  }
0x8a: {  	s1 =	srdreg.scid  }
0x8b: {  	s0 =	sand.u32 $0x1, s1  }
0x8c: {  	s18 =	sshll.u32 s0, $0xA;
	s2 =	sadd.s32 s3, s2  }
0x8d: {  	s2 =	sadd.s32 s2, s18  }
0x8e: {  	[smem:$0x3FC5] =	sst s2  }
0x8f: {  	_ = 	snop  }
0x90: {  	s2 =	sld [smem:$0x3FC9]  }
0x91: {  	s19 =	sld [smem:$0x3FC8]  }
0x92: {  	s4 =	sld [smem:$0x3FC7]  }
0x93: {  	s5 =	sld [smem:$0x3FD0];
	(tm) =	ssettm $0x1  }
0x94: {  	s6 =	sld [smem:$0x3FFB];
	_ =	sdelay $0x3  }
0x95: {  	_ =	strace s6  }
0x96: {  	s6 =	sld [smem:$0x3FFC];
	_ =	sdelay $0x3  }
0x97: {  	_ =	strace s6  }
0x98: {  	s6 =	sld [smem:$0x3FFD];
	_ =	sdelay $0x3  }
0x99: {  	_ =	strace s6  }
0x9a: {  	_ =	strace $0x8FFFFFFF  }
0x9b: {  	s20 =	sld [smem:$0x3FDB];
	_ =	sdelay $0x1  }
0x9c: {  	s7 =	simm.s32 $_scs_section_size  }
0x9d: {  	s8 =	simm.s32 $_size__tile_overlayer_lowered;
	s9 =	simm.s32 $_tile_overlayer_lowered  }
0x9e: {  	s23 =	simm.s32 $0x1BFF;
	s22 =	sshll.u32 s9, $0x1;
	s6 =	sadd.s32 s7, s20  }
0x9f: {  	s10 =	simm.s32 $0x0;
	s21 =	sshll.u32 s8, $0x1;
	s8 =	sadd.s32 s22, s6  }
0xa0: {  	[timem:s10], [sflag:s23] =	dma.local [hbm:s8], s21  }
0xa1: {  	_ =	swait.ge [sflag:s23], s21  }
0xa2: {  	s7 =	ssub.s32 $0x0, s21;
	[sflag:s23] =	ssyncset.done $0x0  }
0xa3: {  	[sflag:s23] =	ssyncadd.s32 s7;
	_ =	sdelay $0x1  }
0xa4: {  	s24 =	simm.s32 $0x1B8B  }
0xa5: {  	_ =	swait.ge [sflag:s24], $0x1  }
0xa6: {  	[sflag:s24] =	ssyncset.done $0x0  }
0xa7: {  	s25 =	simm.s32 $0x1B8E;
	[sflag:s24] =	ssyncadd.s32 $0xFFFFFFFF  }
0xa8: {  	s26 =	simm.s32 $execute0_lowered;
	[smem:$0x3FD2] =	sst s25  }
0xa9: {  	s7 =	sshll.u32 s26, $0x1;
	_ =	strace $0x80000046;
	[dreg:$0x1] =	wrdreg $0xFFFFFFFF  }
0xaa: {  	s28 =	simm.s32 $_size_execute0_lowered;
	s6 =	sadd.s32 s6, s7;
	[dreg:$0x0] =	wrdreg $0x0  }
0xab: {  	s7 =	sshll.u32 s28, $0x1;
	[dreg:$0x2] =	wrdreg s6  }
0xac: {  	[dreg:$0x3] =	wrdreg s7  }
0xad: {  	[dreg:$0x4] =	wrdreg $0xC0  }
0xae: {  	_ =	task [dreg:s10], $0x5FFFF  }
0xaf: {  	[dreg:$0x1] =	wrdreg $0xFFFFFFFF  }
0xb0: {  	[dreg:$0x0] =	wrdreg $0x60  }
0xb1: {  	[dreg:$0x2] =	wrdreg s2  }
0xb2: {  	[dreg:$0x3] =	wrdreg s19  }
0xb3: {  	[dreg:$0x4] =	wrdreg s4  }
0xb4: {  	[dreg:$0x5] =	wrdreg s5  }
0xb5: {  	[dreg:$0x6] =	wrdreg $0x9  }
0xb6: {  	_ =	task.clear_ibuf [dreg:s10], $0x7FFFF;
	_ =	strace $0x90000046  }
0xb7: {  	s29 =	simm.s32 $0x9;
	_ =	strace $0x80000048  }
0xb8: {  	_ =	swait.ge [sflag:s29], $0x1  }
0xb9: {  	[sflag:s29] =	ssyncadd.s32 $0xFFFFFFFF  }
0xba: {  	_ =	strace $0x90000048  }
0xbb: {  	_ =	sfence  }
0xbc: {  	s30 =	sld [smem:$0x0];
	_ =	sdelay $0x2  }
0xbd: {  	s31 =	sshll.u32 s1, $0xD;
	s1 =	sshrl.u32 s1, $0x2  }
0xbe: {  	s3 =	sand.u32 $0x4000, s31;
	s1 =	sadd.s32 s1, s30  }
0xbf: {  	s0 =	sor.u32 s3, s0;
	s1 =	sshll.u32 s1, $0x11  }
0xc0: {  	s0 =	sor.u32 s1, s0  }
0xc1: {  	s0 =	sadd.s32 $0x8F2B, s0  }
0xc2: {  	[sflag:s0] =	ssyncadd.remote.s32 $0x1  }
0xc3: {  	_ =	sfence.sel $0xFFFF  }
0xc4: {  	[dreg:$0x0] =	wrdreg $0xFFFFFFFF;
	(pc) =	sbr.abs _section_cstart, $3  }
0xc5: {  	[dreg:$0x1] =	wrdreg $0xFFFFFFFF  }
0xc6: {  	_ =	task.clear_ibuf [dreg:s10], $0x2FFFF;
	_ =	strace $0x9FFFFFFF  }
0xc7: {  	(tm) =	ssettm $0x7FFFFFFF  }
tec
execute0_lowered:
.L_overlay_start_1:
0x0: {  	(tag) =	ssettag $0x1  }
0x1: {  	s0 =	rddreg [dreg:$0x0]  }
0x2: {  	s1 =	rddreg [dreg:$0x1]  }
0x3: {  	s2 =	srdreg.scid;
	s5 =	rddreg [dreg:$0x2]  }
0x4: {  	s3 =	stileid.u32;
	s6 =	rddreg [dreg:$0x3]  }
0x5: {  	s31 =	simm.s32 $0x3;
	s11 =	simm.s32 $0xC;
	s12 =	simm.s32 $0xF  }
0x6: {  	s13 =	simm.s32 $0xE;
	s28 =	simm.s32 $0x10;
	s2 =	sand.u32 $0x1, s2  }
0x7: {  	s14 =	simm.s32 $0x11;
	s3 =	sshll.u32 s3, $0x7;
	s4 =	sshll.u32 s2, $0x6  }
0x8: {  	s30 =	simm.s32 $0x12;
	s2 =	ssub.s32 $0x2, s2;
	s7 =	sor.u32 s4, s3  }
0x9: {  	s3 =	simm.s32 $0x0;
	s10 =	sshrl.u32 s2, $0x1;
	s8 =	sshll.u32 s7, $0x2  }
0xa: {  	[smem:$0x7FF] =	sst s3;
	s2 =	ssub.s32 s2, s10;
	s17 =	sshll.u32 s7, $0x4  }
0xb: {  	s10 =	simm.s32 $0xA;
	s9 =	sand.u32 $0x1E00, s8;
	_ =	strace $0x80000047  }
0xc: {  	s8 =	sor.u32 s4, s8;
	s7 =	sadd.s32 s6, s17;
	s19 =	sadd.s32 s5, s17  }
0xd: {  	s29 =	smax.u32 s2, $0x1;
	s6 =	simm.s32 $0x5;
	[dreg:$0x8] =	wrdreg s19  }
0xe: {  	s17 =	simm.s32 $0x0;
	s20 =	sadd.s32 $0x8000, s7;
	[dreg:$0x10] =	wrdreg s29  }
0xf: {  	s9 =	sor.u32 s4, s9;
	s21 =	sadd.s32 $0x200, s7;
	[dreg:$0x9] =	wrdreg s20  }
0x10: {  	s8 =	sshrl.u32 s8, $0x3;
	s22 =	sadd.s32 $0x8200, s7;
	[dreg:$0xa] =	wrdreg s21  }
0x11: {  	s23 =	sadd.s32 $0x10000, s7;
	s24 =	sadd.s32 $0x18000, s7;
	[dreg:$0xb] =	wrdreg s22  }
0x12: {  	s25 =	sadd.s32 $0x10200, s7;
	s26 =	sadd.s32 $0x18200, s7;
	[dreg:$0xc] =	wrdreg s23  }
0x13: {  	s19 =	simm.s32 $0x7;
	s9 =	sshrl.u32 s9, $0x3;
	[dreg:$0xd] =	wrdreg s24  }
0x14: {  	s16 =	sor.u32 $0x20, s8;
	s8 =	sor.u32 $0x30, s8;
	[dreg:$0xe] =	wrdreg s25  }
0x15: {  	[dreg:$0xf] =	wrdreg s26;
	s21 =	simm.s32 $0x1;
	s22 =	simm.s32 $0x20  }
0x16: {  	s24 =	simm.s32 $0x2;
	s20 =	simm.s32 $0x6;
	s23 =	simm.s32 $0xB  }
0x17: {  	s25 =	simm.s32 $0xD;
	s15 =	sadd.s32 s0, s9;
	s18 =	sadd.s32 s0, s16  }
0x18: {  	s0 =	sadd.s32 s0, s8;
	s8 =	simm.s32 $0x8;
	[dreg:$0x11] =	wrdreg s15  }
0x19: {  	s16 =	simm.s32 $0x14;
	s9 =	sadd.s32 $0x10, s15;
	[dreg:$0x6] =	wrdreg s18  }
0x1a: {  	[dreg:$0x7] =	wrdreg s0;
	s0 =	simm.s32 $0x4;
	s18 =	simm.s32 $0x15  }
0x1b: {  	s15 =	simm.s32 $0x13;
	[dreg:$0x5] =	wrdreg s9;
	s9 =	simm.s32 $0x9  }
.LBB2_1:
0x1c: {  	s2 =	rddreg [dreg:$0x11]  }
0x1d: {  	[tilespmem:s3], [sflag:$0x1] =	stream.linear.gather [hbm4b:s2+s3], $0x40, $0x38;
	[tilespmem:$0xA200] =	vst v63  }
0x1e: {  	s4 =	rddreg [dreg:$0x5];
	s26 =	simm.s32 $0x80  }
0x1f: {  	[tilespmem:s26], [sflag:$0x2] =	stream.linear.gather [hbm4b:s4+s3], $0x40, $0x38;
	[tilespmem:$0xA200] =	vst v63  }
0x20: {  	s5 =	rddreg [dreg:$0x6];
	s29 =	simm.s32 $0x100  }
0x21: {  	[tilespmem:s29], [sflag:$0x3] =	stream.linear.gather [hbm4b:s5+s3], $0x40, $0x38;
	[tilespmem:$0xA200] =	vst v63  }
0x22: {  	s2 =	rddreg [dreg:$0x7];
	s5 =	simm.s32 $0x180  }
0x23: {  	[tilespmem:s5], [sflag:$0x4] =	stream.linear.gather [hbm4b:s2+s3], $0x40, $0x38;
	[tilespmem:$0xA200] =	vst v63  }
0x24: {  	_ =	swait.ge [sflag:s21], $0x40  }
0x25: {  	[sflag:s21] =	ssyncset.done $0x0  }
0x26: {  	s2 =	simm.s32 $0x200;
	[sflag:s21] =	ssyncadd.s32 $0xFFFFFFC0  }
0x27: {  	[tilespmem:s2], [sflag:$0x5] =	stream.indirect.gather [hbm4b:s1+s22], $0x80, s3, s22, $0xb8;
	[tilespmem:$0xA200] =	vst v63  }
0x28: {  	_ =	swait.ge [sflag:s24], $0x40  }
0x29: {  	[sflag:s24] =	ssyncset.done $0x0  }
0x2a: {  	s2 =	simm.s32 $0x2200;
	[sflag:s24] =	ssyncadd.s32 $0xFFFFFFC0  }
0x2b: {  	[tilespmem:s2], [sflag:$0x7] =	stream.indirect.gather [hbm4b:s1+s22], $0x80, s26, s22, $0xb8;
	[tilespmem:$0xA200] =	vst v63  }
0x2c: {  	s2 =	rddreg [dreg:$0x8];
	s26 =	simm.s32 $0x8200  }
0x2d: {  	[tilespmem:s26], [sflag:$0x15] =	stream.linear.gather [hbm4b:s2+s3], $0x2000, $0x38;
	[tilespmem:$0xA200] =	vst v63  }
0x2e: {  	s26 =	simm.s32 $0x1200  }
0x2f: {  	[tilespmem:s26], [sflag:$0x6] =	stream.indirect.gather [hbm4b:s1+s22], $0x80, s22, s22, $0xb8;
	[tilespmem:$0xA200] =	vst v63  }
0x30: {  	s2 =	simm.s32 $0xA0;
	s26 =	simm.s32 $0x3200  }
0x31: {  	[tilespmem:s26], [sflag:$0x8] =	stream.indirect.gather [hbm4b:s1+s22], $0x80, s2, s22, $0xb8;
	[tilespmem:$0xA200] =	vst v63  }
0x32: {  	_ =	swait.ge [sflag:s31], $0x40  }
0x33: {  	[sflag:s31] =	ssyncset.done $0x0  }
0x34: {  	s26 =	simm.s32 $0x4200;
	[sflag:s31] =	ssyncadd.s32 $0xFFFFFFC0  }
0x35: {  	[tilespmem:s26], [sflag:$0x9] =	stream.indirect.gather [hbm4b:s1+s22], $0x80, s29, s22, $0xb8;
	[tilespmem:$0xA200] =	vst v63  }
0x36: {  	_ =	swait.ge [sflag:s0], $0x40  }
0x37: {  	[sflag:s0] =	ssyncset.done $0x0  }
0x38: {  	s29 =	simm.s32 $0x6200;
	[sflag:s0] =	ssyncadd.s32 $0xFFFFFFC0  }
0x39: {  	[tilespmem:s29], [sflag:$0xB] =	stream.indirect.gather [hbm4b:s1+s22], $0x80, s5, s22, $0xb8;
	[tilespmem:$0xA200] =	vst v63  }
0x3a: {  	s4 =	simm.s32 $0x5200;
	s5 =	simm.s32 $0x120  }
0x3b: {  	[tilespmem:s4], [sflag:$0xA] =	stream.indirect.gather [hbm4b:s1+s22], $0x80, s5, s22, $0xb8;
	[tilespmem:$0xA200] =	vst v63  }
0x3c: {  	s26 =	simm.s32 $0x7200;
	s29 =	simm.s32 $0x1A0  }
0x3d: {  	[tilespmem:s26], [sflag:$0xC] =	stream.indirect.gather [hbm4b:s1+s22], $0x80, s29, s22, $0xb8;
	[tilespmem:$0xA200] =	vst v63  }
0x3e: {  	_ =	swait.ge [sflag:s18], $0x2000  }
0x3f: {  	[sflag:s18] =	ssyncset.done $0x0  }
0x40: {  	[sflag:s18] =	ssyncadd.s32 $0xFFFFE000  }
0x41: {  	_ =	swait.ge [sflag:s6], $0x1000  }
0x42: {  	[sflag:s6] =	ssyncset.done $0x0  }
0x43: {  	[sflag:s6] =	ssyncadd.s32 $0xFFFFF000  }
0x44: {  	_ =	swait.ge [sflag:s19], $0x1000  }
0x45: {  	[sflag:s19] =	ssyncset.done $0x0  }
0x46: {  	s2 =	simm.s32 $0x0;
	[sflag:s19] =	ssyncadd.s32 $0xFFFFF000  }
0x47: {  	v10 =	vld [tilespmem:s2+$0x8200]  }
0x48: {  	v12 =	vld [tilespmem:s2+$0x8210]  }
0x49: {  	v5 =	vld [tilespmem:s2+$0x8220]  }
0x4a: {  	v4 =	vld [tilespmem:s2+$0x8230]  }
0x4b: {  	v3 =	vld [tilespmem:s2+$0x8240]  }
0x4c: {  	v2 =	vld [tilespmem:s2+$0x8250]  }
0x4d: {  	v6 =	vld [tilespmem:s2+$0x200]  }
0x4e: {  	v1 =	vld [tilespmem:s2+$0x8260]  }
0x4f: {  	v7 =	vld [tilespmem:s2+$0x210]  }
0x50: {  	v8 =	vld [tilespmem:s2+$0x220]  }
0x51: {  	v9 =	vld [tilespmem:s2+$0x230]  }
0x52: {  	v11 =	vld [tilespmem:s2+$0x240];
	v6 =	vadd.f32 v6, v10  }
0x53: {  	v13 =	vld [tilespmem:s2+$0x250]  }
0x54: {  	v0 =	vld [tilespmem:s2+$0x8270];
	v7 =	vadd.f32 v7, v12;
	v6 =	vmul.f32 $1.131370830e+01, v6  }
0x55: {  	v14 =	vld [tilespmem:s2+$0x260];
	v8 =	vadd.f32 v8, v5  }
0x56: {  	v15 =	vld [tilespmem:s2+$0x270];
	v7 =	vmul.f32 $1.131370830e+01, v7;
	[tilespmem:s2+$0x200] =	vst v6;
	v6 =	vadd.f32 v9, v4  }
0x57: {  	v16 =	vld [tilespmem:s2+$0x2200];
	v8 =	vmul.f32 $1.131370830e+01, v8;
	v9 =	vadd.f32 v11, v3  }
0x58: {  	v17 =	vld [tilespmem:s2+$0x2210];
	v13 =	vadd.f32 v13, v2;
	[tilespmem:s2+$0x210] =	vst v7;
	v11 =	vmul.f32 $1.131370830e+01, v6  }
0x59: {  	v7 =	vld [tilespmem:s2+$0x2220];
	[tilespmem:s2+$0x220] =	vst v8;
	v9 =	vmul.f32 $1.131370830e+01, v9  }
0x5a: {  	v6 =	vld [tilespmem:s2+$0x2230];
	[tilespmem:s2+$0x230] =	vst v11;
	v11 =	vadd.f32 v14, v1;
	v14 =	vmul.f32 $1.131370830e+01, v13  }
0x5b: {  	v15 =	vadd.f32 v15, v0;
	v8 =	vld [tilespmem:s2+$0x2240];
	[tilespmem:s2+$0x240] =	vst v9  }
0x5c: {  	v9 =	vld [tilespmem:s2+$0x2250];
	v13 =	vmul.f32 $1.131370830e+01, v11;
	[tilespmem:s2+$0x250] =	vst v14;
	v14 =	vadd.f32 v16, v10  }
0x5d: {  	s26 =	simm.s32 $0x200;
	v12 =	vadd.f32 v17, v12;
	v11 =	vmul.f32 $1.131370830e+01, v15;
	v10 =	vld [tilespmem:s2+$0x2260]  }
.LBB2_2:
0x5e: {  	s29 =	sshra.s32 s26, $0x2;
	p0 =	sne.s32 s26, $0x3E00;
	[tilespmem:s2+$0x260] =	vst v13;
	v13 =	vmul.f32 $1.131370830e+01, v14;
	v5 =	vadd.f32 v7, v5;
	v7 =	vld [tilespmem:s2+$0x2270]  }
0x5f: {  	v14 =	vld [tilespmem:s29+$0x8200];
	[tilespmem:s2+$0x270] =	vst v11;
	v11 =	vmul.f32 $1.131370830e+01, v12;
	v4 =	vadd.f32 v6, v4  }
0x60: {  	v12 =	vld [tilespmem:s29+$0x8210];
	[tilespmem:s2+$0x2200] =	vst v13;
	v6 =	vmul.f32 $1.131370830e+01, v5;
	v3 =	vadd.f32 v8, v3  }
0x61: {  	v5 =	vld [tilespmem:s29+$0x8220];
	[tilespmem:s2+$0x2210] =	vst v11;
	v8 =	vmul.f32 $1.131370830e+01, v4;
	v2 =	vadd.f32 v9, v2  }
0x62: {  	v4 =	vld [tilespmem:s29+$0x8230];
	[tilespmem:s2+$0x2220] =	vst v6;
	v6 =	vmul.f32 $1.131370830e+01, v3;
	v1 =	vadd.f32 v10, v1  }
0x63: {  	v3 =	vld [tilespmem:s29+$0x8240];
	[tilespmem:s2+$0x2230] =	vst v8;
	v8 =	vmul.f32 $1.131370830e+01, v2;
	v0 =	vadd.f32 v7, v0  }
0x64: {  	v2 =	vld [tilespmem:s29+$0x8250];
	[tilespmem:s2+$0x2240] =	vst v6;
	v6 =	vmul.f32 $1.131370830e+01, v1  }
0x65: {  	v1 =	vld [tilespmem:s29+$0x8260];
	[tilespmem:s2+$0x2250] =	vst v8;
	v7 =	vmul.f32 $1.131370830e+01, v0  }
0x66: {  	v0 =	vld [tilespmem:s29+$0x8270];
	[tilespmem:s2+$0x2260] =	vst v6  }
0x67: {  	v6 =	vld [tilespmem:s29+$0x200];
	[tilespmem:s2+$0x2270] =	vst v7;
	s2 =	smov.u32 s29  }
0x68: {  	v7 =	vld [tilespmem:s2+$0x210]  }
0x69: {  	v8 =	vld [tilespmem:s2+$0x220]  }
0x6a: {  	v9 =	vld [tilespmem:s2+$0x230]  }
0x6b: {  	v10 =	vld [tilespmem:s2+$0x240]  }
0x6c: {  	v6 =	vadd.f32 v6, v14;
	v11 =	vld [tilespmem:s2+$0x250]  }
0x6d: {  	v7 =	vadd.f32 v7, v12;
	v13 =	vld [tilespmem:s2+$0x260]  }
0x6e: {  	v6 =	vmul.f32 $1.131370830e+01, v6;
	v8 =	vadd.f32 v8, v5;
	v15 =	vld [tilespmem:s2+$0x270]  }
0x6f: {  	v7 =	vmul.f32 $1.131370830e+01, v7;
	v9 =	vadd.f32 v9, v4;
	v16 =	vld [tilespmem:s2+$0x2200]  }
0x70: {  	[tilespmem:s2+$0x200] =	vst v6;
	v6 =	vmul.f32 $1.131370830e+01, v8;
	v8 =	vadd.f32 v10, v3;
	v10 =	vld [tilespmem:s2+$0x2210]  }
.Ltmp0:
0x71: {  	[tilespmem:s2+$0x210] =	vst v7;
	v9 =	vmul.f32 $1.131370830e+01, v9;
	v11 =	vadd.f32 v11, v2;
	v7 =	vld [tilespmem:s2+$0x2220];
	(pc) =	sbr.rel @p0 .LBB2_2-.Ltmp0, $4  }
0x72: {  	[tilespmem:s2+$0x220] =	vst v6;
	v17 =	vmul.f32 $1.131370830e+01, v8;
	v13 =	vadd.f32 v13, v1;
	v6 =	vld [tilespmem:s2+$0x2230]  }
0x73: {  	[tilespmem:s2+$0x230] =	vst v9;
	v11 =	vmul.f32 $1.131370830e+01, v11;
	v15 =	vadd.f32 v15, v0;
	v8 =	vld [tilespmem:s2+$0x2240]  }
0x74: {  	[tilespmem:s2+$0x240] =	vst v17;
	v13 =	vmul.f32 $1.131370830e+01, v13;
	v14 =	vadd.f32 v16, v14;
	v9 =	vld [tilespmem:s2+$0x2250]  }
0x75: {  	s26 =	sadd.s32 $0x200, s26;
	[tilespmem:s2+$0x250] =	vst v11;
	v11 =	vmul.f32 $1.131370830e+01, v15;
	v12 =	vadd.f32 v10, v12;
	v10 =	vld [tilespmem:s2+$0x2260]  }
0x76: {  	[tilespmem:s2+$0x260] =	vst v13;
	v13 =	vmul.f32 $1.131370830e+01, v14;
	v5 =	vadd.f32 v7, v5;
	v7 =	vld [tilespmem:s2+$0x2270]  }
0x77: {  	[tilespmem:s2+$0x270] =	vst v11;
	v11 =	vmul.f32 $1.131370830e+01, v12;
	v4 =	vadd.f32 v6, v4  }
0x78: {  	[tilespmem:s2+$0x2200] =	vst v13;
	v5 =	vmul.f32 $1.131370830e+01, v5;
	v3 =	vadd.f32 v8, v3  }
0x79: {  	[tilespmem:s2+$0x2210] =	vst v11;
	v4 =	vmul.f32 $1.131370830e+01, v4;
	v2 =	vadd.f32 v9, v2  }
0x7a: {  	[tilespmem:s2+$0x2220] =	vst v5;
	v3 =	vmul.f32 $1.131370830e+01, v3;
	v1 =	vadd.f32 v10, v1  }
0x7b: {  	[tilespmem:s2+$0x2230] =	vst v4;
	v2 =	vmul.f32 $1.131370830e+01, v2;
	v0 =	vadd.f32 v7, v0  }
0x7c: {  	[tilespmem:s2+$0x2240] =	vst v3;
	v1 =	vmul.f32 $1.131370830e+01, v1  }
0x7d: {  	[tilespmem:s2+$0x2250] =	vst v2;
	v0 =	vmul.f32 $1.131370830e+01, v0  }
0x7e: {  	[tilespmem:s2+$0x2260] =	vst v1  }
0x7f: {  	s4 =	simm.s32 $0x0;
	s5 =	simm.s32 $0x200;
	[tilespmem:s2+$0x2270] =	vst v0  }
0x80: {  	[hbm4b:s7+s4] =	stream.linear.scatter [tilespmem:s5], [sflag:$0xD], $0x1000, $0x38;
	[tilespmem:$0xA200] =	vst v63  }
0x81: {  	s26 =	rddreg [dreg:$0x9];
	s29 =	simm.s32 $0x2200  }
0x82: {  	[hbm4b:s26+s4] =	stream.linear.scatter [tilespmem:s29], [sflag:$0xF], $0x1000, $0x38;
	[tilespmem:$0xA200] =	vst v63  }
0x83: {  	_ =	swait.ge [sflag:s20], $0x1000  }
0x84: {  	[sflag:s20] =	ssyncset.done $0x0  }
0x85: {  	[sflag:s20] =	ssyncadd.s32 $0xFFFFF000  }
0x86: {  	_ =	swait.ge [sflag:s8], $0x1000  }
0x87: {  	[sflag:s8] =	ssyncset.done $0x0  }
0x88: {  	s2 =	simm.s32 $0x0;
	[sflag:s8] =	ssyncadd.s32 $0xFFFFF000  }
0x89: {  	v10 =	vld [tilespmem:s2+$0x9200]  }
0x8a: {  	v12 =	vld [tilespmem:s2+$0x9210]  }
0x8b: {  	v5 =	vld [tilespmem:s2+$0x9220]  }
0x8c: {  	v4 =	vld [tilespmem:s2+$0x9230]  }
0x8d: {  	v3 =	vld [tilespmem:s2+$0x9240]  }
0x8e: {  	v2 =	vld [tilespmem:s2+$0x9250]  }
0x8f: {  	v6 =	vld [tilespmem:s2+$0x1200]  }
0x90: {  	v1 =	vld [tilespmem:s2+$0x9260]  }
0x91: {  	v7 =	vld [tilespmem:s2+$0x1210]  }
0x92: {  	v8 =	vld [tilespmem:s2+$0x1220]  }
0x93: {  	v9 =	vld [tilespmem:s2+$0x1230]  }
0x94: {  	v11 =	vld [tilespmem:s2+$0x1240];
	v6 =	vadd.f32 v6, v10  }
0x95: {  	v13 =	vld [tilespmem:s2+$0x1250]  }
0x96: {  	v0 =	vld [tilespmem:s2+$0x9270];
	v7 =	vadd.f32 v7, v12;
	v6 =	vmul.f32 $1.131370830e+01, v6  }
0x97: {  	v14 =	vld [tilespmem:s2+$0x1260];
	v8 =	vadd.f32 v8, v5  }
0x98: {  	v15 =	vld [tilespmem:s2+$0x1270];
	v7 =	vmul.f32 $1.131370830e+01, v7;
	[tilespmem:s2+$0x1200] =	vst v6;
	v6 =	vadd.f32 v9, v4  }
0x99: {  	v16 =	vld [tilespmem:s2+$0x3200];
	v8 =	vmul.f32 $1.131370830e+01, v8;
	v9 =	vadd.f32 v11, v3  }
0x9a: {  	v17 =	vld [tilespmem:s2+$0x3210];
	v13 =	vadd.f32 v13, v2;
	[tilespmem:s2+$0x1210] =	vst v7;
	v11 =	vmul.f32 $1.131370830e+01, v6  }
0x9b: {  	v7 =	vld [tilespmem:s2+$0x3220];
	[tilespmem:s2+$0x1220] =	vst v8;
	v9 =	vmul.f32 $1.131370830e+01, v9  }
0x9c: {  	v6 =	vld [tilespmem:s2+$0x3230];
	[tilespmem:s2+$0x1230] =	vst v11;
	v11 =	vadd.f32 v14, v1;
	v14 =	vmul.f32 $1.131370830e+01, v13  }
0x9d: {  	v15 =	vadd.f32 v15, v0;
	v8 =	vld [tilespmem:s2+$0x3240];
	[tilespmem:s2+$0x1240] =	vst v9  }
0x9e: {  	v9 =	vld [tilespmem:s2+$0x3250];
	v13 =	vmul.f32 $1.131370830e+01, v11;
	[tilespmem:s2+$0x1250] =	vst v14;
	v14 =	vadd.f32 v16, v10  }
0x9f: {  	s26 =	simm.s32 $0x200;
	v12 =	vadd.f32 v17, v12;
	v11 =	vmul.f32 $1.131370830e+01, v15;
	v10 =	vld [tilespmem:s2+$0x3260]  }
.LBB2_4:
0xa0: {  	s29 =	sshra.s32 s26, $0x2;
	p0 =	sne.s32 s26, $0x3E00;
	[tilespmem:s2+$0x1260] =	vst v13;
	v13 =	vmul.f32 $1.131370830e+01, v14;
	v5 =	vadd.f32 v7, v5;
	v7 =	vld [tilespmem:s2+$0x3270]  }
0xa1: {  	v14 =	vld [tilespmem:s29+$0x9200];
	[tilespmem:s2+$0x1270] =	vst v11;
	v11 =	vmul.f32 $1.131370830e+01, v12;
	v4 =	vadd.f32 v6, v4  }
0xa2: {  	v12 =	vld [tilespmem:s29+$0x9210];
	[tilespmem:s2+$0x3200] =	vst v13;
	v6 =	vmul.f32 $1.131370830e+01, v5;
	v3 =	vadd.f32 v8, v3  }
0xa3: {  	v5 =	vld [tilespmem:s29+$0x9220];
	[tilespmem:s2+$0x3210] =	vst v11;
	v8 =	vmul.f32 $1.131370830e+01, v4;
	v2 =	vadd.f32 v9, v2  }
0xa4: {  	v4 =	vld [tilespmem:s29+$0x9230];
	[tilespmem:s2+$0x3220] =	vst v6;
	v6 =	vmul.f32 $1.131370830e+01, v3;
	v1 =	vadd.f32 v10, v1  }
0xa5: {  	v3 =	vld [tilespmem:s29+$0x9240];
	[tilespmem:s2+$0x3230] =	vst v8;
	v8 =	vmul.f32 $1.131370830e+01, v2;
	v0 =	vadd.f32 v7, v0  }
0xa6: {  	v2 =	vld [tilespmem:s29+$0x9250];
	[tilespmem:s2+$0x3240] =	vst v6;
	v6 =	vmul.f32 $1.131370830e+01, v1  }
0xa7: {  	v1 =	vld [tilespmem:s29+$0x9260];
	[tilespmem:s2+$0x3250] =	vst v8;
	v7 =	vmul.f32 $1.131370830e+01, v0  }
0xa8: {  	v0 =	vld [tilespmem:s29+$0x9270];
	[tilespmem:s2+$0x3260] =	vst v6  }
0xa9: {  	v6 =	vld [tilespmem:s29+$0x1200];
	[tilespmem:s2+$0x3270] =	vst v7;
	s2 =	smov.u32 s29  }
0xaa: {  	v7 =	vld [tilespmem:s2+$0x1210]  }
0xab: {  	v8 =	vld [tilespmem:s2+$0x1220]  }
0xac: {  	v9 =	vld [tilespmem:s2+$0x1230]  }
0xad: {  	v10 =	vld [tilespmem:s2+$0x1240]  }
0xae: {  	v6 =	vadd.f32 v6, v14;
	v11 =	vld [tilespmem:s2+$0x1250]  }
0xaf: {  	v7 =	vadd.f32 v7, v12;
	v13 =	vld [tilespmem:s2+$0x1260]  }
0xb0: {  	v6 =	vmul.f32 $1.131370830e+01, v6;
	v8 =	vadd.f32 v8, v5;
	v15 =	vld [tilespmem:s2+$0x1270]  }
0xb1: {  	v7 =	vmul.f32 $1.131370830e+01, v7;
	v9 =	vadd.f32 v9, v4;
	v16 =	vld [tilespmem:s2+$0x3200]  }
0xb2: {  	[tilespmem:s2+$0x1200] =	vst v6;
	v6 =	vmul.f32 $1.131370830e+01, v8;
	v8 =	vadd.f32 v10, v3;
	v10 =	vld [tilespmem:s2+$0x3210]  }
.Ltmp1:
0xb3: {  	[tilespmem:s2+$0x1210] =	vst v7;
	v9 =	vmul.f32 $1.131370830e+01, v9;
	v11 =	vadd.f32 v11, v2;
	v7 =	vld [tilespmem:s2+$0x3220];
	(pc) =	sbr.rel @p0 .LBB2_4-.Ltmp1, $4  }
0xb4: {  	[tilespmem:s2+$0x1220] =	vst v6;
	v17 =	vmul.f32 $1.131370830e+01, v8;
	v13 =	vadd.f32 v13, v1;
	v6 =	vld [tilespmem:s2+$0x3230]  }
0xb5: {  	[tilespmem:s2+$0x1230] =	vst v9;
	v11 =	vmul.f32 $1.131370830e+01, v11;
	v15 =	vadd.f32 v15, v0;
	v8 =	vld [tilespmem:s2+$0x3240]  }
0xb6: {  	[tilespmem:s2+$0x1240] =	vst v17;
	v13 =	vmul.f32 $1.131370830e+01, v13;
	v14 =	vadd.f32 v16, v14;
	v9 =	vld [tilespmem:s2+$0x3250]  }
0xb7: {  	s26 =	sadd.s32 $0x200, s26;
	[tilespmem:s2+$0x1250] =	vst v11;
	v11 =	vmul.f32 $1.131370830e+01, v15;
	v12 =	vadd.f32 v10, v12;
	v10 =	vld [tilespmem:s2+$0x3260]  }
0xb8: {  	[tilespmem:s2+$0x1260] =	vst v13;
	v13 =	vmul.f32 $1.131370830e+01, v14;
	v5 =	vadd.f32 v7, v5;
	v7 =	vld [tilespmem:s2+$0x3270]  }
0xb9: {  	[tilespmem:s2+$0x1270] =	vst v11;
	v11 =	vmul.f32 $1.131370830e+01, v12;
	v4 =	vadd.f32 v6, v4  }
0xba: {  	[tilespmem:s2+$0x3200] =	vst v13;
	v5 =	vmul.f32 $1.131370830e+01, v5;
	v3 =	vadd.f32 v8, v3  }
0xbb: {  	[tilespmem:s2+$0x3210] =	vst v11;
	v4 =	vmul.f32 $1.131370830e+01, v4;
	v2 =	vadd.f32 v9, v2  }
0xbc: {  	[tilespmem:s2+$0x3220] =	vst v5;
	v3 =	vmul.f32 $1.131370830e+01, v3;
	v1 =	vadd.f32 v10, v1  }
0xbd: {  	[tilespmem:s2+$0x3230] =	vst v4;
	v2 =	vmul.f32 $1.131370830e+01, v2;
	v0 =	vadd.f32 v7, v0  }
0xbe: {  	[tilespmem:s2+$0x3240] =	vst v3;
	v1 =	vmul.f32 $1.131370830e+01, v1  }
0xbf: {  	[tilespmem:s2+$0x3250] =	vst v2;
	v0 =	vmul.f32 $1.131370830e+01, v0  }
0xc0: {  	[tilespmem:s2+$0x3260] =	vst v1  }
0xc1: {  	s4 =	simm.s32 $0x0;
	s26 =	rddreg [dreg:$0xa];
	s5 =	simm.s32 $0x1200;
	[tilespmem:s2+$0x3270] =	vst v0  }
0xc2: {  	[hbm4b:s26+s4] =	stream.linear.scatter [tilespmem:s5], [sflag:$0xE], $0x1000, $0x38;
	[tilespmem:$0xA200] =	vst v63  }
0xc3: {  	s29 =	simm.s32 $0x3200;
	s5 =	rddreg [dreg:$0xb]  }
0xc4: {  	[hbm4b:s5+s4] =	stream.linear.scatter [tilespmem:s29], [sflag:$0x10], $0x1000, $0x38;
	[tilespmem:$0xA200] =	vst v63  }
0xc5: {  	_ =	swait.ge [sflag:s9], $0x1000  }
0xc6: {  	[sflag:s9] =	ssyncset.done $0x0  }
0xc7: {  	[sflag:s9] =	ssyncadd.s32 $0xFFFFF000  }
0xc8: {  	_ =	swait.ge [sflag:s23], $0x1000  }
0xc9: {  	[sflag:s23] =	ssyncset.done $0x0  }
0xca: {  	s2 =	simm.s32 $0x0;
	[sflag:s23] =	ssyncadd.s32 $0xFFFFF000  }
0xcb: {  	v10 =	vld [tilespmem:s2+$0x8200]  }
0xcc: {  	v12 =	vld [tilespmem:s2+$0x8210]  }
0xcd: {  	v5 =	vld [tilespmem:s2+$0x8220]  }
0xce: {  	v4 =	vld [tilespmem:s2+$0x8230]  }
0xcf: {  	v3 =	vld [tilespmem:s2+$0x8240]  }
0xd0: {  	v2 =	vld [tilespmem:s2+$0x8250]  }
0xd1: {  	v6 =	vld [tilespmem:s2+$0x4200]  }
0xd2: {  	v1 =	vld [tilespmem:s2+$0x8260]  }
0xd3: {  	v7 =	vld [tilespmem:s2+$0x4210]  }
0xd4: {  	v8 =	vld [tilespmem:s2+$0x4220]  }
0xd5: {  	v9 =	vld [tilespmem:s2+$0x4230]  }
0xd6: {  	v11 =	vld [tilespmem:s2+$0x4240];
	v6 =	vadd.f32 v6, v10  }
0xd7: {  	v13 =	vld [tilespmem:s2+$0x4250]  }
0xd8: {  	v0 =	vld [tilespmem:s2+$0x8270];
	v7 =	vadd.f32 v7, v12;
	v6 =	vmul.f32 $1.131370830e+01, v6  }
0xd9: {  	v14 =	vld [tilespmem:s2+$0x4260];
	v8 =	vadd.f32 v8, v5  }
0xda: {  	v15 =	vld [tilespmem:s2+$0x4270];
	v7 =	vmul.f32 $1.131370830e+01, v7;
	[tilespmem:s2+$0x4200] =	vst v6;
	v6 =	vadd.f32 v9, v4  }
0xdb: {  	v16 =	vld [tilespmem:s2+$0x6200];
	v8 =	vmul.f32 $1.131370830e+01, v8;
	v9 =	vadd.f32 v11, v3  }
0xdc: {  	v17 =	vld [tilespmem:s2+$0x6210];
	v13 =	vadd.f32 v13, v2;
	[tilespmem:s2+$0x4210] =	vst v7;
	v11 =	vmul.f32 $1.131370830e+01, v6  }
0xdd: {  	v7 =	vld [tilespmem:s2+$0x6220];
	[tilespmem:s2+$0x4220] =	vst v8;
	v9 =	vmul.f32 $1.131370830e+01, v9  }
0xde: {  	v6 =	vld [tilespmem:s2+$0x6230];
	[tilespmem:s2+$0x4230] =	vst v11;
	v11 =	vadd.f32 v14, v1;
	v14 =	vmul.f32 $1.131370830e+01, v13  }
0xdf: {  	v15 =	vadd.f32 v15, v0;
	v8 =	vld [tilespmem:s2+$0x6240];
	[tilespmem:s2+$0x4240] =	vst v9  }
0xe0: {  	v9 =	vld [tilespmem:s2+$0x6250];
	v13 =	vmul.f32 $1.131370830e+01, v11;
	[tilespmem:s2+$0x4250] =	vst v14;
	v14 =	vadd.f32 v16, v10  }
0xe1: {  	s26 =	simm.s32 $0x200;
	v12 =	vadd.f32 v17, v12;
	v11 =	vmul.f32 $1.131370830e+01, v15;
	v10 =	vld [tilespmem:s2+$0x6260]  }
.LBB2_6:
0xe2: {  	s29 =	sshra.s32 s26, $0x2;
	p0 =	sne.s32 s26, $0x3E00;
	[tilespmem:s2+$0x4260] =	vst v13;
	v13 =	vmul.f32 $1.131370830e+01, v14;
	v5 =	vadd.f32 v7, v5;
	v7 =	vld [tilespmem:s2+$0x6270]  }
0xe3: {  	v14 =	vld [tilespmem:s29+$0x8200];
	[tilespmem:s2+$0x4270] =	vst v11;
	v11 =	vmul.f32 $1.131370830e+01, v12;
	v4 =	vadd.f32 v6, v4  }
0xe4: {  	v12 =	vld [tilespmem:s29+$0x8210];
	[tilespmem:s2+$0x6200] =	vst v13;
	v6 =	vmul.f32 $1.131370830e+01, v5;
	v3 =	vadd.f32 v8, v3  }
0xe5: {  	v5 =	vld [tilespmem:s29+$0x8220];
	[tilespmem:s2+$0x6210] =	vst v11;
	v8 =	vmul.f32 $1.131370830e+01, v4;
	v2 =	vadd.f32 v9, v2  }
0xe6: {  	v4 =	vld [tilespmem:s29+$0x8230];
	[tilespmem:s2+$0x6220] =	vst v6;
	v6 =	vmul.f32 $1.131370830e+01, v3;
	v1 =	vadd.f32 v10, v1  }
0xe7: {  	v3 =	vld [tilespmem:s29+$0x8240];
	[tilespmem:s2+$0x6230] =	vst v8;
	v8 =	vmul.f32 $1.131370830e+01, v2;
	v0 =	vadd.f32 v7, v0  }
0xe8: {  	v2 =	vld [tilespmem:s29+$0x8250];
	[tilespmem:s2+$0x6240] =	vst v6;
	v6 =	vmul.f32 $1.131370830e+01, v1  }
0xe9: {  	v1 =	vld [tilespmem:s29+$0x8260];
	[tilespmem:s2+$0x6250] =	vst v8;
	v7 =	vmul.f32 $1.131370830e+01, v0  }
0xea: {  	v0 =	vld [tilespmem:s29+$0x8270];
	[tilespmem:s2+$0x6260] =	vst v6  }
0xeb: {  	v6 =	vld [tilespmem:s29+$0x4200];
	[tilespmem:s2+$0x6270] =	vst v7;
	s2 =	smov.u32 s29  }
0xec: {  	v7 =	vld [tilespmem:s2+$0x4210]  }
0xed: {  	v8 =	vld [tilespmem:s2+$0x4220]  }
0xee: {  	v9 =	vld [tilespmem:s2+$0x4230]  }
0xef: {  	v10 =	vld [tilespmem:s2+$0x4240]  }
0xf0: {  	v6 =	vadd.f32 v6, v14;
	v11 =	vld [tilespmem:s2+$0x4250]  }
0xf1: {  	v7 =	vadd.f32 v7, v12;
	v13 =	vld [tilespmem:s2+$0x4260]  }
0xf2: {  	v6 =	vmul.f32 $1.131370830e+01, v6;
	v8 =	vadd.f32 v8, v5;
	v15 =	vld [tilespmem:s2+$0x4270]  }
0xf3: {  	v7 =	vmul.f32 $1.131370830e+01, v7;
	v9 =	vadd.f32 v9, v4;
	v16 =	vld [tilespmem:s2+$0x6200]  }
0xf4: {  	[tilespmem:s2+$0x4200] =	vst v6;
	v6 =	vmul.f32 $1.131370830e+01, v8;
	v8 =	vadd.f32 v10, v3;
	v10 =	vld [tilespmem:s2+$0x6210]  }
.Ltmp2:
0xf5: {  	[tilespmem:s2+$0x4210] =	vst v7;
	v9 =	vmul.f32 $1.131370830e+01, v9;
	v11 =	vadd.f32 v11, v2;
	v7 =	vld [tilespmem:s2+$0x6220];
	(pc) =	sbr.rel @p0 .LBB2_6-.Ltmp2, $4  }
0xf6: {  	[tilespmem:s2+$0x4220] =	vst v6;
	v17 =	vmul.f32 $1.131370830e+01, v8;
	v13 =	vadd.f32 v13, v1;
	v6 =	vld [tilespmem:s2+$0x6230]  }
0xf7: {  	[tilespmem:s2+$0x4230] =	vst v9;
	v11 =	vmul.f32 $1.131370830e+01, v11;
	v15 =	vadd.f32 v15, v0;
	v8 =	vld [tilespmem:s2+$0x6240]  }
0xf8: {  	[tilespmem:s2+$0x4240] =	vst v17;
	v13 =	vmul.f32 $1.131370830e+01, v13;
	v14 =	vadd.f32 v16, v14;
	v9 =	vld [tilespmem:s2+$0x6250]  }
0xf9: {  	s26 =	sadd.s32 $0x200, s26;
	[tilespmem:s2+$0x4250] =	vst v11;
	v11 =	vmul.f32 $1.131370830e+01, v15;
	v12 =	vadd.f32 v10, v12;
	v10 =	vld [tilespmem:s2+$0x6260]  }
0xfa: {  	[tilespmem:s2+$0x4260] =	vst v13;
	v13 =	vmul.f32 $1.131370830e+01, v14;
	v5 =	vadd.f32 v7, v5;
	v7 =	vld [tilespmem:s2+$0x6270]  }
0xfb: {  	[tilespmem:s2+$0x4270] =	vst v11;
	v11 =	vmul.f32 $1.131370830e+01, v12;
	v4 =	vadd.f32 v6, v4  }
0xfc: {  	[tilespmem:s2+$0x6200] =	vst v13;
	v5 =	vmul.f32 $1.131370830e+01, v5;
	v3 =	vadd.f32 v8, v3  }
0xfd: {  	[tilespmem:s2+$0x6210] =	vst v11;
	v4 =	vmul.f32 $1.131370830e+01, v4;
	v2 =	vadd.f32 v9, v2  }
0xfe: {  	[tilespmem:s2+$0x6220] =	vst v5;
	v3 =	vmul.f32 $1.131370830e+01, v3;
	v1 =	vadd.f32 v10, v1  }
0xff: {  	[tilespmem:s2+$0x6230] =	vst v4;
	v2 =	vmul.f32 $1.131370830e+01, v2;
	v0 =	vadd.f32 v7, v0  }
0x100: {  	[tilespmem:s2+$0x6240] =	vst v3;
	v1 =	vmul.f32 $1.131370830e+01, v1  }
0x101: {  	[tilespmem:s2+$0x6250] =	vst v2;
	v0 =	vmul.f32 $1.131370830e+01, v0  }
0x102: {  	[tilespmem:s2+$0x6260] =	vst v1  }
0x103: {  	s4 =	simm.s32 $0x0;
	s26 =	rddreg [dreg:$0xc];
	s5 =	simm.s32 $0x4200;
	[tilespmem:s2+$0x6270] =	vst v0  }
0x104: {  	[hbm4b:s26+s4] =	stream.linear.scatter [tilespmem:s5], [sflag:$0x11], $0x1000, $0x38;
	[tilespmem:$0xA200] =	vst v63  }
0x105: {  	s29 =	simm.s32 $0x6200;
	s5 =	rddreg [dreg:$0xd]  }
0x106: {  	[hbm4b:s5+s4] =	stream.linear.scatter [tilespmem:s29], [sflag:$0x13], $0x1000, $0x38;
	[tilespmem:$0xA200] =	vst v63  }
0x107: {  	_ =	swait.ge [sflag:s10], $0x1000  }
0x108: {  	[sflag:s10] =	ssyncset.done $0x0  }
0x109: {  	[sflag:s10] =	ssyncadd.s32 $0xFFFFF000  }
0x10a: {  	_ =	swait.ge [sflag:s11], $0x1000  }
0x10b: {  	[sflag:s11] =	ssyncset.done $0x0  }
0x10c: {  	s2 =	simm.s32 $0x0;
	[sflag:s11] =	ssyncadd.s32 $0xFFFFF000  }
0x10d: {  	v10 =	vld [tilespmem:s2+$0x9200]  }
0x10e: {  	v12 =	vld [tilespmem:s2+$0x9210]  }
0x10f: {  	v5 =	vld [tilespmem:s2+$0x9220]  }
0x110: {  	v4 =	vld [tilespmem:s2+$0x9230]  }
0x111: {  	v3 =	vld [tilespmem:s2+$0x9240]  }
0x112: {  	v2 =	vld [tilespmem:s2+$0x9250]  }
0x113: {  	v6 =	vld [tilespmem:s2+$0x5200]  }
0x114: {  	v1 =	vld [tilespmem:s2+$0x9260]  }
0x115: {  	v7 =	vld [tilespmem:s2+$0x5210]  }
0x116: {  	v8 =	vld [tilespmem:s2+$0x5220]  }
0x117: {  	v9 =	vld [tilespmem:s2+$0x5230]  }
0x118: {  	v11 =	vld [tilespmem:s2+$0x5240];
	v6 =	vadd.f32 v6, v10  }
0x119: {  	v13 =	vld [tilespmem:s2+$0x5250]  }
0x11a: {  	v0 =	vld [tilespmem:s2+$0x9270];
	v7 =	vadd.f32 v7, v12;
	v6 =	vmul.f32 $1.131370830e+01, v6  }
0x11b: {  	v14 =	vld [tilespmem:s2+$0x5260];
	v8 =	vadd.f32 v8, v5  }
0x11c: {  	v15 =	vld [tilespmem:s2+$0x5270];
	v7 =	vmul.f32 $1.131370830e+01, v7;
	[tilespmem:s2+$0x5200] =	vst v6;
	v6 =	vadd.f32 v9, v4  }
0x11d: {  	v16 =	vld [tilespmem:s2+$0x7200];
	v8 =	vmul.f32 $1.131370830e+01, v8;
	v9 =	vadd.f32 v11, v3  }
0x11e: {  	v17 =	vld [tilespmem:s2+$0x7210];
	v13 =	vadd.f32 v13, v2;
	[tilespmem:s2+$0x5210] =	vst v7;
	v11 =	vmul.f32 $1.131370830e+01, v6  }
0x11f: {  	v7 =	vld [tilespmem:s2+$0x7220];
	[tilespmem:s2+$0x5220] =	vst v8;
	v9 =	vmul.f32 $1.131370830e+01, v9  }
0x120: {  	v6 =	vld [tilespmem:s2+$0x7230];
	[tilespmem:s2+$0x5230] =	vst v11;
	v11 =	vadd.f32 v14, v1;
	v14 =	vmul.f32 $1.131370830e+01, v13  }
0x121: {  	v15 =	vadd.f32 v15, v0;
	v8 =	vld [tilespmem:s2+$0x7240];
	[tilespmem:s2+$0x5240] =	vst v9  }
0x122: {  	v9 =	vld [tilespmem:s2+$0x7250];
	v13 =	vmul.f32 $1.131370830e+01, v11;
	[tilespmem:s2+$0x5250] =	vst v14;
	v14 =	vadd.f32 v16, v10  }
0x123: {  	s26 =	simm.s32 $0x200;
	v12 =	vadd.f32 v17, v12;
	v11 =	vmul.f32 $1.131370830e+01, v15;
	v10 =	vld [tilespmem:s2+$0x7260]  }
.LBB2_8:
0x124: {  	s29 =	sshra.s32 s26, $0x2;
	p0 =	sne.s32 s26, $0x3E00;
	[tilespmem:s2+$0x5260] =	vst v13;
	v13 =	vmul.f32 $1.131370830e+01, v14;
	v5 =	vadd.f32 v7, v5;
	v7 =	vld [tilespmem:s2+$0x7270]  }
0x125: {  	v14 =	vld [tilespmem:s29+$0x9200];
	[tilespmem:s2+$0x5270] =	vst v11;
	v11 =	vmul.f32 $1.131370830e+01, v12;
	v4 =	vadd.f32 v6, v4  }
0x126: {  	v12 =	vld [tilespmem:s29+$0x9210];
	[tilespmem:s2+$0x7200] =	vst v13;
	v6 =	vmul.f32 $1.131370830e+01, v5;
	v3 =	vadd.f32 v8, v3  }
0x127: {  	v5 =	vld [tilespmem:s29+$0x9220];
	[tilespmem:s2+$0x7210] =	vst v11;
	v8 =	vmul.f32 $1.131370830e+01, v4;
	v2 =	vadd.f32 v9, v2  }
0x128: {  	v4 =	vld [tilespmem:s29+$0x9230];
	[tilespmem:s2+$0x7220] =	vst v6;
	v6 =	vmul.f32 $1.131370830e+01, v3;
	v1 =	vadd.f32 v10, v1  }
0x129: {  	v3 =	vld [tilespmem:s29+$0x9240];
	[tilespmem:s2+$0x7230] =	vst v8;
	v8 =	vmul.f32 $1.131370830e+01, v2;
	v0 =	vadd.f32 v7, v0  }
0x12a: {  	v2 =	vld [tilespmem:s29+$0x9250];
	[tilespmem:s2+$0x7240] =	vst v6;
	v6 =	vmul.f32 $1.131370830e+01, v1  }
0x12b: {  	v1 =	vld [tilespmem:s29+$0x9260];
	[tilespmem:s2+$0x7250] =	vst v8;
	v7 =	vmul.f32 $1.131370830e+01, v0  }
0x12c: {  	v0 =	vld [tilespmem:s29+$0x9270];
	[tilespmem:s2+$0x7260] =	vst v6  }
0x12d: {  	v6 =	vld [tilespmem:s29+$0x5200];
	[tilespmem:s2+$0x7270] =	vst v7;
	s2 =	smov.u32 s29  }
0x12e: {  	v7 =	vld [tilespmem:s2+$0x5210]  }
0x12f: {  	v8 =	vld [tilespmem:s2+$0x5220]  }
0x130: {  	v9 =	vld [tilespmem:s2+$0x5230]  }
0x131: {  	v10 =	vld [tilespmem:s2+$0x5240]  }
0x132: {  	v6 =	vadd.f32 v6, v14;
	v11 =	vld [tilespmem:s2+$0x5250]  }
0x133: {  	v7 =	vadd.f32 v7, v12;
	v13 =	vld [tilespmem:s2+$0x5260]  }
0x134: {  	v6 =	vmul.f32 $1.131370830e+01, v6;
	v8 =	vadd.f32 v8, v5;
	v15 =	vld [tilespmem:s2+$0x5270]  }
0x135: {  	v7 =	vmul.f32 $1.131370830e+01, v7;
	v9 =	vadd.f32 v9, v4;
	v16 =	vld [tilespmem:s2+$0x7200]  }
0x136: {  	[tilespmem:s2+$0x5200] =	vst v6;
	v6 =	vmul.f32 $1.131370830e+01, v8;
	v8 =	vadd.f32 v10, v3;
	v10 =	vld [tilespmem:s2+$0x7210]  }
.Ltmp3:
0x137: {  	[tilespmem:s2+$0x5210] =	vst v7;
	v9 =	vmul.f32 $1.131370830e+01, v9;
	v11 =	vadd.f32 v11, v2;
	v7 =	vld [tilespmem:s2+$0x7220];
	(pc) =	sbr.rel @p0 .LBB2_8-.Ltmp3, $4  }
0x138: {  	[tilespmem:s2+$0x5220] =	vst v6;
	v17 =	vmul.f32 $1.131370830e+01, v8;
	v13 =	vadd.f32 v13, v1;
	v6 =	vld [tilespmem:s2+$0x7230]  }
0x139: {  	[tilespmem:s2+$0x5230] =	vst v9;
	v11 =	vmul.f32 $1.131370830e+01, v11;
	v15 =	vadd.f32 v15, v0;
	v8 =	vld [tilespmem:s2+$0x7240]  }
0x13a: {  	[tilespmem:s2+$0x5240] =	vst v17;
	v13 =	vmul.f32 $1.131370830e+01, v13;
	v14 =	vadd.f32 v16, v14;
	v9 =	vld [tilespmem:s2+$0x7250]  }
0x13b: {  	s26 =	sadd.s32 $0x200, s26;
	[tilespmem:s2+$0x5250] =	vst v11;
	v11 =	vmul.f32 $1.131370830e+01, v15;
	v12 =	vadd.f32 v10, v12;
	v10 =	vld [tilespmem:s2+$0x7260]  }
0x13c: {  	[tilespmem:s2+$0x5260] =	vst v13;
	v61 =	vmul.f32 $1.131370830e+01, v14;
	v5 =	vadd.f32 v7, v5;
	v62 =	vld [tilespmem:s2+$0x7270]  }
0x13d: {  	[tilespmem:s2+$0x5270] =	vst v11;
	v63 =	vmul.f32 $1.131370830e+01, v12;
	v4 =	vadd.f32 v6, v4  }
0x13e: {  	[tilespmem:s2+$0x7200] =	vst v61;
	v5 =	vmul.f32 $1.131370830e+01, v5;
	v3 =	vadd.f32 v8, v3  }
0x13f: {  	[tilespmem:s2+$0x7210] =	vst v63;
	v4 =	vmul.f32 $1.131370830e+01, v4;
	v2 =	vadd.f32 v9, v2  }
0x140: {  	[tilespmem:s2+$0x7220] =	vst v5;
	v3 =	vmul.f32 $1.131370830e+01, v3;
	v1 =	vadd.f32 v10, v1  }
0x141: {  	[tilespmem:s2+$0x7230] =	vst v4;
	v2 =	vmul.f32 $1.131370830e+01, v2;
	v0 =	vadd.f32 v62, v0  }
0x142: {  	[tilespmem:s2+$0x7240] =	vst v3;
	v1 =	vmul.f32 $1.131370830e+01, v1  }
0x143: {  	[tilespmem:s2+$0x7250] =	vst v2;
	v0 =	vmul.f32 $1.131370830e+01, v0  }
0x144: {  	[tilespmem:s2+$0x7260] =	vst v1  }
0x145: {  	s29 =	rddreg [dreg:$0xe];
	s4 =	simm.s32 $0x5200;
	[tilespmem:s2+$0x7270] =	vst v0  }
0x146: {  	[hbm4b:s29+s3] =	stream.linear.scatter [tilespmem:s4], [sflag:$0x12], $0x1000, $0x38;
	[tilespmem:$0xA200] =	vst v63  }
0x147: {  	s5 =	rddreg [dreg:$0xf];
	s26 =	simm.s32 $0x7200  }
0x148: {  	[hbm4b:s5+s3] =	stream.linear.scatter [tilespmem:s26], [sflag:$0x14], $0x1000, $0x38;
	[tilespmem:$0xA200] =	vst v63  }
0x149: {  	_ =	swait.ge [sflag:s25], $0x1000  }
0x14a: {  	[sflag:s25] =	ssyncset.done $0x0  }
0x14b: {  	[sflag:s25] =	ssyncadd.s32 $0xFFFFF000  }
0x14c: {  	_ =	swait.ge [sflag:s12], $0x1000  }
0x14d: {  	[sflag:s12] =	ssyncset.done $0x0  }
0x14e: {  	[sflag:s12] =	ssyncadd.s32 $0xFFFFF000  }
0x14f: {  	_ =	swait.ge [sflag:s13], $0x1000  }
0x150: {  	[sflag:s13] =	ssyncset.done $0x0  }
0x151: {  	[sflag:s13] =	ssyncadd.s32 $0xFFFFF000  }
0x152: {  	_ =	swait.ge [sflag:s28], $0x1000  }
0x153: {  	[sflag:s28] =	ssyncset.done $0x0  }
0x154: {  	[sflag:s28] =	ssyncadd.s32 $0xFFFFF000  }
0x155: {  	_ =	swait.ge [sflag:s14], $0x1000  }
0x156: {  	[sflag:s14] =	ssyncset.done $0x0  }
0x157: {  	[sflag:s14] =	ssyncadd.s32 $0xFFFFF000  }
0x158: {  	_ =	swait.ge [sflag:s15], $0x1000  }
0x159: {  	[sflag:s15] =	ssyncset.done $0x0  }
0x15a: {  	[sflag:s15] =	ssyncadd.s32 $0xFFFFF000  }
0x15b: {  	_ =	swait.ge [sflag:s30], $0x1000  }
0x15c: {  	[sflag:s30] =	ssyncset.done $0x0  }
0x15d: {  	[sflag:s30] =	ssyncadd.s32 $0xFFFFF000  }
0x15e: {  	_ =	swait.ge [sflag:s16], $0x1000  }
0x15f: {  	s17 =	sadd.s32 $0x1, s17;
	s29 =	rddreg [dreg:$0x10]  }
0x160: {  	p0 =	sne.s32 s17, s29  }
.Ltmp4:
0x161: {  	_ = 	snop;
	(pc) =	sbr.rel @p0 .LBB2_1-.Ltmp4, $3  }
0x162: {  	_ =	sdelay $0x1  }
0x163: {  	[sflag:s16] =	ssyncset.done $0x0  }
0x164: {  	[sflag:s16] =	ssyncadd.s32 $0xFFFFF000  }
0x165: {  	_ =	sfence.sel $0x180000  }
0x166: {  	[bflag:$0x0] =	sbarrier.arrive $0xFFFF  }
0x167: {  	_ =	strace $0x90000047  }
0x168: {  	s0 =	stileid.u32;
	[bflag:$0x2] =	sbarrier.arrive $0xFFFF  }
0x169: {  	p0 =	sne.s32 s0, $0x0;
	s0 =	rddreg [dreg:$0x4]  }
0x16a: {  	s0 =	sadd.s32 @!p0 $0x100000, s0  }
0x16b: {  	[sflag:s0] =	ssyncadd.tile.s32 @!p0 $0x1;
	_ =	shalt  }
.Lfunc_end2:
_tile_overlayer_lowered:
.L_overlay_start_2:
0x16c: {  	(tag) =	ssettag $0x2  }
0x16d: {  	s0 =	rddreg [dreg:$0x0];
	s2 =	stileid.u32  }
0x16e: {  	s1 =	rddreg [dreg:$0x1];
	p0 =	sne.s32 s2, $0x0  }
0x16f: {  	s3 =	rddreg [dreg:$0x2];
	[bflag:$0x3] =	sbarrier.arrive $0xFFFF;
	s2 =	simm.s32 @!p0 $0x1C16  }
0x170: {  	[timem:s3], [sflag:s2] =	dma.local @!p0 [hbm:s0], s1  }
0x171: {  	s0 =	simm.s32 @!p0 $0x16  }
0x172: {  	_ =	swait.ge @!p0 [sflag:s0], s1  }
0x173: {  	s1 =	ssub.s32 @!p0 $0x0, s1;
	[sflag:s0] =	ssyncset.done @!p0 $0x0  }
0x174: {  	[sflag:s0] =	ssyncadd.s32 @!p0 s1  }
0x175: {  	[bflag:$0x3] =	sbarrier.arrive $0xFFFF  }
0x176: {  	_ =	shalt  }

</sc_bundles>
